<compile_context>
chip_gen: v7x
topology: tpu7x:2x2x1
jax: 0.10.2.dev20260603
libtpu: 0.0.44.dev20260713+nightly
codegen_flags: <defaults>
</compile_context>

<pallas_src>
import jax
import jax.numpy as jnp
from jax import lax
from jax.experimental import pallas as pl
from jax.experimental.pallas import tpu as pltpu, tpu_sc as plsc

N_STATIONS = 256
N_FORECAST = 730
N_STEPS = 81
F_DIM = 4
N_CELLS = N_STATIONS * N_FORECAST * N_STEPS

NC = 2
NS = 16
NW = NC * NS
LANES = 16


def _emos_body(wtab, btab, featT, sid, fid, tid, out_hbm,
               sid_v, fid_v, tid_v, feat_v, idxw, idxb, wc, brows, out_v,
               semw, semb):
    spt = out_v.shape[0]
    n_groups = spt // LANES
    blk = spt // 128
    n_chunks = 9 * blk

    wid = lax.axis_index("s") * NC + lax.axis_index("c")
    base = wid * spt

    pltpu.sync_copy(sid.at[pl.ds(base, spt)], sid_v)
    pltpu.sync_copy(fid.at[pl.ds(base, spt)], fid_v)
    pltpu.sync_copy(tid.at[pl.ds(base, spt)], tid_v)
    for c in range(F_DIM):
        pltpu.sync_copy(featT.at[c, pl.ds(base, spt)], feat_v.at[c])

    def idx_body(g, carry):
        off = g * LANES
        s = sid_v[pl.ds(off, LANES)]
        f = fid_v[pl.ds(off, LANES)]
        t = tid_v[pl.ds(off, LANES)]
        f0 = jnp.where(f == 0, N_FORECAST - 1, f - 1) * N_STEPS
        f1 = f * N_STEPS
        f2 = jnp.where(f == N_FORECAST - 1, 0, f + 1) * N_STEPS
        t0 = jnp.where(t == 0, t, t - 1)
        t2 = jnp.where(t == N_STEPS - 1, t, t + 1)
        sw = lax.shift_right_logical(s, 7) * 512 + lax.bitwise_and(s, 127)
        row0 = g // 8
        col = (g % 8) * LANES
        m = 0
        for fr in (f0, f1, f2):
            for tc in (t0, t, t2):
                ft = fr + tc
                row = m * blk + row0
                idxb[row, pl.ds(col, LANES)] = ft * 256 + s
                w0 = ft * 1024 + sw
                for c in range(F_DIM):
                    idxw[c, row, pl.ds(col, LANES)] = w0 + c * 128
                m += 1
        return carry

    lax.fori_loop(0, n_groups, idx_body, 0)

    def gather_start(r):
        for c in range(F_DIM):
            pltpu.make_async_copy(wtab.at[idxw.at[c, r]], wc.at[c, r], semw).start()
        pltpu.make_async_copy(btab.at[0].at[idxb.at[r]], brows.at[r], semb).start()

    def gather_wait(r):
        for c in range(F_DIM):
            pltpu.make_async_copy(wtab.at[idxw.at[c, r]], wc.at[c, r], semw).wait()
        pltpu.make_async_copy(btab.at[0].at[idxb.at[r]], brows.at[r], semb).wait()

    depth = 4
    for r in range(depth):
        gather_start(r)

    def gather_body(r, carry):
        gather_start(r + depth)
        gather_wait(r)
        return carry

    lax.fori_loop(0, n_chunks - depth, gather_body, 0)
    for r in range(n_chunks - depth, n_chunks):
        gather_wait(r)

    def comp_body(g, carry):
        i0 = g * LANES
        row0 = g // 8
        col = (g % 8) * LANES
        pred = jnp.zeros(LANES, jnp.float32)
        for c in range(F_DIM):
            acc = jnp.zeros(LANES, jnp.float32)
            for m in range(9):
                acc = acc + wc[c, m * blk + row0, pl.ds(col, LANES)]
            pred = pred + acc * feat_v[c, pl.ds(i0, LANES)]
        accb = jnp.zeros(LANES, jnp.float32)
        for m in range(9):
            accb = accb + brows[m * blk + row0, pl.ds(col, LANES)]
        out_v[pl.ds(i0, LANES)] = (pred + accb) * jnp.float32(1.0 / 9.0)
        return carry

    lax.fori_loop(0, n_groups, comp_body, 0)

    pltpu.sync_copy(out_v, out_hbm.at[pl.ds(base, spt)])


def kernel(features, station_id, forecast_id, step_id, weights, biases):
    b = features.shape[0]
    spt = b // NW
    n_chunks = (9 * spt) // 128
    nft = N_FORECAST * N_STEPS
    wtab = (weights.transpose(1, 2, 3, 0)
            .reshape(nft, F_DIM, N_STATIONS // 128, 128)
            .transpose(0, 2, 1, 3)
            .reshape(N_CELLS * F_DIM))
    btab = (biases.reshape(N_STATIONS // 128, 128, nft)
            .transpose(2, 0, 1)
            .reshape(1, N_CELLS))
    featT = features.T

    mesh = plsc.VectorSubcoreMesh(core_axis_name="c", subcore_axis_name="s",
                              num_cores=NC, num_subcores=NS)
    run = pl.kernel(
        _emos_body,
        out_type=jax.ShapeDtypeStruct((b,), jnp.float32),
        mesh=mesh,
        scratch_types=[
            pltpu.VMEM((spt,), jnp.int32),
            pltpu.VMEM((spt,), jnp.int32),
            pltpu.VMEM((spt,), jnp.int32),
            pltpu.VMEM((F_DIM, spt), jnp.float32),
            pltpu.VMEM((F_DIM, n_chunks, 128), jnp.int32),
            pltpu.VMEM((n_chunks, 128), jnp.int32),
            pltpu.VMEM((F_DIM, n_chunks, 128), jnp.float32),
            pltpu.VMEM((n_chunks, 128), jnp.float32),
            pltpu.VMEM((spt,), jnp.float32),
            pltpu.SemaphoreType.DMA,
            pltpu.SemaphoreType.DMA,
        ],
    )
    return run(wtab, btab, featT,
               station_id.astype(jnp.int32),
               forecast_id.astype(jnp.int32),
               step_id.astype(jnp.int32))

# --- scband reference (transcript-rebuilt; emitter-appended) ---
"""Pipeline reference for scband-emos-22952305230317 (READ-ONLY COPY).

The authoritative reference and input builder live on the scoring server;
editing this copy changes nothing except your own understanding.
"""

import jax, jax.numpy as jnp
import numpy as np

N_STATIONS = 256
IN_FEATURES = 4
N_FORECAST = 730
N_STEPS = 81
FFS = 3   # forecast_filter_size
FFD = 1   # forecast_filter_dilation
LFS = 3   # lead_filter_size
LFD = 1   # lead_filter_dilation
B = 16384


def setup_inputs(seed: int = 0) -> dict:
    key = jax.random.key(seed)
    k1, k2, k3, k4 = jax.random.split(key, 4)
    features = jax.random.normal(k1, (B, IN_FEATURES), dtype=jnp.float32)
    station_id = jax.random.randint(k2, (B,), 0, N_STATIONS)
    forecast_id = jax.random.randint(k3, (B,), 0, N_FORECAST)
    step_id = jax.random.randint(k4, (B,), 0, N_STEPS)
    # Parameters initialized exactly like the torch module: zeros, weights[..., 0] = 1.0
    weights = jnp.zeros((N_STATIONS, N_FORECAST, N_STEPS, IN_FEATURES), dtype=jnp.float32)
    weights = weights.at[..., 0].set(1.0)
    biases = jnp.zeros((N_STATIONS, N_FORECAST, N_STEPS, 1), dtype=jnp.float32)
    return {
        "features": features,
        "station_id": station_id,
        "forecast_id": forecast_id,
        "step_id": step_id,
        "weights": weights,
        "biases": biases,
    }


def reference(features, station_id, forecast_id, step_id, weights, biases):
    b = features.shape[0]
    # station selector: (B, FFS, LFS)
    station_selector = jnp.broadcast_to(station_id[:, None, None], (b, FFS, LFS))
    # forecast selector: arange over the filter window, centered, wrapped circularly
    f_off = jnp.arange(0, FFS * FFD, FFD)
    forecast_selector = f_off[None, :] + forecast_id[:, None] - (FFS * FFD) // 2
    forecast_selector = forecast_selector % N_FORECAST
    forecast_selector = jnp.broadcast_to(forecast_selector[:, :, None], (b, FFS, LFS))
    # step selector: arange over the filter window, centered, clamped to the valid step
    s_off = jnp.arange(0, LFS * LFD, LFD)
    step_selector = s_off[None, :] + step_id[:, None] - (LFS * LFD) // 2
    invalid_step_mask = (step_selector < 0) | (step_selector >= N_STEPS)
    step_selector = jnp.where(
        invalid_step_mask,
        jnp.broadcast_to(step_id[:, None], step_selector.shape),
        step_selector,
    )
    step_selector = jnp.broadcast_to(step_selector[:, None, :], (b, FFS, LFS))
    # fancy-index gather from the big parameter tables
    gathered_weights = weights[station_selector, forecast_selector, step_selector]  # (B, FFS, LFS, F)
    gathered_biases = biases[station_selector, forecast_selector, step_selector]    # (B, FFS, LFS, 1)
    f = features[:, None, None, :]
    pred = (gathered_weights * f).mean(axis=(1, 2)).sum(axis=1)
    pred = pred + gathered_biases.mean(axis=(1, 2)).squeeze(-1)
    return pred

if __name__ == "__main__":
    import jax
    _d = setup_inputs()
    print(jax.jit(kernel)(*tuple(_d.values())))

</pallas_src>

<mosaic_0001>
#map = affine_map<(d0, d1) -> (0)>
#map1 = affine_map<(d0, d1) -> (0, 0)>
module attributes {stable_mosaic.version = 14 : i64} {
  func.func @_emos_body(%arg0: i32, %arg1: i32, %arg2: memref<60549120xf32, #tpu.memory_space<hbm>>, %arg3: memref<1x15137280xf32, #tpu.memory_space<hbm>>, %arg4: memref<4x16384xf32, #tpu.memory_space<hbm>>, %arg5: memref<16384xi32, #tpu.memory_space<hbm>>, %arg6: memref<16384xi32, #tpu.memory_space<hbm>>, %arg7: memref<16384xi32, #tpu.memory_space<hbm>>, %arg8: memref<16384xf32, #tpu.memory_space<hbm>>, %arg9: memref<512xi32, #tpu.memory_space<vmem>>, %arg10: memref<512xi32, #tpu.memory_space<vmem>>, %arg11: memref<512xi32, #tpu.memory_space<vmem>>, %arg12: memref<4x512xf32, #tpu.memory_space<vmem>>, %arg13: memref<4x36x128xi32, #tpu.memory_space<vmem>>, %arg14: memref<36x128xi32, #tpu.memory_space<vmem>>, %arg15: memref<4x36x128xf32, #tpu.memory_space<vmem>>, %arg16: memref<36x128xf32, #tpu.memory_space<vmem>>, %arg17: memref<512xf32, #tpu.memory_space<vmem>>, %arg18: memref<!tpu.dma_semaphore, #tpu.memory_space<semaphore_mem>>, %arg19: memref<!tpu.dma_semaphore, #tpu.memory_space<semaphore_mem>>) attributes {dimension_semantics = [#tpu.dimension_semantics<core_parallel>, #tpu.dimension_semantics<subcore_parallel>], iteration_bounds = array<i64: 2, 16>, scalar_prefetch = 0 : i64, scratch_operands = 11 : i64, tpu.core_type = #tpu.core_type<sc_vector_subcore>, window_params = [{transform_indices = #map}, {transform_indices = #map1}, {transform_indices = #map1}, {transform_indices = #map}, {transform_indices = #map}, {transform_indices = #map}, {transform_indices = #map}]} {
    %mul3A = arith.constant 2 : i32
    %mul3A_0 = arith.muli %arg1, %mul3A : i32
    %add3A = arith.addi %mul3A_0, %arg0 : i32
    %mul3A_1 = arith.constant 512 : i32
    %mul3A_2 = arith.muli %add3A, %mul3A_1 : i32
    "tpu.region"() ({
      %run_scoped3A_521 = tpu.sem_alloc : memref<!tpu.dma_semaphore, #tpu.memory_space<semaphore_mem>>
      %dma_start3A_522 = tpu.memref_slice %arg5[%mul3A_2] : memref<16384xi32, #tpu.memory_space<hbm>> -> memref<512xi32, #tpu.memory_space<hbm>>
      %dma_start3A_523 = tpu.memref_slice %arg5[%mul3A_2] : memref<16384xi32, #tpu.memory_space<hbm>> -> memref<512xi32, #tpu.memory_space<hbm>>
      tpu.enqueue_dma source(%dma_start3A_523 : memref<512xi32, #tpu.memory_space<hbm>>) target(%arg9 : memref<512xi32, #tpu.memory_space<vmem>>) target_semaphore(%run_scoped3A_521 : memref<!tpu.dma_semaphore, #tpu.memory_space<semaphore_mem>>)
      %dma_wait3A_524 = tpu.memref_slice %arg5[%mul3A_2] : memref<16384xi32, #tpu.memory_space<hbm>> -> memref<512xi32, #tpu.memory_space<hbm>>
      %dma_wait3A_525 = tpu.memref_slice %arg5[%mul3A_2] : memref<16384xi32, #tpu.memory_space<hbm>> -> memref<512xi32, #tpu.memory_space<hbm>>
      tpu.wait_dma2 semaphore(%run_scoped3A_521 : memref<!tpu.dma_semaphore, #tpu.memory_space<semaphore_mem>>) src(%dma_wait3A_525 : memref<512xi32, #tpu.memory_space<hbm>>) dst(%arg9 : memref<512xi32, #tpu.memory_space<vmem>>)
      tpu.yield
    }) : () -> ()
    "tpu.region"() ({
      %run_scoped3A_521 = tpu.sem_alloc : memref<!tpu.dma_semaphore, #tpu.memory_space<semaphore_mem>>
      %dma_start3A_522 = tpu.memref_slice %arg6[%mul3A_2] : memref<16384xi32, #tpu.memory_space<hbm>> -> memref<512xi32, #tpu.memory_space<hbm>>
      %dma_start3A_523 = tpu.memref_slice %arg6[%mul3A_2] : memref<16384xi32, #tpu.memory_space<hbm>> -> memref<512xi32, #tpu.memory_space<hbm>>
      tpu.enqueue_dma source(%dma_start3A_523 : memref<512xi32, #tpu.memory_space<hbm>>) target(%arg10 : memref<512xi32, #tpu.memory_space<vmem>>) target_semaphore(%run_scoped3A_521 : memref<!tpu.dma_semaphore, #tpu.memory_space<semaphore_mem>>)
      %dma_wait3A_524 = tpu.memref_slice %arg6[%mul3A_2] : memref<16384xi32, #tpu.memory_space<hbm>> -> memref<512xi32, #tpu.memory_space<hbm>>
      %dma_wait3A_525 = tpu.memref_slice %arg6[%mul3A_2] : memref<16384xi32, #tpu.memory_space<hbm>> -> memref<512xi32, #tpu.memory_space<hbm>>
      tpu.wait_dma2 semaphore(%run_scoped3A_521 : memref<!tpu.dma_semaphore, #tpu.memory_space<semaphore_mem>>) src(%dma_wait3A_525 : memref<512xi32, #tpu.memory_space<hbm>>) dst(%arg10 : memref<512xi32, #tpu.memory_space<vmem>>)
      tpu.yield
    }) : () -> ()
    "tpu.region"() ({
      %run_scoped3A_521 = tpu.sem_alloc : memref<!tpu.dma_semaphore, #tpu.memory_space<semaphore_mem>>
      %dma_start3A_522 = tpu.memref_slice %arg7[%mul3A_2] : memref<16384xi32, #tpu.memory_space<hbm>> -> memref<512xi32, #tpu.memory_space<hbm>>
      %dma_start3A_523 = tpu.memref_slice %arg7[%mul3A_2] : memref<16384xi32, #tpu.memory_space<hbm>> -> memref<512xi32, #tpu.memory_space<hbm>>
      tpu.enqueue_dma source(%dma_start3A_523 : memref<512xi32, #tpu.memory_space<hbm>>) target(%arg11 : memref<512xi32, #tpu.memory_space<vmem>>) target_semaphore(%run_scoped3A_521 : memref<!tpu.dma_semaphore, #tpu.memory_space<semaphore_mem>>)
      %dma_wait3A_524 = tpu.memref_slice %arg7[%mul3A_2] : memref<16384xi32, #tpu.memory_space<hbm>> -> memref<512xi32, #tpu.memory_space<hbm>>
      %dma_wait3A_525 = tpu.memref_slice %arg7[%mul3A_2] : memref<16384xi32, #tpu.memory_space<hbm>> -> memref<512xi32, #tpu.memory_space<hbm>>
      tpu.wait_dma2 semaphore(%run_scoped3A_521 : memref<!tpu.dma_semaphore, #tpu.memory_space<semaphore_mem>>) src(%dma_wait3A_525 : memref<512xi32, #tpu.memory_space<hbm>>) dst(%arg11 : memref<512xi32, #tpu.memory_space<vmem>>)
      tpu.yield
    }) : () -> ()
    %run_scoped3A = arith.constant 0 : i32
    %run_scoped3A_3 = arith.constant 0 : i32
    "tpu.region"() ({
      %run_scoped3A_521 = tpu.sem_alloc : memref<!tpu.dma_semaphore, #tpu.memory_space<semaphore_mem>>
      %dma_start3A_522 = arith.constant 0 : i32
      %dma_start3A_523 = tpu.memref_slice %arg12[%run_scoped3A_3, %dma_start3A_522] : memref<4x512xf32, #tpu.memory_space<vmem>> -> memref<1x512xf32, #tpu.memory_space<vmem>>
      %dma_start3A_524 = tpu.memref_squeeze %dma_start3A_523 : memref<1x512xf32, #tpu.memory_space<vmem>> -> memref<512xf32, #tpu.memory_space<vmem>>
      %dma_start3A_525 = tpu.memref_slice %arg4[%run_scoped3A, %mul3A_2] : memref<4x16384xf32, #tpu.memory_space<hbm>> -> memref<1x512xf32, #tpu.memory_space<hbm>>
      %dma_start3A_526 = tpu.memref_squeeze %dma_start3A_525 : memref<1x512xf32, #tpu.memory_space<hbm>> -> memref<512xf32, #tpu.memory_space<hbm>>
      %dma_start3A_527 = arith.constant 0 : i32
      %dma_start3A_528 = tpu.memref_slice %arg12[%run_scoped3A_3, %dma_start3A_527] : memref<4x512xf32, #tpu.memory_space<vmem>> -> memref<1x512xf32, #tpu.memory_space<vmem>>
      %dma_start3A_529 = tpu.memref_squeeze %dma_start3A_528 : memref<1x512xf32, #tpu.memory_space<vmem>> -> memref<512xf32, #tpu.memory_space<vmem>>
      %dma_start3A_530 = tpu.memref_slice %arg4[%run_scoped3A, %mul3A_2] : memref<4x16384xf32, #tpu.memory_space<hbm>> -> memref<1x512xf32, #tpu.memory_space<hbm>>
      %dma_start3A_531 = tpu.memref_squeeze %dma_start3A_530 : memref<1x512xf32, #tpu.memory_space<hbm>> -> memref<512xf32, #tpu.memory_space<hbm>>
      tpu.enqueue_dma source(%dma_start3A_531 : memref<512xf32, #tpu.memory_space<hbm>>) target(%dma_start3A_529 : memref<512xf32, #tpu.memory_space<vmem>>) target_semaphore(%run_scoped3A_521 : memref<!tpu.dma_semaphore, #tpu.memory_space<semaphore_mem>>)
      %dma_wait3A_532 = arith.constant 0 : i32
      %dma_wait3A_533 = tpu.memref_slice %arg12[%run_scoped3A_3, %dma_wait3A_532] : memref<4x512xf32, #tpu.memory_space<vmem>> -> memref<1x512xf32, #tpu.memory_space<vmem>>
      %dma_wait3A_534 = tpu.memref_squeeze %dma_wait3A_533 : memref<1x512xf32, #tpu.memory_space<vmem>> -> memref<512xf32, #tpu.memory_space<vmem>>
      %dma_wait3A_535 = tpu.memref_slice %arg4[%run_scoped3A, %mul3A_2] : memref<4x16384xf32, #tpu.memory_space<hbm>> -> memref<1x512xf32, #tpu.memory_space<hbm>>
      %dma_wait3A_536 = tpu.memref_squeeze %dma_wait3A_535 : memref<1x512xf32, #tpu.memory_space<hbm>> -> memref<512xf32, #tpu.memory_space<hbm>>
      %dma_wait3A_537 = arith.constant 0 : i32
      %dma_wait3A_538 = tpu.memref_slice %arg12[%run_scoped3A_3, %dma_wait3A_537] : memref<4x512xf32, #tpu.memory_space<vmem>> -> memref<1x512xf32, #tpu.memory_space<vmem>>
      %dma_wait3A_539 = tpu.memref_squeeze %dma_wait3A_538 : memref<1x512xf32, #tpu.memory_space<vmem>> -> memref<512xf32, #tpu.memory_space<vmem>>
      %dma_wait3A_540 = tpu.memref_slice %arg4[%run_scoped3A, %mul3A_2] : memref<4x16384xf32, #tpu.memory_space<hbm>> -> memref<1x512xf32, #tpu.memory_space<hbm>>
      %dma_wait3A_541 = tpu.memref_squeeze %dma_wait3A_540 : memref<1x512xf32, #tpu.memory_space<hbm>> -> memref<512xf32, #tpu.memory_space<hbm>>
      tpu.wait_dma2 semaphore(%run_scoped3A_521 : memref<!tpu.dma_semaphore, #tpu.memory_space<semaphore_mem>>) src(%dma_wait3A_541 : memref<512xf32, #tpu.memory_space<hbm>>) dst(%dma_wait3A_539 : memref<512xf32, #tpu.memory_space<vmem>>)
      tpu.yield
    }) : () -> ()
    %run_scoped3A_4 = arith.constant 1 : i32
    %run_scoped3A_5 = arith.constant 1 : i32
    "tpu.region"() ({
      %run_scoped3A_521 = tpu.sem_alloc : memref<!tpu.dma_semaphore, #tpu.memory_space<semaphore_mem>>
      %dma_start3A_522 = arith.constant 0 : i32
      %dma_start3A_523 = tpu.memref_slice %arg12[%run_scoped3A_5, %dma_start3A_522] : memref<4x512xf32, #tpu.memory_space<vmem>> -> memref<1x512xf32, #tpu.memory_space<vmem>>
      %dma_start3A_524 = tpu.memref_squeeze %dma_start3A_523 : memref<1x512xf32, #tpu.memory_space<vmem>> -> memref<512xf32, #tpu.memory_space<vmem>>
      %dma_start3A_525 = tpu.memref_slice %arg4[%run_scoped3A_4, %mul3A_2] : memref<4x16384xf32, #tpu.memory_space<hbm>> -> memref<1x512xf32, #tpu.memory_space<hbm>>
      %dma_start3A_526 = tpu.memref_squeeze %dma_start3A_525 : memref<1x512xf32, #tpu.memory_space<hbm>> -> memref<512xf32, #tpu.memory_space<hbm>>
      %dma_start3A_527 = arith.constant 0 : i32
      %dma_start3A_528 = tpu.memref_slice %arg12[%run_scoped3A_5, %dma_start3A_527] : memref<4x512xf32, #tpu.memory_space<vmem>> -> memref<1x512xf32, #tpu.memory_space<vmem>>
      %dma_start3A_529 = tpu.memref_squeeze %dma_start3A_528 : memref<1x512xf32, #tpu.memory_space<vmem>> -> memref<512xf32, #tpu.memory_space<vmem>>
      %dma_start3A_530 = tpu.memref_slice %arg4[%run_scoped3A_4, %mul3A_2] : memref<4x16384xf32, #tpu.memory_space<hbm>> -> memref<1x512xf32, #tpu.memory_space<hbm>>
      %dma_start3A_531 = tpu.memref_squeeze %dma_start3A_530 : memref<1x512xf32, #tpu.memory_space<hbm>> -> memref<512xf32, #tpu.memory_space<hbm>>
      tpu.enqueue_dma source(%dma_start3A_531 : memref<512xf32, #tpu.memory_space<hbm>>) target(%dma_start3A_529 : memref<512xf32, #tpu.memory_space<vmem>>) target_semaphore(%run_scoped3A_521 : memref<!tpu.dma_semaphore, #tpu.memory_space<semaphore_mem>>)
      %dma_wait3A_532 = arith.constant 0 : i32
      %dma_wait3A_533 = tpu.memref_slice %arg12[%run_scoped3A_5, %dma_wait3A_532] : memref<4x512xf32, #tpu.memory_space<vmem>> -> memref<1x512xf32, #tpu.memory_space<vmem>>
      %dma_wait3A_534 = tpu.memref_squeeze %dma_wait3A_533 : memref<1x512xf32, #tpu.memory_space<vmem>> -> memref<512xf32, #tpu.memory_space<vmem>>
      %dma_wait3A_535 = tpu.memref_slice %arg4[%run_scoped3A_4, %mul3A_2] : memref<4x16384xf32, #tpu.memory_space<hbm>> -> memref<1x512xf32, #tpu.memory_space<hbm>>
      %dma_wait3A_536 = tpu.memref_squeeze %dma_wait3A_535 : memref<1x512xf32, #tpu.memory_space<hbm>> -> memref<512xf32, #tpu.memory_space<hbm>>
      %dma_wait3A_537 = arith.constant 0 : i32
      %dma_wait3A_538 = tpu.memref_slice %arg12[%run_scoped3A_5, %dma_wait3A_537] : memref<4x512xf32, #tpu.memory_space<vmem>> -> memref<1x512xf32, #tpu.memory_space<vmem>>
      %dma_wait3A_539 = tpu.memref_squeeze %dma_wait3A_538 : memref<1x512xf32, #tpu.memory_space<vmem>> -> memref<512xf32, #tpu.memory_space<vmem>>
      %dma_wait3A_540 = tpu.memref_slice %arg4[%run_scoped3A_4, %mul3A_2] : memref<4x16384xf32, #tpu.memory_space<hbm>> -> memref<1x512xf32, #tpu.memory_space<hbm>>
      %dma_wait3A_541 = tpu.memref_squeeze %dma_wait3A_540 : memref<1x512xf32, #tpu.memory_space<hbm>> -> memref<512xf32, #tpu.memory_space<hbm>>
      tpu.wait_dma2 semaphore(%run_scoped3A_521 : memref<!tpu.dma_semaphore, #tpu.memory_space<semaphore_mem>>) src(%dma_wait3A_541 : memref<512xf32, #tpu.memory_space<hbm>>) dst(%dma_wait3A_539 : memref<512xf32, #tpu.memory_space<vmem>>)
      tpu.yield
    }) : () -> ()
    %run_scoped3A_6 = arith.constant 2 : i32
    %run_scoped3A_7 = arith.constant 2 : i32
    "tpu.region"() ({
      %run_scoped3A_521 = tpu.sem_alloc : memref<!tpu.dma_semaphore, #tpu.memory_space<semaphore_mem>>
      %dma_start3A_522 = arith.constant 0 : i32
      %dma_start3A_523 = tpu.memref_slice %arg12[%run_scoped3A_7, %dma_start3A_522] : memref<4x512xf32, #tpu.memory_space<vmem>> -> memref<1x512xf32, #tpu.memory_space<vmem>>
      %dma_start3A_524 = tpu.memref_squeeze %dma_start3A_523 : memref<1x512xf32, #tpu.memory_space<vmem>> -> memref<512xf32, #tpu.memory_space<vmem>>
      %dma_start3A_525 = tpu.memref_slice %arg4[%run_scoped3A_6, %mul3A_2] : memref<4x16384xf32, #tpu.memory_space<hbm>> -> memref<1x512xf32, #tpu.memory_space<hbm>>
      %dma_start3A_526 = tpu.memref_squeeze %dma_start3A_525 : memref<1x512xf32, #tpu.memory_space<hbm>> -> memref<512xf32, #tpu.memory_space<hbm>>
      %dma_start3A_527 = arith.constant 0 : i32
      %dma_start3A_528 = tpu.memref_slice %arg12[%run_scoped3A_7, %dma_start3A_527] : memref<4x512xf32, #tpu.memory_space<vmem>> -> memref<1x512xf32, #tpu.memory_space<vmem>>
      %dma_start3A_529 = tpu.memref_squeeze %dma_start3A_528 : memref<1x512xf32, #tpu.memory_space<vmem>> -> memref<512xf32, #tpu.memory_space<vmem>>
      %dma_start3A_530 = tpu.memref_slice %arg4[%run_scoped3A_6, %mul3A_2] : memref<4x16384xf32, #tpu.memory_space<hbm>> -> memref<1x512xf32, #tpu.memory_space<hbm>>
      %dma_start3A_531 = tpu.memref_squeeze %dma_start3A_530 : memref<1x512xf32, #tpu.memory_space<hbm>> -> memref<512xf32, #tpu.memory_space<hbm>>
      tpu.enqueue_dma source(%dma_start3A_531 : memref<512xf32, #tpu.memory_space<hbm>>) target(%dma_start3A_529 : memref<512xf32, #tpu.memory_space<vmem>>) target_semaphore(%run_scoped3A_521 : memref<!tpu.dma_semaphore, #tpu.memory_space<semaphore_mem>>)
      %dma_wait3A_532 = arith.constant 0 : i32
      %dma_wait3A_533 = tpu.memref_slice %arg12[%run_scoped3A_7, %dma_wait3A_532] : memref<4x512xf32, #tpu.memory_space<vmem>> -> memref<1x512xf32, #tpu.memory_space<vmem>>
      %dma_wait3A_534 = tpu.memref_squeeze %dma_wait3A_533 : memref<1x512xf32, #tpu.memory_space<vmem>> -> memref<512xf32, #tpu.memory_space<vmem>>
      %dma_wait3A_535 = tpu.memref_slice %arg4[%run_scoped3A_6, %mul3A_2] : memref<4x16384xf32, #tpu.memory_space<hbm>> -> memref<1x512xf32, #tpu.memory_space<hbm>>
      %dma_wait3A_536 = tpu.memref_squeeze %dma_wait3A_535 : memref<1x512xf32, #tpu.memory_space<hbm>> -> memref<512xf32, #tpu.memory_space<hbm>>
      %dma_wait3A_537 = arith.constant 0 : i32
      %dma_wait3A_538 = tpu.memref_slice %arg12[%run_scoped3A_7, %dma_wait3A_537] : memref<4x512xf32, #tpu.memory_space<vmem>> -> memref<1x512xf32, #tpu.memory_space<vmem>>
      %dma_wait3A_539 = tpu.memref_squeeze %dma_wait3A_538 : memref<1x512xf32, #tpu.memory_space<vmem>> -> memref<512xf32, #tpu.memory_space<vmem>>
      %dma_wait3A_540 = tpu.memref_slice %arg4[%run_scoped3A_6, %mul3A_2] : memref<4x16384xf32, #tpu.memory_space<hbm>> -> memref<1x512xf32, #tpu.memory_space<hbm>>
      %dma_wait3A_541 = tpu.memref_squeeze %dma_wait3A_540 : memref<1x512xf32, #tpu.memory_space<hbm>> -> memref<512xf32, #tpu.memory_space<hbm>>
      tpu.wait_dma2 semaphore(%run_scoped3A_521 : memref<!tpu.dma_semaphore, #tpu.memory_space<semaphore_mem>>) src(%dma_wait3A_541 : memref<512xf32, #tpu.memory_space<hbm>>) dst(%dma_wait3A_539 : memref<512xf32, #tpu.memory_space<vmem>>)
      tpu.yield
    }) : () -> ()
    %run_scoped3A_8 = arith.constant 3 : i32
    %run_scoped3A_9 = arith.constant 3 : i32
    "tpu.region"() ({
      %run_scoped3A_521 = tpu.sem_alloc : memref<!tpu.dma_semaphore, #tpu.memory_space<semaphore_mem>>
      %dma_start3A_522 = arith.constant 0 : i32
      %dma_start3A_523 = tpu.memref_slice %arg12[%run_scoped3A_9, %dma_start3A_522] : memref<4x512xf32, #tpu.memory_space<vmem>> -> memref<1x512xf32, #tpu.memory_space<vmem>>
      %dma_start3A_524 = tpu.memref_squeeze %dma_start3A_523 : memref<1x512xf32, #tpu.memory_space<vmem>> -> memref<512xf32, #tpu.memory_space<vmem>>
      %dma_start3A_525 = tpu.memref_slice %arg4[%run_scoped3A_8, %mul3A_2] : memref<4x16384xf32, #tpu.memory_space<hbm>> -> memref<1x512xf32, #tpu.memory_space<hbm>>
      %dma_start3A_526 = tpu.memref_squeeze %dma_start3A_525 : memref<1x512xf32, #tpu.memory_space<hbm>> -> memref<512xf32, #tpu.memory_space<hbm>>
      %dma_start3A_527 = arith.constant 0 : i32
      %dma_start3A_528 = tpu.memref_slice %arg12[%run_scoped3A_9, %dma_start3A_527] : memref<4x512xf32, #tpu.memory_space<vmem>> -> memref<1x512xf32, #tpu.memory_space<vmem>>
      %dma_start3A_529 = tpu.memref_squeeze %dma_start3A_528 : memref<1x512xf32, #tpu.memory_space<vmem>> -> memref<512xf32, #tpu.memory_space<vmem>>
      %dma_start3A_530 = tpu.memref_slice %arg4[%run_scoped3A_8, %mul3A_2] : memref<4x16384xf32, #tpu.memory_space<hbm>> -> memref<1x512xf32, #tpu.memory_space<hbm>>
      %dma_start3A_531 = tpu.memref_squeeze %dma_start3A_530 : memref<1x512xf32, #tpu.memory_space<hbm>> -> memref<512xf32, #tpu.memory_space<hbm>>
      tpu.enqueue_dma source(%dma_start3A_531 : memref<512xf32, #tpu.memory_space<hbm>>) target(%dma_start3A_529 : memref<512xf32, #tpu.memory_space<vmem>>) target_semaphore(%run_scoped3A_521 : memref<!tpu.dma_semaphore, #tpu.memory_space<semaphore_mem>>)
      %dma_wait3A_532 = arith.constant 0 : i32
      %dma_wait3A_533 = tpu.memref_slice %arg12[%run_scoped3A_9, %dma_wait3A_532] : memref<4x512xf32, #tpu.memory_space<vmem>> -> memref<1x512xf32, #tpu.memory_space<vmem>>
      %dma_wait3A_534 = tpu.memref_squeeze %dma_wait3A_533 : memref<1x512xf32, #tpu.memory_space<vmem>> -> memref<512xf32, #tpu.memory_space<vmem>>
      %dma_wait3A_535 = tpu.memref_slice %arg4[%run_scoped3A_8, %mul3A_2] : memref<4x16384xf32, #tpu.memory_space<hbm>> -> memref<1x512xf32, #tpu.memory_space<hbm>>
      %dma_wait3A_536 = tpu.memref_squeeze %dma_wait3A_535 : memref<1x512xf32, #tpu.memory_space<hbm>> -> memref<512xf32, #tpu.memory_space<hbm>>
      %dma_wait3A_537 = arith.constant 0 : i32
      %dma_wait3A_538 = tpu.memref_slice %arg12[%run_scoped3A_9, %dma_wait3A_537] : memref<4x512xf32, #tpu.memory_space<vmem>> -> memref<1x512xf32, #tpu.memory_space<vmem>>
      %dma_wait3A_539 = tpu.memref_squeeze %dma_wait3A_538 : memref<1x512xf32, #tpu.memory_space<vmem>> -> memref<512xf32, #tpu.memory_space<vmem>>
      %dma_wait3A_540 = tpu.memref_slice %arg4[%run_scoped3A_8, %mul3A_2] : memref<4x16384xf32, #tpu.memory_space<hbm>> -> memref<1x512xf32, #tpu.memory_space<hbm>>
      %dma_wait3A_541 = tpu.memref_squeeze %dma_wait3A_540 : memref<1x512xf32, #tpu.memory_space<hbm>> -> memref<512xf32, #tpu.memory_space<hbm>>
      tpu.wait_dma2 semaphore(%run_scoped3A_521 : memref<!tpu.dma_semaphore, #tpu.memory_space<semaphore_mem>>) src(%dma_wait3A_541 : memref<512xf32, #tpu.memory_space<hbm>>) dst(%dma_wait3A_539 : memref<512xf32, #tpu.memory_space<vmem>>)
      tpu.yield
    }) : () -> ()
    %scan3A = arith.constant 0 : i32
    %scan3A_10 = arith.constant 0 : i32
    %scan3A_11 = arith.constant 32 : i32
    %scan3A_12 = arith.addi %scan3A_10, %scan3A_11 : i32
    %scan3A_13 = arith.constant 1 : i32
    scf.for %scan3A_521 = %scan3A_10 to %scan3A_12 step %scan3A_13  : i32 {
      %mul3A_522 = arith.constant 16 : i32
      %mul3A_523 = arith.muli %scan3A_521, %mul3A_522 : i32
      %get3A = arith.index_cast %mul3A_523 : i32 to index
      %get3A_524 = tpu.vector_load %arg9[%get3A] {strides = array<i32>} : memref<512xi32, #tpu.memory_space<vmem>>, vector<16xi32>,
      %get3A_525 = vector.shape_cast %get3A_524 : vector<16xi32> to vector<16xi32>
      %get3A_526 = arith.index_cast %mul3A_523 : i32 to index
      %get3A_527 = tpu.vector_load %arg10[%get3A_526] {strides = array<i32>} : memref<512xi32, #tpu.memory_space<vmem>>, vector<16xi32>,
      %get3A_528 = vector.shape_cast %get3A_527 : vector<16xi32> to vector<16xi32>
      %get3A_529 = arith.index_cast %mul3A_523 : i32 to index
      %get3A_530 = tpu.vector_load %arg11[%get3A_529] {strides = array<i32>} : memref<512xi32, #tpu.memory_space<vmem>>, vector<16xi32>,
      %get3A_531 = vector.shape_cast %get3A_530 : vector<16xi32> to vector<16xi32>
      %eq3A = arith.constant 0 : i32
      %eq3A_532 = vector.broadcast %eq3A : i32 to vector<16xi32>
      %eq3A_533 = arith.cmpi eq, %get3A_528, %eq3A_532 : vector<16xi32>
      %sub3A = arith.constant 1 : i32
      %sub3A_534 = vector.broadcast %sub3A : i32 to vector<16xi32>
      %sub3A_535 = arith.subi %get3A_528, %sub3A_534 : vector<16xi32>
      %jit3A = arith.constant 729 : i32
      %broadcast_in_dim3A = vector.broadcast %jit3A : i32 to vector<16xi32>
      %select_n3A = arith.select %eq3A_533, %broadcast_in_dim3A, %sub3A_535 : vector<16xi1>, vector<16xi32>
      %mul3A_536 = arith.constant 81 : i32
      %mul3A_537 = vector.broadcast %mul3A_536 : i32 to vector<16xi32>
      %mul3A_538 = arith.muli %select_n3A, %mul3A_537 : vector<16xi32>
      %mul3A_539 = arith.constant 81 : i32
      %mul3A_540 = vector.broadcast %mul3A_539 : i32 to vector<16xi32>
      %mul3A_541 = arith.muli %get3A_528, %mul3A_540 : vector<16xi32>
      %eq3A_542 = arith.constant 729 : i32
      %eq3A_543 = vector.broadcast %eq3A_542 : i32 to vector<16xi32>
      %eq3A_544 = arith.cmpi eq, %get3A_528, %eq3A_543 : vector<16xi32>
      %add3A_545 = arith.constant 1 : i32
      %add3A_546 = vector.broadcast %add3A_545 : i32 to vector<16xi32>
      %add3A_547 = arith.addi %get3A_528, %add3A_546 : vector<16xi32>
      %jit3A_548 = arith.constant 0 : i32
      %broadcast_in_dim3A_549 = vector.broadcast %jit3A_548 : i32 to vector<16xi32>
      %select_n3A_550 = arith.select %eq3A_544, %broadcast_in_dim3A_549, %add3A_547 : vector<16xi1>, vector<16xi32>
      %mul3A_551 = arith.constant 81 : i32
      %mul3A_552 = vector.broadcast %mul3A_551 : i32 to vector<16xi32>
      %mul3A_553 = arith.muli %select_n3A_550, %mul3A_552 : vector<16xi32>
      %eq3A_554 = arith.constant 0 : i32
      %eq3A_555 = vector.broadcast %eq3A_554 : i32 to vector<16xi32>
      %eq3A_556 = arith.cmpi eq, %get3A_531, %eq3A_555 : vector<16xi32>
      %sub3A_557 = arith.constant 1 : i32
      %sub3A_558 = vector.broadcast %sub3A_557 : i32 to vector<16xi32>
      %sub3A_559 = arith.subi %get3A_531, %sub3A_558 : vector<16xi32>
      %select_n3A_560 = arith.select %eq3A_556, %get3A_531, %sub3A_559 : vector<16xi1>, vector<16xi32>
      %eq3A_561 = arith.constant 80 : i32
      %eq3A_562 = vector.broadcast %eq3A_561 : i32 to vector<16xi32>
      %eq3A_563 = arith.cmpi eq, %get3A_531, %eq3A_562 : vector<16xi32>
      %add3A_564 = arith.constant 1 : i32
      %add3A_565 = vector.broadcast %add3A_564 : i32 to vector<16xi32>
      %add3A_566 = arith.addi %get3A_531, %add3A_565 : vector<16xi32>
      %select_n3A_567 = arith.select %eq3A_563, %get3A_531, %add3A_566 : vector<16xi1>, vector<16xi32>
      %shift_right_logical3A = arith.constant 7 : i32
      %shift_right_logical3A_568 = vector.broadcast %shift_right_logical3A : i32 to vector<16xi32>
      %shift_right_logical3A_569 = arith.shrui %get3A_525, %shift_right_logical3A_568 : vector<16xi32>
      %mul3A_570 = arith.constant 512 : i32
      %mul3A_571 = vector.broadcast %mul3A_570 : i32 to vector<16xi32>
      %mul3A_572 = arith.muli %shift_right_logical3A_569, %mul3A_571 : vector<16xi32>
      %and3A = arith.constant 127 : i32
      %and3A_573 = vector.broadcast %and3A : i32 to vector<16xi32>
      %and3A_574 = arith.andi %get3A_525, %and3A_573 : vector<16xi32>
      %add3A_575 = arith.addi %mul3A_572, %and3A_574 : vector<16xi32>
      %jit3A_576 = arith.constant 8 : i32
      %div3A = arith.divsi %scan3A_521, %jit3A_576 : i32
      %sign3A = arith.constant 0 : i32
      %sign3A_577 = arith.cmpi sgt, %scan3A_521, %sign3A : i32
      %sign3A_578 = arith.extui %sign3A_577 : i1 to i32
      %sign3A_579 = arith.constant 0 : i32
      %sign3A_580 = arith.cmpi slt, %scan3A_521, %sign3A_579 : i32
      %sign3A_581 = arith.extui %sign3A_580 : i1 to i32
      %sign3A_582 = arith.subi %sign3A_578, %sign3A_581 : i32
      %sign3A_583 = arith.constant 0 : i32
      %sign3A_584 = arith.cmpi sgt, %jit3A_576, %sign3A_583 : i32
      %sign3A_585 = arith.extui %sign3A_584 : i1 to i32
      %sign3A_586 = arith.constant 0 : i32
      %sign3A_587 = arith.cmpi slt, %jit3A_576, %sign3A_586 : i32
      %sign3A_588 = arith.extui %sign3A_587 : i1 to i32
      %sign3A_589 = arith.subi %sign3A_585, %sign3A_588 : i32
      %ne3A = arith.cmpi ne, %sign3A_582, %sign3A_589 : i32
      %rem3A = arith.remsi %scan3A_521, %jit3A_576 : i32
      %ne3A_590 = arith.constant 0 : i32
      %ne3A_591 = arith.cmpi ne, %rem3A, %ne3A_590 : i32
      %and3A_592 = arith.andi %ne3A, %ne3A_591 : i1
      %sub3A_593 = arith.constant 1 : i32
      %sub3A_594 = arith.subi %div3A, %sub3A_593 : i32
      %select_n3A_595 = arith.select %and3A_592, %sub3A_594, %div3A : i32
      %jit3A_596 = arith.constant 8 : i32
      %eq3A_597 = arith.constant 0 : i32
      %eq3A_598 = arith.cmpi eq, %jit3A_596, %eq3A_597 : i32
      %jit3A_599 = arith.constant 1 : i32
      %select_n3A_600 = arith.select %eq3A_598, %jit3A_599, %jit3A_596 : i32
      %rem3A_601 = arith.remsi %scan3A_521, %select_n3A_600 : i32
      %ne3A_602 = arith.constant 0 : i32
      %ne3A_603 = arith.cmpi ne, %rem3A_601, %ne3A_602 : i32
      %lt3A = arith.constant 0 : i32
      %lt3A_604 = arith.cmpi slt, %rem3A_601, %lt3A : i32
      %lt3A_605 = arith.constant 0 : i32
      %lt3A_606 = arith.cmpi slt, %select_n3A_600, %lt3A_605 : i32
      %ne3A_607 = arith.xori %lt3A_604, %lt3A_606 : i1
      %and3A_608 = arith.andi %ne3A_607, %ne3A_603 : i1
      %add3A_609 = arith.addi %rem3A_601, %select_n3A_600 : i32
      %select_n3A_610 = arith.select %and3A_608, %add3A_609, %rem3A_601 : i32
      %mul3A_611 = arith.constant 16 : i32
      %mul3A_612 = arith.muli %select_n3A_610, %mul3A_611 : i32
      %add3A_613 = arith.addi %mul3A_538, %select_n3A_560 : vector<16xi32>
      %add3A_614 = arith.constant 0 : i32
      %add3A_615 = arith.addi %add3A_614, %select_n3A_595 : i32
      %mul3A_616 = arith.constant 256 : i32
      %mul3A_617 = vector.broadcast %mul3A_616 : i32 to vector<16xi32>
      %mul3A_618 = arith.muli %add3A_613, %mul3A_617 : vector<16xi32>
      %add3A_619 = arith.addi %mul3A_618, %get3A_525 : vector<16xi32>
      %swap3A = arith.index_cast %add3A_615 : i32 to index
      %swap3A_620 = arith.index_cast %mul3A_612 : i32 to index
      %swap3A_621 = tpu.vector_load %arg14[%swap3A, %swap3A_620] {strides = array<i32>} : memref<36x128xi32, #tpu.memory_space<vmem>>, vector<1x16xi32>,
      %swap3A_622 = vector.shape_cast %swap3A_621 : vector<1x16xi32> to vector<16xi32>
      %swap3A_623 = vector.shape_cast %add3A_619 : vector<16xi32> to vector<1x16xi32>
      tpu.vector_store %arg14[%swap3A, %swap3A_620], %swap3A_623 {strides = array<i32>} : memref<36x128xi32, #tpu.memory_space<vmem>>, vector<1x16xi32>,
      %mul3A_624 = arith.constant 1024 : i32
      %mul3A_625 = vector.broadcast %mul3A_624 : i32 to vector<16xi32>
      %mul3A_626 = arith.muli %add3A_613, %mul3A_625 : vector<16xi32>
      %add3A_627 = arith.addi %mul3A_626, %add3A_575 : vector<16xi32>
      %add3A_628 = arith.constant 0 : i32
      %add3A_629 = vector.broadcast %add3A_628 : i32 to vector<16xi32>
      %add3A_630 = arith.addi %add3A_627, %add3A_629 : vector<16xi32>
      %swap3A_631 = arith.constant 0 : i32
      %swap3A_632 = arith.index_cast %swap3A_631 : i32 to index
      %swap3A_633 = arith.index_cast %add3A_615 : i32 to index
      %swap3A_634 = arith.index_cast %mul3A_612 : i32 to index
      %swap3A_635 = tpu.vector_load %arg13[%swap3A_632, %swap3A_633, %swap3A_634] {strides = array<i32>} : memref<4x36x128xi32, #tpu.memory_space<vmem>>, vector<1x1x16xi32>,
      %swap3A_636 = vector.shape_cast %swap3A_635 : vector<1x1x16xi32> to vector<16xi32>
      %swap3A_637 = vector.shape_cast %add3A_630 : vector<16xi32> to vector<1x1x16xi32>
      tpu.vector_store %arg13[%swap3A_632, %swap3A_633, %swap3A_634], %swap3A_637 {strides = array<i32>} : memref<4x36x128xi32, #tpu.memory_space<vmem>>, vector<1x1x16xi32>,
      %add3A_638 = arith.constant 128 : i32
      %add3A_639 = vector.broadcast %add3A_638 : i32 to vector<16xi32>
      %add3A_640 = arith.addi %add3A_627, %add3A_639 : vector<16xi32>
      %swap3A_641 = arith.constant 1 : i32
      %swap3A_642 = arith.index_cast %swap3A_641 : i32 to index
      %swap3A_643 = arith.index_cast %add3A_615 : i32 to index
      %swap3A_644 = arith.index_cast %mul3A_612 : i32 to index
      %swap3A_645 = tpu.vector_load %arg13[%swap3A_642, %swap3A_643, %swap3A_644] {strides = array<i32>} : memref<4x36x128xi32, #tpu.memory_space<vmem>>, vector<1x1x16xi32>,
      %swap3A_646 = vector.shape_cast %swap3A_645 : vector<1x1x16xi32> to vector<16xi32>
      %swap3A_647 = vector.shape_cast %add3A_640 : vector<16xi32> to vector<1x1x16xi32>
      tpu.vector_store %arg13[%swap3A_642, %swap3A_643, %swap3A_644], %swap3A_647 {strides = array<i32>} : memref<4x36x128xi32, #tpu.memory_space<vmem>>, vector<1x1x16xi32>,
      %add3A_648 = arith.constant 256 : i32
      %add3A_649 = vector.broadcast %add3A_648 : i32 to vector<16xi32>
      %add3A_650 = arith.addi %add3A_627, %add3A_649 : vector<16xi32>
      %swap3A_651 = arith.constant 2 : i32
      %swap3A_652 = arith.index_cast %swap3A_651 : i32 to index
      %swap3A_653 = arith.index_cast %add3A_615 : i32 to index
      %swap3A_654 = arith.index_cast %mul3A_612 : i32 to index
      %swap3A_655 = tpu.vector_load %arg13[%swap3A_652, %swap3A_653, %swap3A_654] {strides = array<i32>} : memref<4x36x128xi32, #tpu.memory_space<vmem>>, vector<1x1x16xi32>,
      %swap3A_656 = vector.shape_cast %swap3A_655 : vector<1x1x16xi32> to vector<16xi32>
      %swap3A_657 = vector.shape_cast %add3A_650 : vector<16xi32> to vector<1x1x16xi32>
      tpu.vector_store %arg13[%swap3A_652, %swap3A_653, %swap3A_654], %swap3A_657 {strides = array<i32>} : memref<4x36x128xi32, #tpu.memory_space<vmem>>, vector<1x1x16xi32>,
      %add3A_658 = arith.constant 384 : i32
      %add3A_659 = vector.broadcast %add3A_658 : i32 to vector<16xi32>
      %add3A_660 = arith.addi %add3A_627, %add3A_659 : vector<16xi32>
      %swap3A_661 = arith.constant 3 : i32
      %swap3A_662 = arith.index_cast %swap3A_661 : i32 to index
      %swap3A_663 = arith.index_cast %add3A_615 : i32 to index
      %swap3A_664 = arith.index_cast %mul3A_612 : i32 to index
      %swap3A_665 = tpu.vector_load %arg13[%swap3A_662, %swap3A_663, %swap3A_664] {strides = array<i32>} : memref<4x36x128xi32, #tpu.memory_space<vmem>>, vector<1x1x16xi32>,
      %swap3A_666 = vector.shape_cast %swap3A_665 : vector<1x1x16xi32> to vector<16xi32>
      %swap3A_667 = vector.shape_cast %add3A_660 : vector<16xi32> to vector<1x1x16xi32>
      tpu.vector_store %arg13[%swap3A_662, %swap3A_663, %swap3A_664], %swap3A_667 {strides = array<i32>} : memref<4x36x128xi32, #tpu.memory_space<vmem>>, vector<1x1x16xi32>,
      %add3A_668 = arith.addi %mul3A_538, %get3A_531 : vector<16xi32>
      %add3A_669 = arith.constant 4 : i32
      %add3A_670 = arith.addi %add3A_669, %select_n3A_595 : i32
      %mul3A_671 = arith.constant 256 : i32
      %mul3A_672 = vector.broadcast %mul3A_671 : i32 to vector<16xi32>
      %mul3A_673 = arith.muli %add3A_668, %mul3A_672 : vector<16xi32>
      %add3A_674 = arith.addi %mul3A_673, %get3A_525 : vector<16xi32>
      %swap3A_675 = arith.index_cast %add3A_670 : i32 to index
      %swap3A_676 = arith.index_cast %mul3A_612 : i32 to index
      %swap3A_677 = tpu.vector_load %arg14[%swap3A_675, %swap3A_676] {strides = array<i32>} : memref<36x128xi32, #tpu.memory_space<vmem>>, vector<1x16xi32>,
      %swap3A_678 = vector.shape_cast %swap3A_677 : vector<1x16xi32> to vector<16xi32>
      %swap3A_679 = vector.shape_cast %add3A_674 : vector<16xi32> to vector<1x16xi32>
      tpu.vector_store %arg14[%swap3A_675, %swap3A_676], %swap3A_679 {strides = array<i32>} : memref<36x128xi32, #tpu.memory_space<vmem>>, vector<1x16xi32>,
      %mul3A_680 = arith.constant 1024 : i32
      %mul3A_681 = vector.broadcast %mul3A_680 : i32 to vector<16xi32>
      %mul3A_682 = arith.muli %add3A_668, %mul3A_681 : vector<16xi32>
      %add3A_683 = arith.addi %mul3A_682, %add3A_575 : vector<16xi32>
      %add3A_684 = arith.constant 0 : i32
      %add3A_685 = vector.broadcast %add3A_684 : i32 to vector<16xi32>
      %add3A_686 = arith.addi %add3A_683, %add3A_685 : vector<16xi32>
      %swap3A_687 = arith.constant 0 : i32
      %swap3A_688 = arith.index_cast %swap3A_687 : i32 to index
      %swap3A_689 = arith.index_cast %add3A_670 : i32 to index
      %swap3A_690 = arith.index_cast %mul3A_612 : i32 to index
      %swap3A_691 = tpu.vector_load %arg13[%swap3A_688, %swap3A_689, %swap3A_690] {strides = array<i32>} : memref<4x36x128xi32, #tpu.memory_space<vmem>>, vector<1x1x16xi32>,
      %swap3A_692 = vector.shape_cast %swap3A_691 : vector<1x1x16xi32> to vector<16xi32>
      %swap3A_693 = vector.shape_cast %add3A_686 : vector<16xi32> to vector<1x1x16xi32>
      tpu.vector_store %arg13[%swap3A_688, %swap3A_689, %swap3A_690], %swap3A_693 {strides = array<i32>} : memref<4x36x128xi32, #tpu.memory_space<vmem>>, vector<1x1x16xi32>,
      %add3A_694 = arith.constant 128 : i32
      %add3A_695 = vector.broadcast %add3A_694 : i32 to vector<16xi32>
      %add3A_696 = arith.addi %add3A_683, %add3A_695 : vector<16xi32>
      %swap3A_697 = arith.constant 1 : i32
      %swap3A_698 = arith.index_cast %swap3A_697 : i32 to index
      %swap3A_699 = arith.index_cast %add3A_670 : i32 to index
      %swap3A_700 = arith.index_cast %mul3A_612 : i32 to index
      %swap3A_701 = tpu.vector_load %arg13[%swap3A_698, %swap3A_699, %swap3A_700] {strides = array<i32>} : memref<4x36x128xi32, #tpu.memory_space<vmem>>, vector<1x1x16xi32>,
      %swap3A_702 = vector.shape_cast %swap3A_701 : vector<1x1x16xi32> to vector<16xi32>
      %swap3A_703 = vector.shape_cast %add3A_696 : vector<16xi32> to vector<1x1x16xi32>
      tpu.vector_store %arg13[%swap3A_698, %swap3A_699, %swap3A_700], %swap3A_703 {strides = array<i32>} : memref<4x36x128xi32, #tpu.memory_space<vmem>>, vector<1x1x16xi32>,
      %add3A_704 = arith.constant 256 : i32
      %add3A_705 = vector.broadcast %add3A_704 : i32 to vector<16xi32>
      %add3A_706 = arith.addi %add3A_683, %add3A_705 : vector<16xi32>
      %swap3A_707 = arith.constant 2 : i32
      %swap3A_708 = arith.index_cast %swap3A_707 : i32 to index
      %swap3A_709 = arith.index_cast %add3A_670 : i32 to index
      %swap3A_710 = arith.index_cast %mul3A_612 : i32 to index
      %swap3A_711 = tpu.vector_load %arg13[%swap3A_708, %swap3A_709, %swap3A_710] {strides = array<i32>} : memref<4x36x128xi32, #tpu.memory_space<vmem>>, vector<1x1x16xi32>,
      %swap3A_712 = vector.shape_cast %swap3A_711 : vector<1x1x16xi32> to vector<16xi32>
      %swap3A_713 = vector.shape_cast %add3A_706 : vector<16xi32> to vector<1x1x16xi32>
      tpu.vector_store %arg13[%swap3A_708, %swap3A_709, %swap3A_710], %swap3A_713 {strides = array<i32>} : memref<4x36x128xi32, #tpu.memory_space<vmem>>, vector<1x1x16xi32>,
      %add3A_714 = arith.constant 384 : i32
      %add3A_715 = vector.broadcast %add3A_714 : i32 to vector<16xi32>
      %add3A_716 = arith.addi %add3A_683, %add3A_715 : vector<16xi32>
      %swap3A_717 = arith.constant 3 : i32
      %swap3A_718 = arith.index_cast %swap3A_717 : i32 to index
      %swap3A_719 = arith.index_cast %add3A_670 : i32 to index
      %swap3A_720 = arith.index_cast %mul3A_612 : i32 to index
      %swap3A_721 = tpu.vector_load %arg13[%swap3A_718, %swap3A_719, %swap3A_720] {strides = array<i32>} : memref<4x36x128xi32, #tpu.memory_space<vmem>>, vector<1x1x16xi32>,
      %swap3A_722 = vector.shape_cast %swap3A_721 : vector<1x1x16xi32> to vector<16xi32>
      %swap3A_723 = vector.shape_cast %add3A_716 : vector<16xi32> to vector<1x1x16xi32>
      tpu.vector_store %arg13[%swap3A_718, %swap3A_719, %swap3A_720], %swap3A_723 {strides = array<i32>} : memref<4x36x128xi32, #tpu.memory_space<vmem>>, vector<1x1x16xi32>,
      %add3A_724 = arith.addi %mul3A_538, %select_n3A_567 : vector<16xi32>
      %add3A_725 = arith.constant 8 : i32
      %add3A_726 = arith.addi %add3A_725, %select_n3A_595 : i32
      %mul3A_727 = arith.constant 256 : i32
      %mul3A_728 = vector.broadcast %mul3A_727 : i32 to vector<16xi32>
      %mul3A_729 = arith.muli %add3A_724, %mul3A_728 : vector<16xi32>
      %add3A_730 = arith.addi %mul3A_729, %get3A_525 : vector<16xi32>
      %swap3A_731 = arith.index_cast %add3A_726 : i32 to index
      %swap3A_732 = arith.index_cast %mul3A_612 : i32 to index
      %swap3A_733 = tpu.vector_load %arg14[%swap3A_731, %swap3A_732] {strides = array<i32>} : memref<36x128xi32, #tpu.memory_space<vmem>>, vector<1x16xi32>,
      %swap3A_734 = vector.shape_cast %swap3A_733 : vector<1x16xi32> to vector<16xi32>
      %swap3A_735 = vector.shape_cast %add3A_730 : vector<16xi32> to vector<1x16xi32>
      tpu.vector_store %arg14[%swap3A_731, %swap3A_732], %swap3A_735 {strides = array<i32>} : memref<36x128xi32, #tpu.memory_space<vmem>>, vector<1x16xi32>,
      %mul3A_736 = arith.constant 1024 : i32
      %mul3A_737 = vector.broadcast %mul3A_736 : i32 to vector<16xi32>
      %mul3A_738 = arith.muli %add3A_724, %mul3A_737 : vector<16xi32>
      %add3A_739 = arith.addi %mul3A_738, %add3A_575 : vector<16xi32>
      %add3A_740 = arith.constant 0 : i32
      %add3A_741 = vector.broadcast %add3A_740 : i32 to vector<16xi32>
      %add3A_742 = arith.addi %add3A_739, %add3A_741 : vector<16xi32>
      %swap3A_743 = arith.constant 0 : i32
      %swap3A_744 = arith.index_cast %swap3A_743 : i32 to index
      %swap3A_745 = arith.index_cast %add3A_726 : i32 to index
      %swap3A_746 = arith.index_cast %mul3A_612 : i32 to index
      %swap3A_747 = tpu.vector_load %arg13[%swap3A_744, %swap3A_745, %swap3A_746] {strides = array<i32>} : memref<4x36x128xi32, #tpu.memory_space<vmem>>, vector<1x1x16xi32>,
      %swap3A_748 = vector.shape_cast %swap3A_747 : vector<1x1x16xi32> to vector<16xi32>
      %swap3A_749 = vector.shape_cast %add3A_742 : vector<16xi32> to vector<1x1x16xi32>
      tpu.vector_store %arg13[%swap3A_744, %swap3A_745, %swap3A_746], %swap3A_749 {strides = array<i32>} : memref<4x36x128xi32, #tpu.memory_space<vmem>>, vector<1x1x16xi32>,
      %add3A_750 = arith.constant 128 : i32
      %add3A_751 = vector.broadcast %add3A_750 : i32 to vector<16xi32>
      %add3A_752 = arith.addi %add3A_739, %add3A_751 : vector<16xi32>
      %swap3A_753 = arith.constant 1 : i32
      %swap3A_754 = arith.index_cast %swap3A_753 : i32 to index
      %swap3A_755 = arith.index_cast %add3A_726 : i32 to index
      %swap3A_756 = arith.index_cast %mul3A_612 : i32 to index
      %swap3A_757 = tpu.vector_load %arg13[%swap3A_754, %swap3A_755, %swap3A_756] {strides = array<i32>} : memref<4x36x128xi32, #tpu.memory_space<vmem>>, vector<1x1x16xi32>,
      %swap3A_758 = vector.shape_cast %swap3A_757 : vector<1x1x16xi32> to vector<16xi32>
      %swap3A_759 = vector.shape_cast %add3A_752 : vector<16xi32> to vector<1x1x16xi32>
      tpu.vector_store %arg13[%swap3A_754, %swap3A_755, %swap3A_756], %swap3A_759 {strides = array<i32>} : memref<4x36x128xi32, #tpu.memory_space<vmem>>, vector<1x1x16xi32>,
      %add3A_760 = arith.constant 256 : i32
      %add3A_761 = vector.broadcast %add3A_760 : i32 to vector<16xi32>
      %add3A_762 = arith.addi %add3A_739, %add3A_761 : vector<16xi32>
      %swap3A_763 = arith.constant 2 : i32
      %swap3A_764 = arith.index_cast %swap3A_763 : i32 to index
      %swap3A_765 = arith.index_cast %add3A_726 : i32 to index
      %swap3A_766 = arith.index_cast %mul3A_612 : i32 to index
      %swap3A_767 = tpu.vector_load %arg13[%swap3A_764, %swap3A_765, %swap3A_766] {strides = array<i32>} : memref<4x36x128xi32, #tpu.memory_space<vmem>>, vector<1x1x16xi32>,
      %swap3A_768 = vector.shape_cast %swap3A_767 : vector<1x1x16xi32> to vector<16xi32>
      %swap3A_769 = vector.shape_cast %add3A_762 : vector<16xi32> to vector<1x1x16xi32>
      tpu.vector_store %arg13[%swap3A_764, %swap3A_765, %swap3A_766], %swap3A_769 {strides = array<i32>} : memref<4x36x128xi32, #tpu.memory_space<vmem>>, vector<1x1x16xi32>,
      %add3A_770 = arith.constant 384 : i32
      %add3A_771 = vector.broadcast %add3A_770 : i32 to vector<16xi32>
      %add3A_772 = arith.addi %add3A_739, %add3A_771 : vector<16xi32>
      %swap3A_773 = arith.constant 3 : i32
      %swap3A_774 = arith.index_cast %swap3A_773 : i32 to index
      %swap3A_775 = arith.index_cast %add3A_726 : i32 to index
      %swap3A_776 = arith.index_cast %mul3A_612 : i32 to index
      %swap3A_777 = tpu.vector_load %arg13[%swap3A_774, %swap3A_775, %swap3A_776] {strides = array<i32>} : memref<4x36x128xi32, #tpu.memory_space<vmem>>, vector<1x1x16xi32>,
      %swap3A_778 = vector.shape_cast %swap3A_777 : vector<1x1x16xi32> to vector<16xi32>
      %swap3A_779 = vector.shape_cast %add3A_772 : vector<16xi32> to vector<1x1x16xi32>
      tpu.vector_store %arg13[%swap3A_774, %swap3A_775, %swap3A_776], %swap3A_779 {strides = array<i32>} : memref<4x36x128xi32, #tpu.memory_space<vmem>>, vector<1x1x16xi32>,
      %add3A_780 = arith.addi %mul3A_541, %select_n3A_560 : vector<16xi32>
      %add3A_781 = arith.constant 12 : i32
      %add3A_782 = arith.addi %add3A_781, %select_n3A_595 : i32
      %mul3A_783 = arith.constant 256 : i32
      %mul3A_784 = vector.broadcast %mul3A_783 : i32 to vector<16xi32>
      %mul3A_785 = arith.muli %add3A_780, %mul3A_784 : vector<16xi32>
      %add3A_786 = arith.addi %mul3A_785, %get3A_525 : vector<16xi32>
      %swap3A_787 = arith.index_cast %add3A_782 : i32 to index
      %swap3A_788 = arith.index_cast %mul3A_612 : i32 to index
      %swap3A_789 = tpu.vector_load %arg14[%swap3A_787, %swap3A_788] {strides = array<i32>} : memref<36x128xi32, #tpu.memory_space<vmem>>, vector<1x16xi32>,
      %swap3A_790 = vector.shape_cast %swap3A_789 : vector<1x16xi32> to vector<16xi32>
      %swap3A_791 = vector.shape_cast %add3A_786 : vector<16xi32> to vector<1x16xi32>
      tpu.vector_store %arg14[%swap3A_787, %swap3A_788], %swap3A_791 {strides = array<i32>} : memref<36x128xi32, #tpu.memory_space<vmem>>, vector<1x16xi32>,
      %mul3A_792 = arith.constant 1024 : i32
      %mul3A_793 = vector.broadcast %mul3A_792 : i32 to vector<16xi32>
      %mul3A_794 = arith.muli %add3A_780, %mul3A_793 : vector<16xi32>
      %add3A_795 = arith.addi %mul3A_794, %add3A_575 : vector<16xi32>
      %add3A_796 = arith.constant 0 : i32
      %add3A_797 = vector.broadcast %add3A_796 : i32 to vector<16xi32>
      %add3A_798 = arith.addi %add3A_795, %add3A_797 : vector<16xi32>
      %swap3A_799 = arith.constant 0 : i32
      %swap3A_800 = arith.index_cast %swap3A_799 : i32 to index
      %swap3A_801 = arith.index_cast %add3A_782 : i32 to index
      %swap3A_802 = arith.index_cast %mul3A_612 : i32 to index
      %swap3A_803 = tpu.vector_load %arg13[%swap3A_800, %swap3A_801, %swap3A_802] {strides = array<i32>} : memref<4x36x128xi32, #tpu.memory_space<vmem>>, vector<1x1x16xi32>,
      %swap3A_804 = vector.shape_cast %swap3A_803 : vector<1x1x16xi32> to vector<16xi32>
      %swap3A_805 = vector.shape_cast %add3A_798 : vector<16xi32> to vector<1x1x16xi32>
      tpu.vector_store %arg13[%swap3A_800, %swap3A_801, %swap3A_802], %swap3A_805 {strides = array<i32>} : memref<4x36x128xi32, #tpu.memory_space<vmem>>, vector<1x1x16xi32>,
      %add3A_806 = arith.constant 128 : i32
      %add3A_807 = vector.broadcast %add3A_806 : i32 to vector<16xi32>
      %add3A_808 = arith.addi %add3A_795, %add3A_807 : vector<16xi32>
      %swap3A_809 = arith.constant 1 : i32
      %swap3A_810 = arith.index_cast %swap3A_809 : i32 to index
      %swap3A_811 = arith.index_cast %add3A_782 : i32 to index
      %swap3A_812 = arith.index_cast %mul3A_612 : i32 to index
      %swap3A_813 = tpu.vector_load %arg13[%swap3A_810, %swap3A_811, %swap3A_812] {strides = array<i32>} : memref<4x36x128xi32, #tpu.memory_space<vmem>>, vector<1x1x16xi32>,
      %swap3A_814 = vector.shape_cast %swap3A_813 : vector<1x1x16xi32> to vector<16xi32>
      %swap3A_815 = vector.shape_cast %add3A_808 : vector<16xi32> to vector<1x1x16xi32>
      tpu.vector_store %arg13[%swap3A_810, %swap3A_811, %swap3A_812], %swap3A_815 {strides = array<i32>} : memref<4x36x128xi32, #tpu.memory_space<vmem>>, vector<1x1x16xi32>,
      %add3A_816 = arith.constant 256 : i32
      %add3A_817 = vector.broadcast %add3A_816 : i32 to vector<16xi32>
      %add3A_818 = arith.addi %add3A_795, %add3A_817 : vector<16xi32>
      %swap3A_819 = arith.constant 2 : i32
      %swap3A_820 = arith.index_cast %swap3A_819 : i32 to index
      %swap3A_821 = arith.index_cast %add3A_782 : i32 to index
      %swap3A_822 = arith.index_cast %mul3A_612 : i32 to index
      %swap3A_823 = tpu.vector_load %arg13[%swap3A_820, %swap3A_821, %swap3A_822] {strides = array<i32>} : memref<4x36x128xi32, #tpu.memory_space<vmem>>, vector<1x1x16xi32>,
      %swap3A_824 = vector.shape_cast %swap3A_823 : vector<1x1x16xi32> to vector<16xi32>
      %swap3A_825 = vector.shape_cast %add3A_818 : vector<16xi32> to vector<1x1x16xi32>
      tpu.vector_store %arg13[%swap3A_820, %swap3A_821, %swap3A_822], %swap3A_825 {strides = array<i32>} : memref<4x36x128xi32, #tpu.memory_space<vmem>>, vector<1x1x16xi32>,
      %add3A_826 = arith.constant 384 : i32
      %add3A_827 = vector.broadcast %add3A_826 : i32 to vector<16xi32>
      %add3A_828 = arith.addi %add3A_795, %add3A_827 : vector<16xi32>
      %swap3A_829 = arith.constant 3 : i32
      %swap3A_830 = arith.index_cast %swap3A_829 : i32 to index
      %swap3A_831 = arith.index_cast %add3A_782 : i32 to index
      %swap3A_832 = arith.index_cast %mul3A_612 : i32 to index
      %swap3A_833 = tpu.vector_load %arg13[%swap3A_830, %swap3A_831, %swap3A_832] {strides = array<i32>} : memref<4x36x128xi32, #tpu.memory_space<vmem>>, vector<1x1x16xi32>,
      %swap3A_834 = vector.shape_cast %swap3A_833 : vector<1x1x16xi32> to vector<16xi32>
      %swap3A_835 = vector.shape_cast %add3A_828 : vector<16xi32> to vector<1x1x16xi32>
      tpu.vector_store %arg13[%swap3A_830, %swap3A_831, %swap3A_832], %swap3A_835 {strides = array<i32>} : memref<4x36x128xi32, #tpu.memory_space<vmem>>, vector<1x1x16xi32>,
      %add3A_836 = arith.addi %mul3A_541, %get3A_531 : vector<16xi32>
      %add3A_837 = arith.constant 16 : i32
      %add3A_838 = arith.addi %add3A_837, %select_n3A_595 : i32
      %mul3A_839 = arith.constant 256 : i32
      %mul3A_840 = vector.broadcast %mul3A_839 : i32 to vector<16xi32>
      %mul3A_841 = arith.muli %add3A_836, %mul3A_840 : vector<16xi32>
      %add3A_842 = arith.addi %mul3A_841, %get3A_525 : vector<16xi32>
      %swap3A_843 = arith.index_cast %add3A_838 : i32 to index
      %swap3A_844 = arith.index_cast %mul3A_612 : i32 to index
      %swap3A_845 = tpu.vector_load %arg14[%swap3A_843, %swap3A_844] {strides = array<i32>} : memref<36x128xi32, #tpu.memory_space<vmem>>, vector<1x16xi32>,
      %swap3A_846 = vector.shape_cast %swap3A_845 : vector<1x16xi32> to vector<16xi32>
      %swap3A_847 = vector.shape_cast %add3A_842 : vector<16xi32> to vector<1x16xi32>
      tpu.vector_store %arg14[%swap3A_843, %swap3A_844], %swap3A_847 {strides = array<i32>} : memref<36x128xi32, #tpu.memory_space<vmem>>, vector<1x16xi32>,
      %mul3A_848 = arith.constant 1024 : i32
      %mul3A_849 = vector.broadcast %mul3A_848 : i32 to vector<16xi32>
      %mul3A_850 = arith.muli %add3A_836, %mul3A_849 : vector<16xi32>
      %add3A_851 = arith.addi %mul3A_850, %add3A_575 : vector<16xi32>
      %add3A_852 = arith.constant 0 : i32
      %add3A_853 = vector.broadcast %add3A_852 : i32 to vector<16xi32>
      %add3A_854 = arith.addi %add3A_851, %add3A_853 : vector<16xi32>
      %swap3A_855 = arith.constant 0 : i32
      %swap3A_856 = arith.index_cast %swap3A_855 : i32 to index
      %swap3A_857 = arith.index_cast %add3A_838 : i32 to index
      %swap3A_858 = arith.index_cast %mul3A_612 : i32 to index
      %swap3A_859 = tpu.vector_load %arg13[%swap3A_856, %swap3A_857, %swap3A_858] {strides = array<i32>} : memref<4x36x128xi32, #tpu.memory_space<vmem>>, vector<1x1x16xi32>,
      %swap3A_860 = vector.shape_cast %swap3A_859 : vector<1x1x16xi32> to vector<16xi32>
      %swap3A_861 = vector.shape_cast %add3A_854 : vector<16xi32> to vector<1x1x16xi32>
      tpu.vector_store %arg13[%swap3A_856, %swap3A_857, %swap3A_858], %swap3A_861 {strides = array<i32>} : memref<4x36x128xi32, #tpu.memory_space<vmem>>, vector<1x1x16xi32>,
      %add3A_862 = arith.constant 128 : i32
      %add3A_863 = vector.broadcast %add3A_862 : i32 to vector<16xi32>
      %add3A_864 = arith.addi %add3A_851, %add3A_863 : vector<16xi32>
      %swap3A_865 = arith.constant 1 : i32
      %swap3A_866 = arith.index_cast %swap3A_865 : i32 to index
      %swap3A_867 = arith.index_cast %add3A_838 : i32 to index
      %swap3A_868 = arith.index_cast %mul3A_612 : i32 to index
      %swap3A_869 = tpu.vector_load %arg13[%swap3A_866, %swap3A_867, %swap3A_868] {strides = array<i32>} : memref<4x36x128xi32, #tpu.memory_space<vmem>>, vector<1x1x16xi32>,
      %swap3A_870 = vector.shape_cast %swap3A_869 : vector<1x1x16xi32> to vector<16xi32>
      %swap3A_871 = vector.shape_cast %add3A_864 : vector<16xi32> to vector<1x1x16xi32>
      tpu.vector_store %arg13[%swap3A_866, %swap3A_867, %swap3A_868], %swap3A_871 {strides = array<i32>} : memref<4x36x128xi32, #tpu.memory_space<vmem>>, vector<1x1x16xi32>,
      %add3A_872 = arith.constant 256 : i32
      %add3A_873 = vector.broadcast %add3A_872 : i32 to vector<16xi32>
      %add3A_874 = arith.addi %add3A_851, %add3A_873 : vector<16xi32>
      %swap3A_875 = arith.constant 2 : i32
      %swap3A_876 = arith.index_cast %swap3A_875 : i32 to index
      %swap3A_877 = arith.index_cast %add3A_838 : i32 to index
      %swap3A_878 = arith.index_cast %mul3A_612 : i32 to index
      %swap3A_879 = tpu.vector_load %arg13[%swap3A_876, %swap3A_877, %swap3A_878] {strides = array<i32>} : memref<4x36x128xi32, #tpu.memory_space<vmem>>, vector<1x1x16xi32>,
      %swap3A_880 = vector.shape_cast %swap3A_879 : vector<1x1x16xi32> to vector<16xi32>
      %swap3A_881 = vector.shape_cast %add3A_874 : vector<16xi32> to vector<1x1x16xi32>
      tpu.vector_store %arg13[%swap3A_876, %swap3A_877, %swap3A_878], %swap3A_881 {strides = array<i32>} : memref<4x36x128xi32, #tpu.memory_space<vmem>>, vector<1x1x16xi32>,
      %add3A_882 = arith.constant 384 : i32
      %add3A_883 = vector.broadcast %add3A_882 : i32 to vector<16xi32>
      %add3A_884 = arith.addi %add3A_851, %add3A_883 : vector<16xi32>
      %swap3A_885 = arith.constant 3 : i32
      %swap3A_886 = arith.index_cast %swap3A_885 : i32 to index
      %swap3A_887 = arith.index_cast %add3A_838 : i32 to index
      %swap3A_888 = arith.index_cast %mul3A_612 : i32 to index
      %swap3A_889 = tpu.vector_load %arg13[%swap3A_886, %swap3A_887, %swap3A_888] {strides = array<i32>} : memref<4x36x128xi32, #tpu.memory_space<vmem>>, vector<1x1x16xi32>,
      %swap3A_890 = vector.shape_cast %swap3A_889 : vector<1x1x16xi32> to vector<16xi32>
      %swap3A_891 = vector.shape_cast %add3A_884 : vector<16xi32> to vector<1x1x16xi32>
      tpu.vector_store %arg13[%swap3A_886, %swap3A_887, %swap3A_888], %swap3A_891 {strides = array<i32>} : memref<4x36x128xi32, #tpu.memory_space<vmem>>, vector<1x1x16xi32>,
      %add3A_892 = arith.addi %mul3A_541, %select_n3A_567 : vector<16xi32>
      %add3A_893 = arith.constant 20 : i32
      %add3A_894 = arith.addi %add3A_893, %select_n3A_595 : i32
      %mul3A_895 = arith.constant 256 : i32
      %mul3A_896 = vector.broadcast %mul3A_895 : i32 to vector<16xi32>
      %mul3A_897 = arith.muli %add3A_892, %mul3A_896 : vector<16xi32>
      %add3A_898 = arith.addi %mul3A_897, %get3A_525 : vector<16xi32>
      %swap3A_899 = arith.index_cast %add3A_894 : i32 to index
      %swap3A_900 = arith.index_cast %mul3A_612 : i32 to index
      %swap3A_901 = tpu.vector_load %arg14[%swap3A_899, %swap3A_900] {strides = array<i32>} : memref<36x128xi32, #tpu.memory_space<vmem>>, vector<1x16xi32>,
      %swap3A_902 = vector.shape_cast %swap3A_901 : vector<1x16xi32> to vector<16xi32>
      %swap3A_903 = vector.shape_cast %add3A_898 : vector<16xi32> to vector<1x16xi32>
      tpu.vector_store %arg14[%swap3A_899, %swap3A_900], %swap3A_903 {strides = array<i32>} : memref<36x128xi32, #tpu.memory_space<vmem>>, vector<1x16xi32>,
      %mul3A_904 = arith.constant 1024 : i32
      %mul3A_905 = vector.broadcast %mul3A_904 : i32 to vector<16xi32>
      %mul3A_906 = arith.muli %add3A_892, %mul3A_905 : vector<16xi32>
      %add3A_907 = arith.addi %mul3A_906, %add3A_575 : vector<16xi32>
      %add3A_908 = arith.constant 0 : i32
      %add3A_909 = vector.broadcast %add3A_908 : i32 to vector<16xi32>
      %add3A_910 = arith.addi %add3A_907, %add3A_909 : vector<16xi32>
      %swap3A_911 = arith.constant 0 : i32
      %swap3A_912 = arith.index_cast %swap3A_911 : i32 to index
      %swap3A_913 = arith.index_cast %add3A_894 : i32 to index
      %swap3A_914 = arith.index_cast %mul3A_612 : i32 to index
      %swap3A_915 = tpu.vector_load %arg13[%swap3A_912, %swap3A_913, %swap3A_914] {strides = array<i32>} : memref<4x36x128xi32, #tpu.memory_space<vmem>>, vector<1x1x16xi32>,
      %swap3A_916 = vector.shape_cast %swap3A_915 : vector<1x1x16xi32> to vector<16xi32>
      %swap3A_917 = vector.shape_cast %add3A_910 : vector<16xi32> to vector<1x1x16xi32>
      tpu.vector_store %arg13[%swap3A_912, %swap3A_913, %swap3A_914], %swap3A_917 {strides = array<i32>} : memref<4x36x128xi32, #tpu.memory_space<vmem>>, vector<1x1x16xi32>,
      %add3A_918 = arith.constant 128 : i32
      %add3A_919 = vector.broadcast %add3A_918 : i32 to vector<16xi32>
      %add3A_920 = arith.addi %add3A_907, %add3A_919 : vector<16xi32>
      %swap3A_921 = arith.constant 1 : i32
      %swap3A_922 = arith.index_cast %swap3A_921 : i32 to index
      %swap3A_923 = arith.index_cast %add3A_894 : i32 to index
      %swap3A_924 = arith.index_cast %mul3A_612 : i32 to index
      %swap3A_925 = tpu.vector_load %arg13[%swap3A_922, %swap3A_923, %swap3A_924] {strides = array<i32>} : memref<4x36x128xi32, #tpu.memory_space<vmem>>, vector<1x1x16xi32>,
      %swap3A_926 = vector.shape_cast %swap3A_925 : vector<1x1x16xi32> to vector<16xi32>
      %swap3A_927 = vector.shape_cast %add3A_920 : vector<16xi32> to vector<1x1x16xi32>
      tpu.vector_store %arg13[%swap3A_922, %swap3A_923, %swap3A_924], %swap3A_927 {strides = array<i32>} : memref<4x36x128xi32, #tpu.memory_space<vmem>>, vector<1x1x16xi32>,
      %add3A_928 = arith.constant 256 : i32
      %add3A_929 = vector.broadcast %add3A_928 : i32 to vector<16xi32>
      %add3A_930 = arith.addi %add3A_907, %add3A_929 : vector<16xi32>
      %swap3A_931 = arith.constant 2 : i32
      %swap3A_932 = arith.index_cast %swap3A_931 : i32 to index
      %swap3A_933 = arith.index_cast %add3A_894 : i32 to index
      %swap3A_934 = arith.index_cast %mul3A_612 : i32 to index
      %swap3A_935 = tpu.vector_load %arg13[%swap3A_932, %swap3A_933, %swap3A_934] {strides = array<i32>} : memref<4x36x128xi32, #tpu.memory_space<vmem>>, vector<1x1x16xi32>,
      %swap3A_936 = vector.shape_cast %swap3A_935 : vector<1x1x16xi32> to vector<16xi32>
      %swap3A_937 = vector.shape_cast %add3A_930 : vector<16xi32> to vector<1x1x16xi32>
      tpu.vector_store %arg13[%swap3A_932, %swap3A_933, %swap3A_934], %swap3A_937 {strides = array<i32>} : memref<4x36x128xi32, #tpu.memory_space<vmem>>, vector<1x1x16xi32>,
      %add3A_938 = arith.constant 384 : i32
      %add3A_939 = vector.broadcast %add3A_938 : i32 to vector<16xi32>
      %add3A_940 = arith.addi %add3A_907, %add3A_939 : vector<16xi32>
      %swap3A_941 = arith.constant 3 : i32
      %swap3A_942 = arith.index_cast %swap3A_941 : i32 to index
      %swap3A_943 = arith.index_cast %add3A_894 : i32 to index
      %swap3A_944 = arith.index_cast %mul3A_612 : i32 to index
      %swap3A_945 = tpu.vector_load %arg13[%swap3A_942, %swap3A_943, %swap3A_944] {strides = array<i32>} : memref<4x36x128xi32, #tpu.memory_space<vmem>>, vector<1x1x16xi32>,
      %swap3A_946 = vector.shape_cast %swap3A_945 : vector<1x1x16xi32> to vector<16xi32>
      %swap3A_947 = vector.shape_cast %add3A_940 : vector<16xi32> to vector<1x1x16xi32>
      tpu.vector_store %arg13[%swap3A_942, %swap3A_943, %swap3A_944], %swap3A_947 {strides = array<i32>} : memref<4x36x128xi32, #tpu.memory_space<vmem>>, vector<1x1x16xi32>,
      %add3A_948 = arith.addi %mul3A_553, %select_n3A_560 : vector<16xi32>
      %add3A_949 = arith.constant 24 : i32
      %add3A_950 = arith.addi %add3A_949, %select_n3A_595 : i32
      %mul3A_951 = arith.constant 256 : i32
      %mul3A_952 = vector.broadcast %mul3A_951 : i32 to vector<16xi32>
      %mul3A_953 = arith.muli %add3A_948, %mul3A_952 : vector<16xi32>
      %add3A_954 = arith.addi %mul3A_953, %get3A_525 : vector<16xi32>
      %swap3A_955 = arith.index_cast %add3A_950 : i32 to index
      %swap3A_956 = arith.index_cast %mul3A_612 : i32 to index
      %swap3A_957 = tpu.vector_load %arg14[%swap3A_955, %swap3A_956] {strides = array<i32>} : memref<36x128xi32, #tpu.memory_space<vmem>>, vector<1x16xi32>,
      %swap3A_958 = vector.shape_cast %swap3A_957 : vector<1x16xi32> to vector<16xi32>
      %swap3A_959 = vector.shape_cast %add3A_954 : vector<16xi32> to vector<1x16xi32>
      tpu.vector_store %arg14[%swap3A_955, %swap3A_956], %swap3A_959 {strides = array<i32>} : memref<36x128xi32, #tpu.memory_space<vmem>>, vector<1x16xi32>,
      %mul3A_960 = arith.constant 1024 : i32
      %mul3A_961 = vector.broadcast %mul3A_960 : i32 to vector<16xi32>
      %mul3A_962 = arith.muli %add3A_948, %mul3A_961 : vector<16xi32>
      %add3A_963 = arith.addi %mul3A_962, %add3A_575 : vector<16xi32>
      %add3A_964 = arith.constant 0 : i32
      %add3A_965 = vector.broadcast %add3A_964 : i32 to vector<16xi32>
      %add3A_966 = arith.addi %add3A_963, %add3A_965 : vector<16xi32>
      %swap3A_967 = arith.constant 0 : i32
      %swap3A_968 = arith.index_cast %swap3A_967 : i32 to index
      %swap3A_969 = arith.index_cast %add3A_950 : i32 to index
      %swap3A_970 = arith.index_cast %mul3A_612 : i32 to index
      %swap3A_971 = tpu.vector_load %arg13[%swap3A_968, %swap3A_969, %swap3A_970] {strides = array<i32>} : memref<4x36x128xi32, #tpu.memory_space<vmem>>, vector<1x1x16xi32>,
      %swap3A_972 = vector.shape_cast %swap3A_971 : vector<1x1x16xi32> to vector<16xi32>
      %swap3A_973 = vector.shape_cast %add3A_966 : vector<16xi32> to vector<1x1x16xi32>
      tpu.vector_store %arg13[%swap3A_968, %swap3A_969, %swap3A_970], %swap3A_973 {strides = array<i32>} : memref<4x36x128xi32, #tpu.memory_space<vmem>>, vector<1x1x16xi32>,
      %add3A_974 = arith.constant 128 : i32
      %add3A_975 = vector.broadcast %add3A_974 : i32 to vector<16xi32>
      %add3A_976 = arith.addi %add3A_963, %add3A_975 : vector<16xi32>
      %swap3A_977 = arith.constant 1 : i32
      %swap3A_978 = arith.index_cast %swap3A_977 : i32 to index
      %swap3A_979 = arith.index_cast %add3A_950 : i32 to index
      %swap3A_980 = arith.index_cast %mul3A_612 : i32 to index
      %swap3A_981 = tpu.vector_load %arg13[%swap3A_978, %swap3A_979, %swap3A_980] {strides = array<i32>} : memref<4x36x128xi32, #tpu.memory_space<vmem>>, vector<1x1x16xi32>,
      %swap3A_982 = vector.shape_cast %swap3A_981 : vector<1x1x16xi32> to vector<16xi32>
      %swap3A_983 = vector.shape_cast %add3A_976 : vector<16xi32> to vector<1x1x16xi32>
      tpu.vector_store %arg13[%swap3A_978, %swap3A_979, %swap3A_980], %swap3A_983 {strides = array<i32>} : memref<4x36x128xi32, #tpu.memory_space<vmem>>, vector<1x1x16xi32>,
      %add3A_984 = arith.constant 256 : i32
      %add3A_985 = vector.broadcast %add3A_984 : i32 to vector<16xi32>
      %add3A_986 = arith.addi %add3A_963, %add3A_985 : vector<16xi32>
      %swap3A_987 = arith.constant 2 : i32
      %swap3A_988 = arith.index_cast %swap3A_987 : i32 to index
      %swap3A_989 = arith.index_cast %add3A_950 : i32 to index
      %swap3A_990 = arith.index_cast %mul3A_612 : i32 to index
      %swap3A_991 = tpu.vector_load %arg13[%swap3A_988, %swap3A_989, %swap3A_990] {strides = array<i32>} : memref<4x36x128xi32, #tpu.memory_space<vmem>>, vector<1x1x16xi32>,
      %swap3A_992 = vector.shape_cast %swap3A_991 : vector<1x1x16xi32> to vector<16xi32>
      %swap3A_993 = vector.shape_cast %add3A_986 : vector<16xi32> to vector<1x1x16xi32>
      tpu.vector_store %arg13[%swap3A_988, %swap3A_989, %swap3A_990], %swap3A_993 {strides = array<i32>} : memref<4x36x128xi32, #tpu.memory_space<vmem>>, vector<1x1x16xi32>,
      %add3A_994 = arith.constant 384 : i32
      %add3A_995 = vector.broadcast %add3A_994 : i32 to vector<16xi32>
      %add3A_996 = arith.addi %add3A_963, %add3A_995 : vector<16xi32>
      %swap3A_997 = arith.constant 3 : i32
      %swap3A_998 = arith.index_cast %swap3A_997 : i32 to index
      %swap3A_999 = arith.index_cast %add3A_950 : i32 to index
      %swap3A_1000 = arith.index_cast %mul3A_612 : i32 to index
      %swap3A_1001 = tpu.vector_load %arg13[%swap3A_998, %swap3A_999, %swap3A_1000] {strides = array<i32>} : memref<4x36x128xi32, #tpu.memory_space<vmem>>, vector<1x1x16xi32>,
      %swap3A_1002 = vector.shape_cast %swap3A_1001 : vector<1x1x16xi32> to vector<16xi32>
      %swap3A_1003 = vector.shape_cast %add3A_996 : vector<16xi32> to vector<1x1x16xi32>
      tpu.vector_store %arg13[%swap3A_998, %swap3A_999, %swap3A_1000], %swap3A_1003 {strides = array<i32>} : memref<4x36x128xi32, #tpu.memory_space<vmem>>, vector<1x1x16xi32>,
      %add3A_1004 = arith.addi %mul3A_553, %get3A_531 : vector<16xi32>
      %add3A_1005 = arith.constant 28 : i32
      %add3A_1006 = arith.addi %add3A_1005, %select_n3A_595 : i32
      %mul3A_1007 = arith.constant 256 : i32
      %mul3A_1008 = vector.broadcast %mul3A_1007 : i32 to vector<16xi32>
      %mul3A_1009 = arith.muli %add3A_1004, %mul3A_1008 : vector<16xi32>
      %add3A_1010 = arith.addi %mul3A_1009, %get3A_525 : vector<16xi32>
      %swap3A_1011 = arith.index_cast %add3A_1006 : i32 to index
      %swap3A_1012 = arith.index_cast %mul3A_612 : i32 to index
      %swap3A_1013 = tpu.vector_load %arg14[%swap3A_1011, %swap3A_1012] {strides = array<i32>} : memref<36x128xi32, #tpu.memory_space<vmem>>, vector<1x16xi32>,
      %swap3A_1014 = vector.shape_cast %swap3A_1013 : vector<1x16xi32> to vector<16xi32>
      %swap3A_1015 = vector.shape_cast %add3A_1010 : vector<16xi32> to vector<1x16xi32>
      tpu.vector_store %arg14[%swap3A_1011, %swap3A_1012], %swap3A_1015 {strides = array<i32>} : memref<36x128xi32, #tpu.memory_space<vmem>>, vector<1x16xi32>,
      %mul3A_1016 = arith.constant 1024 : i32
      %mul3A_1017 = vector.broadcast %mul3A_1016 : i32 to vector<16xi32>
      %mul3A_1018 = arith.muli %add3A_1004, %mul3A_1017 : vector<16xi32>
      %add3A_1019 = arith.addi %mul3A_1018, %add3A_575 : vector<16xi32>
      %add3A_1020 = arith.constant 0 : i32
      %add3A_1021 = vector.broadcast %add3A_1020 : i32 to vector<16xi32>
      %add3A_1022 = arith.addi %add3A_1019, %add3A_1021 : vector<16xi32>
      %swap3A_1023 = arith.constant 0 : i32
      %swap3A_1024 = arith.index_cast %swap3A_1023 : i32 to index
      %swap3A_1025 = arith.index_cast %add3A_1006 : i32 to index
      %swap3A_1026 = arith.index_cast %mul3A_612 : i32 to index
      %swap3A_1027 = tpu.vector_load %arg13[%swap3A_1024, %swap3A_1025, %swap3A_1026] {strides = array<i32>} : memref<4x36x128xi32, #tpu.memory_space<vmem>>, vector<1x1x16xi32>,
      %swap3A_1028 = vector.shape_cast %swap3A_1027 : vector<1x1x16xi32> to vector<16xi32>
      %swap3A_1029 = vector.shape_cast %add3A_1022 : vector<16xi32> to vector<1x1x16xi32>
      tpu.vector_store %arg13[%swap3A_1024, %swap3A_1025, %swap3A_1026], %swap3A_1029 {strides = array<i32>} : memref<4x36x128xi32, #tpu.memory_space<vmem>>, vector<1x1x16xi32>,
      %add3A_1030 = arith.constant 128 : i32
      %add3A_1031 = vector.broadcast %add3A_1030 : i32 to vector<16xi32>
      %add3A_1032 = arith.addi %add3A_1019, %add3A_1031 : vector<16xi32>
      %swap3A_1033 = arith.constant 1 : i32
      %swap3A_1034 = arith.index_cast %swap3A_1033 : i32 to index
      %swap3A_1035 = arith.index_cast %add3A_1006 : i32 to index
      %swap3A_1036 = arith.index_cast %mul3A_612 : i32 to index
      %swap3A_1037 = tpu.vector_load %arg13[%swap3A_1034, %swap3A_1035, %swap3A_1036] {strides = array<i32>} : memref<4x36x128xi32, #tpu.memory_space<vmem>>, vector<1x1x16xi32>,
      %swap3A_1038 = vector.shape_cast %swap3A_1037 : vector<1x1x16xi32> to vector<16xi32>
      %swap3A_1039 = vector.shape_cast %add3A_1032 : vector<16xi32> to vector<1x1x16xi32>
      tpu.vector_store %arg13[%swap3A_1034, %swap3A_1035, %swap3A_1036], %swap3A_1039 {strides = array<i32>} : memref<4x36x128xi32, #tpu.memory_space<vmem>>, vector<1x1x16xi32>,
      %add3A_1040 = arith.constant 256 : i32
      %add3A_1041 = vector.broadcast %add3A_1040 : i32 to vector<16xi32>
      %add3A_1042 = arith.addi %add3A_1019, %add3A_1041 : vector<16xi32>
      %swap3A_1043 = arith.constant 2 : i32
      %swap3A_1044 = arith.index_cast %swap3A_1043 : i32 to index
      %swap3A_1045 = arith.index_cast %add3A_1006 : i32 to index
      %swap3A_1046 = arith.index_cast %mul3A_612 : i32 to index
      %swap3A_1047 = tpu.vector_load %arg13[%swap3A_1044, %swap3A_1045, %swap3A_1046] {strides = array<i32>} : memref<4x36x128xi32, #tpu.memory_space<vmem>>, vector<1x1x16xi32>,
      %swap3A_1048 = vector.shape_cast %swap3A_1047 : vector<1x1x16xi32> to vector<16xi32>
      %swap3A_1049 = vector.shape_cast %add3A_1042 : vector<16xi32> to vector<1x1x16xi32>
      tpu.vector_store %arg13[%swap3A_1044, %swap3A_1045, %swap3A_1046], %swap3A_1049 {strides = array<i32>} : memref<4x36x128xi32, #tpu.memory_space<vmem>>, vector<1x1x16xi32>,
      %add3A_1050 = arith.constant 384 : i32
      %add3A_1051 = vector.broadcast %add3A_1050 : i32 to vector<16xi32>
      %add3A_1052 = arith.addi %add3A_1019, %add3A_1051 : vector<16xi32>
      %swap3A_1053 = arith.constant 3 : i32
      %swap3A_1054 = arith.index_cast %swap3A_1053 : i32 to index
      %swap3A_1055 = arith.index_cast %add3A_1006 : i32 to index
      %swap3A_1056 = arith.index_cast %mul3A_612 : i32 to index
      %swap3A_1057 = tpu.vector_load %arg13[%swap3A_1054, %swap3A_1055, %swap3A_1056] {strides = array<i32>} : memref<4x36x128xi32, #tpu.memory_space<vmem>>, vector<1x1x16xi32>,
      %swap3A_1058 = vector.shape_cast %swap3A_1057 : vector<1x1x16xi32> to vector<16xi32>
      %swap3A_1059 = vector.shape_cast %add3A_1052 : vector<16xi32> to vector<1x1x16xi32>
      tpu.vector_store %arg13[%swap3A_1054, %swap3A_1055, %swap3A_1056], %swap3A_1059 {strides = array<i32>} : memref<4x36x128xi32, #tpu.memory_space<vmem>>, vector<1x1x16xi32>,
      %add3A_1060 = arith.addi %mul3A_553, %select_n3A_567 : vector<16xi32>
      %add3A_1061 = arith.constant 32 : i32
      %add3A_1062 = arith.addi %add3A_1061, %select_n3A_595 : i32
      %mul3A_1063 = arith.constant 256 : i32
      %mul3A_1064 = vector.broadcast %mul3A_1063 : i32 to vector<16xi32>
      %mul3A_1065 = arith.muli %add3A_1060, %mul3A_1064 : vector<16xi32>
      %add3A_1066 = arith.addi %mul3A_1065, %get3A_525 : vector<16xi32>
      %swap3A_1067 = arith.index_cast %add3A_1062 : i32 to index
      %swap3A_1068 = arith.index_cast %mul3A_612 : i32 to index
      %swap3A_1069 = tpu.vector_load %arg14[%swap3A_1067, %swap3A_1068] {strides = array<i32>} : memref<36x128xi32, #tpu.memory_space<vmem>>, vector<1x16xi32>,
      %swap3A_1070 = vector.shape_cast %swap3A_1069 : vector<1x16xi32> to vector<16xi32>
      %swap3A_1071 = vector.shape_cast %add3A_1066 : vector<16xi32> to vector<1x16xi32>
      tpu.vector_store %arg14[%swap3A_1067, %swap3A_1068], %swap3A_1071 {strides = array<i32>} : memref<36x128xi32, #tpu.memory_space<vmem>>, vector<1x16xi32>,
      %mul3A_1072 = arith.constant 1024 : i32
      %mul3A_1073 = vector.broadcast %mul3A_1072 : i32 to vector<16xi32>
      %mul3A_1074 = arith.muli %add3A_1060, %mul3A_1073 : vector<16xi32>
      %add3A_1075 = arith.addi %mul3A_1074, %add3A_575 : vector<16xi32>
      %add3A_1076 = arith.constant 0 : i32
      %add3A_1077 = vector.broadcast %add3A_1076 : i32 to vector<16xi32>
      %add3A_1078 = arith.addi %add3A_1075, %add3A_1077 : vector<16xi32>
      %swap3A_1079 = arith.constant 0 : i32
      %swap3A_1080 = arith.index_cast %swap3A_1079 : i32 to index
      %swap3A_1081 = arith.index_cast %add3A_1062 : i32 to index
      %swap3A_1082 = arith.index_cast %mul3A_612 : i32 to index
      %swap3A_1083 = tpu.vector_load %arg13[%swap3A_1080, %swap3A_1081, %swap3A_1082] {strides = array<i32>} : memref<4x36x128xi32, #tpu.memory_space<vmem>>, vector<1x1x16xi32>,
      %swap3A_1084 = vector.shape_cast %swap3A_1083 : vector<1x1x16xi32> to vector<16xi32>
      %swap3A_1085 = vector.shape_cast %add3A_1078 : vector<16xi32> to vector<1x1x16xi32>
      tpu.vector_store %arg13[%swap3A_1080, %swap3A_1081, %swap3A_1082], %swap3A_1085 {strides = array<i32>} : memref<4x36x128xi32, #tpu.memory_space<vmem>>, vector<1x1x16xi32>,
      %add3A_1086 = arith.constant 128 : i32
      %add3A_1087 = vector.broadcast %add3A_1086 : i32 to vector<16xi32>
      %add3A_1088 = arith.addi %add3A_1075, %add3A_1087 : vector<16xi32>
      %swap3A_1089 = arith.constant 1 : i32
      %swap3A_1090 = arith.index_cast %swap3A_1089 : i32 to index
      %swap3A_1091 = arith.index_cast %add3A_1062 : i32 to index
      %swap3A_1092 = arith.index_cast %mul3A_612 : i32 to index
      %swap3A_1093 = tpu.vector_load %arg13[%swap3A_1090, %swap3A_1091, %swap3A_1092] {strides = array<i32>} : memref<4x36x128xi32, #tpu.memory_space<vmem>>, vector<1x1x16xi32>,
      %swap3A_1094 = vector.shape_cast %swap3A_1093 : vector<1x1x16xi32> to vector<16xi32>
      %swap3A_1095 = vector.shape_cast %add3A_1088 : vector<16xi32> to vector<1x1x16xi32>
      tpu.vector_store %arg13[%swap3A_1090, %swap3A_1091, %swap3A_1092], %swap3A_1095 {strides = array<i32>} : memref<4x36x128xi32, #tpu.memory_space<vmem>>, vector<1x1x16xi32>,
      %add3A_1096 = arith.constant 256 : i32
      %add3A_1097 = vector.broadcast %add3A_1096 : i32 to vector<16xi32>
      %add3A_1098 = arith.addi %add3A_1075, %add3A_1097 : vector<16xi32>
      %swap3A_1099 = arith.constant 2 : i32
      %swap3A_1100 = arith.index_cast %swap3A_1099 : i32 to index
      %swap3A_1101 = arith.index_cast %add3A_1062 : i32 to index
      %swap3A_1102 = arith.index_cast %mul3A_612 : i32 to index
      %swap3A_1103 = tpu.vector_load %arg13[%swap3A_1100, %swap3A_1101, %swap3A_1102] {strides = array<i32>} : memref<4x36x128xi32, #tpu.memory_space<vmem>>, vector<1x1x16xi32>,
      %swap3A_1104 = vector.shape_cast %swap3A_1103 : vector<1x1x16xi32> to vector<16xi32>
      %swap3A_1105 = vector.shape_cast %add3A_1098 : vector<16xi32> to vector<1x1x16xi32>
      tpu.vector_store %arg13[%swap3A_1100, %swap3A_1101, %swap3A_1102], %swap3A_1105 {strides = array<i32>} : memref<4x36x128xi32, #tpu.memory_space<vmem>>, vector<1x1x16xi32>,
      %add3A_1106 = arith.constant 384 : i32
      %add3A_1107 = vector.broadcast %add3A_1106 : i32 to vector<16xi32>
      %add3A_1108 = arith.addi %add3A_1075, %add3A_1107 : vector<16xi32>
      %swap3A_1109 = arith.constant 3 : i32
      %swap3A_1110 = arith.index_cast %swap3A_1109 : i32 to index
      %swap3A_1111 = arith.index_cast %add3A_1062 : i32 to index
      %swap3A_1112 = arith.index_cast %mul3A_612 : i32 to index
      %swap3A_1113 = tpu.vector_load %arg13[%swap3A_1110, %swap3A_1111, %swap3A_1112] {strides = array<i32>} : memref<4x36x128xi32, #tpu.memory_space<vmem>>, vector<1x1x16xi32>,
      %swap3A_1114 = vector.shape_cast %swap3A_1113 : vector<1x1x16xi32> to vector<16xi32>
      %swap3A_1115 = vector.shape_cast %add3A_1108 : vector<16xi32> to vector<1x1x16xi32>
      tpu.vector_store %arg13[%swap3A_1110, %swap3A_1111, %swap3A_1112], %swap3A_1115 {strides = array<i32>} : memref<4x36x128xi32, #tpu.memory_space<vmem>>, vector<1x1x16xi32>,
    }
    %scan3A_14 = arith.constant 32 : i32
    %dma_start3A = arith.constant 0 : i32
    %dma_start3A_15 = arith.constant 0 : i32
    %dma_start3A_16 = arith.constant 0 : i32
    %dma_start3A_17 = arith.constant 0 : i32
    %dma_start3A_18 = arith.constant 0 : i32
    %dma_start3A_19 = tpu.memref_slice %arg15[%dma_start3A_16, %dma_start3A_17, %dma_start3A_18] : memref<4x36x128xf32, #tpu.memory_space<vmem>> -> memref<1x1x128xf32, #tpu.memory_space<vmem>>
    %dma_start3A_20 = tpu.memref_squeeze %dma_start3A_19 : memref<1x1x128xf32, #tpu.memory_space<vmem>> -> memref<128xf32, #tpu.memory_space<vmem>>
    %dma_start3A_21 = arith.constant 0 : i32
    %dma_start3A_22 = tpu.memref_slice %arg13[%dma_start3A, %dma_start3A_15, %dma_start3A_21] : memref<4x36x128xi32, #tpu.memory_space<vmem>> -> memref<1x1x128xi32, #tpu.memory_space<vmem>>
    %dma_start3A_23 = tpu.memref_squeeze %dma_start3A_22 : memref<1x1x128xi32, #tpu.memory_space<vmem>> -> memref<128xi32, #tpu.memory_space<vmem>>
    %dma_start3A_24 = arith.constant 0 : i32
    %dma_start3A_25 = tpu.memref_slice %arg2[%dma_start3A_24] : memref<60549120xf32, #tpu.memory_space<hbm>> -> memref<60549120xf32, #tpu.memory_space<hbm>>
    tpu.enqueue_indirect_dma source(%dma_start3A_25 : memref<60549120xf32, #tpu.memory_space<hbm>>) target(%dma_start3A_20 : memref<128xf32, #tpu.memory_space<vmem>>) offsets(%dma_start3A_23 : memref<128xi32, #tpu.memory_space<vmem>>) semaphore(%arg18 : memref<!tpu.dma_semaphore, #tpu.memory_space<semaphore_mem>>)
    %dma_start3A_26 = arith.constant 1 : i32
    %dma_start3A_27 = arith.constant 0 : i32
    %dma_start3A_28 = arith.constant 1 : i32
    %dma_start3A_29 = arith.constant 0 : i32
    %dma_start3A_30 = arith.constant 0 : i32
    %dma_start3A_31 = tpu.memref_slice %arg15[%dma_start3A_28, %dma_start3A_29, %dma_start3A_30] : memref<4x36x128xf32, #tpu.memory_space<vmem>> -> memref<1x1x128xf32, #tpu.memory_space<vmem>>
    %dma_start3A_32 = tpu.memref_squeeze %dma_start3A_31 : memref<1x1x128xf32, #tpu.memory_space<vmem>> -> memref<128xf32, #tpu.memory_space<vmem>>
    %dma_start3A_33 = arith.constant 0 : i32
    %dma_start3A_34 = tpu.memref_slice %arg13[%dma_start3A_26, %dma_start3A_27, %dma_start3A_33] : memref<4x36x128xi32, #tpu.memory_space<vmem>> -> memref<1x1x128xi32, #tpu.memory_space<vmem>>
    %dma_start3A_35 = tpu.memref_squeeze %dma_start3A_34 : memref<1x1x128xi32, #tpu.memory_space<vmem>> -> memref<128xi32, #tpu.memory_space<vmem>>
    %dma_start3A_36 = arith.constant 0 : i32
    %dma_start3A_37 = tpu.memref_slice %arg2[%dma_start3A_36] : memref<60549120xf32, #tpu.memory_space<hbm>> -> memref<60549120xf32, #tpu.memory_space<hbm>>
    tpu.enqueue_indirect_dma source(%dma_start3A_37 : memref<60549120xf32, #tpu.memory_space<hbm>>) target(%dma_start3A_32 : memref<128xf32, #tpu.memory_space<vmem>>) offsets(%dma_start3A_35 : memref<128xi32, #tpu.memory_space<vmem>>) semaphore(%arg18 : memref<!tpu.dma_semaphore, #tpu.memory_space<semaphore_mem>>)
    %dma_start3A_38 = arith.constant 2 : i32
    %dma_start3A_39 = arith.constant 0 : i32
    %dma_start3A_40 = arith.constant 2 : i32
    %dma_start3A_41 = arith.constant 0 : i32
    %dma_start3A_42 = arith.constant 0 : i32
    %dma_start3A_43 = tpu.memref_slice %arg15[%dma_start3A_40, %dma_start3A_41, %dma_start3A_42] : memref<4x36x128xf32, #tpu.memory_space<vmem>> -> memref<1x1x128xf32, #tpu.memory_space<vmem>>
    %dma_start3A_44 = tpu.memref_squeeze %dma_start3A_43 : memref<1x1x128xf32, #tpu.memory_space<vmem>> -> memref<128xf32, #tpu.memory_space<vmem>>
    %dma_start3A_45 = arith.constant 0 : i32
    %dma_start3A_46 = tpu.memref_slice %arg13[%dma_start3A_38, %dma_start3A_39, %dma_start3A_45] : memref<4x36x128xi32, #tpu.memory_space<vmem>> -> memref<1x1x128xi32, #tpu.memory_space<vmem>>
    %dma_start3A_47 = tpu.memref_squeeze %dma_start3A_46 : memref<1x1x128xi32, #tpu.memory_space<vmem>> -> memref<128xi32, #tpu.memory_space<vmem>>
    %dma_start3A_48 = arith.constant 0 : i32
    %dma_start3A_49 = tpu.memref_slice %arg2[%dma_start3A_48] : memref<60549120xf32, #tpu.memory_space<hbm>> -> memref<60549120xf32, #tpu.memory_space<hbm>>
    tpu.enqueue_indirect_dma source(%dma_start3A_49 : memref<60549120xf32, #tpu.memory_space<hbm>>) target(%dma_start3A_44 : memref<128xf32, #tpu.memory_space<vmem>>) offsets(%dma_start3A_47 : memref<128xi32, #tpu.memory_space<vmem>>) semaphore(%arg18 : memref<!tpu.dma_semaphore, #tpu.memory_space<semaphore_mem>>)
    %dma_start3A_50 = arith.constant 3 : i32
    %dma_start3A_51 = arith.constant 0 : i32
    %dma_start3A_52 = arith.constant 3 : i32
    %dma_start3A_53 = arith.constant 0 : i32
    %dma_start3A_54 = arith.constant 0 : i32
    %dma_start3A_55 = tpu.memref_slice %arg15[%dma_start3A_52, %dma_start3A_53, %dma_start3A_54] : memref<4x36x128xf32, #tpu.memory_space<vmem>> -> memref<1x1x128xf32, #tpu.memory_space<vmem>>
    %dma_start3A_56 = tpu.memref_squeeze %dma_start3A_55 : memref<1x1x128xf32, #tpu.memory_space<vmem>> -> memref<128xf32, #tpu.memory_space<vmem>>
    %dma_start3A_57 = arith.constant 0 : i32
    %dma_start3A_58 = tpu.memref_slice %arg13[%dma_start3A_50, %dma_start3A_51, %dma_start3A_57] : memref<4x36x128xi32, #tpu.memory_space<vmem>> -> memref<1x1x128xi32, #tpu.memory_space<vmem>>
    %dma_start3A_59 = tpu.memref_squeeze %dma_start3A_58 : memref<1x1x128xi32, #tpu.memory_space<vmem>> -> memref<128xi32, #tpu.memory_space<vmem>>
    %dma_start3A_60 = arith.constant 0 : i32
    %dma_start3A_61 = tpu.memref_slice %arg2[%dma_start3A_60] : memref<60549120xf32, #tpu.memory_space<hbm>> -> memref<60549120xf32, #tpu.memory_space<hbm>>
    tpu.enqueue_indirect_dma source(%dma_start3A_61 : memref<60549120xf32, #tpu.memory_space<hbm>>) target(%dma_start3A_56 : memref<128xf32, #tpu.memory_space<vmem>>) offsets(%dma_start3A_59 : memref<128xi32, #tpu.memory_space<vmem>>) semaphore(%arg18 : memref<!tpu.dma_semaphore, #tpu.memory_space<semaphore_mem>>)
    %dma_start3A_62 = arith.constant 0 : i32
    %dma_start3A_63 = arith.constant 0 : i32
    %dma_start3A_64 = arith.constant 0 : i32
    %dma_start3A_65 = arith.constant 0 : i32
    %dma_start3A_66 = tpu.memref_slice %arg16[%dma_start3A_64, %dma_start3A_65] : memref<36x128xf32, #tpu.memory_space<vmem>> -> memref<1x128xf32, #tpu.memory_space<vmem>>
    %dma_start3A_67 = tpu.memref_squeeze %dma_start3A_66 : memref<1x128xf32, #tpu.memory_space<vmem>> -> memref<128xf32, #tpu.memory_space<vmem>>
    %dma_start3A_68 = arith.constant 0 : i32
    %dma_start3A_69 = tpu.memref_slice %arg14[%dma_start3A_63, %dma_start3A_68] : memref<36x128xi32, #tpu.memory_space<vmem>> -> memref<1x128xi32, #tpu.memory_space<vmem>>
    %dma_start3A_70 = tpu.memref_squeeze %dma_start3A_69 : memref<1x128xi32, #tpu.memory_space<vmem>> -> memref<128xi32, #tpu.memory_space<vmem>>
    %dma_start3A_71 = arith.constant 0 : i32
    %dma_start3A_72 = tpu.memref_slice %arg3[%dma_start3A_62, %dma_start3A_71] : memref<1x15137280xf32, #tpu.memory_space<hbm>> -> memref<1x15137280xf32, #tpu.memory_space<hbm>>
    %dma_start3A_73 = tpu.memref_squeeze %dma_start3A_72 : memref<1x15137280xf32, #tpu.memory_space<hbm>> -> memref<15137280xf32, #tpu.memory_space<hbm>>
    %dma_start3A_74 = arith.constant 0 : i32
    %dma_start3A_75 = tpu.memref_slice %dma_start3A_73[%dma_start3A_74] : memref<15137280xf32, #tpu.memory_space<hbm>> -> memref<15137280xf32, #tpu.memory_space<hbm>>
    tpu.enqueue_indirect_dma source(%dma_start3A_75 : memref<15137280xf32, #tpu.memory_space<hbm>>) target(%dma_start3A_67 : memref<128xf32, #tpu.memory_space<vmem>>) offsets(%dma_start3A_70 : memref<128xi32, #tpu.memory_space<vmem>>) semaphore(%arg19 : memref<!tpu.dma_semaphore, #tpu.memory_space<semaphore_mem>>)
    %dma_start3A_76 = arith.constant 0 : i32
    %dma_start3A_77 = arith.constant 1 : i32
    %dma_start3A_78 = arith.constant 0 : i32
    %dma_start3A_79 = arith.constant 1 : i32
    %dma_start3A_80 = arith.constant 0 : i32
    %dma_start3A_81 = tpu.memref_slice %arg15[%dma_start3A_78, %dma_start3A_79, %dma_start3A_80] : memref<4x36x128xf32, #tpu.memory_space<vmem>> -> memref<1x1x128xf32, #tpu.memory_space<vmem>>
    %dma_start3A_82 = tpu.memref_squeeze %dma_start3A_81 : memref<1x1x128xf32, #tpu.memory_space<vmem>> -> memref<128xf32, #tpu.memory_space<vmem>>
    %dma_start3A_83 = arith.constant 0 : i32
    %dma_start3A_84 = tpu.memref_slice %arg13[%dma_start3A_76, %dma_start3A_77, %dma_start3A_83] : memref<4x36x128xi32, #tpu.memory_space<vmem>> -> memref<1x1x128xi32, #tpu.memory_space<vmem>>
    %dma_start3A_85 = tpu.memref_squeeze %dma_start3A_84 : memref<1x1x128xi32, #tpu.memory_space<vmem>> -> memref<128xi32, #tpu.memory_space<vmem>>
    %dma_start3A_86 = arith.constant 0 : i32
    %dma_start3A_87 = tpu.memref_slice %arg2[%dma_start3A_86] : memref<60549120xf32, #tpu.memory_space<hbm>> -> memref<60549120xf32, #tpu.memory_space<hbm>>
    tpu.enqueue_indirect_dma source(%dma_start3A_87 : memref<60549120xf32, #tpu.memory_space<hbm>>) target(%dma_start3A_82 : memref<128xf32, #tpu.memory_space<vmem>>) offsets(%dma_start3A_85 : memref<128xi32, #tpu.memory_space<vmem>>) semaphore(%arg18 : memref<!tpu.dma_semaphore, #tpu.memory_space<semaphore_mem>>)
    %dma_start3A_88 = arith.constant 1 : i32
    %dma_start3A_89 = arith.constant 1 : i32
    %dma_start3A_90 = arith.constant 1 : i32
    %dma_start3A_91 = arith.constant 1 : i32
    %dma_start3A_92 = arith.constant 0 : i32
    %dma_start3A_93 = tpu.memref_slice %arg15[%dma_start3A_90, %dma_start3A_91, %dma_start3A_92] : memref<4x36x128xf32, #tpu.memory_space<vmem>> -> memref<1x1x128xf32, #tpu.memory_space<vmem>>
    %dma_start3A_94 = tpu.memref_squeeze %dma_start3A_93 : memref<1x1x128xf32, #tpu.memory_space<vmem>> -> memref<128xf32, #tpu.memory_space<vmem>>
    %dma_start3A_95 = arith.constant 0 : i32
    %dma_start3A_96 = tpu.memref_slice %arg13[%dma_start3A_88, %dma_start3A_89, %dma_start3A_95] : memref<4x36x128xi32, #tpu.memory_space<vmem>> -> memref<1x1x128xi32, #tpu.memory_space<vmem>>
    %dma_start3A_97 = tpu.memref_squeeze %dma_start3A_96 : memref<1x1x128xi32, #tpu.memory_space<vmem>> -> memref<128xi32, #tpu.memory_space<vmem>>
    %dma_start3A_98 = arith.constant 0 : i32
    %dma_start3A_99 = tpu.memref_slice %arg2[%dma_start3A_98] : memref<60549120xf32, #tpu.memory_space<hbm>> -> memref<60549120xf32, #tpu.memory_space<hbm>>
    tpu.enqueue_indirect_dma source(%dma_start3A_99 : memref<60549120xf32, #tpu.memory_space<hbm>>) target(%dma_start3A_94 : memref<128xf32, #tpu.memory_space<vmem>>) offsets(%dma_start3A_97 : memref<128xi32, #tpu.memory_space<vmem>>) semaphore(%arg18 : memref<!tpu.dma_semaphore, #tpu.memory_space<semaphore_mem>>)
    %dma_start3A_100 = arith.constant 2 : i32
    %dma_start3A_101 = arith.constant 1 : i32
    %dma_start3A_102 = arith.constant 2 : i32
    %dma_start3A_103 = arith.constant 1 : i32
    %dma_start3A_104 = arith.constant 0 : i32
    %dma_start3A_105 = tpu.memref_slice %arg15[%dma_start3A_102, %dma_start3A_103, %dma_start3A_104] : memref<4x36x128xf32, #tpu.memory_space<vmem>> -> memref<1x1x128xf32, #tpu.memory_space<vmem>>
    %dma_start3A_106 = tpu.memref_squeeze %dma_start3A_105 : memref<1x1x128xf32, #tpu.memory_space<vmem>> -> memref<128xf32, #tpu.memory_space<vmem>>
    %dma_start3A_107 = arith.constant 0 : i32
    %dma_start3A_108 = tpu.memref_slice %arg13[%dma_start3A_100, %dma_start3A_101, %dma_start3A_107] : memref<4x36x128xi32, #tpu.memory_space<vmem>> -> memref<1x1x128xi32, #tpu.memory_space<vmem>>
    %dma_start3A_109 = tpu.memref_squeeze %dma_start3A_108 : memref<1x1x128xi32, #tpu.memory_space<vmem>> -> memref<128xi32, #tpu.memory_space<vmem>>
    %dma_start3A_110 = arith.constant 0 : i32
    %dma_start3A_111 = tpu.memref_slice %arg2[%dma_start3A_110] : memref<60549120xf32, #tpu.memory_space<hbm>> -> memref<60549120xf32, #tpu.memory_space<hbm>>
    tpu.enqueue_indirect_dma source(%dma_start3A_111 : memref<60549120xf32, #tpu.memory_space<hbm>>) target(%dma_start3A_106 : memref<128xf32, #tpu.memory_space<vmem>>) offsets(%dma_start3A_109 : memref<128xi32, #tpu.memory_space<vmem>>) semaphore(%arg18 : memref<!tpu.dma_semaphore, #tpu.memory_space<semaphore_mem>>)
    %dma_start3A_112 = arith.constant 3 : i32
    %dma_start3A_113 = arith.constant 1 : i32
    %dma_start3A_114 = arith.constant 3 : i32
    %dma_start3A_115 = arith.constant 1 : i32
    %dma_start3A_116 = arith.constant 0 : i32
    %dma_start3A_117 = tpu.memref_slice %arg15[%dma_start3A_114, %dma_start3A_115, %dma_start3A_116] : memref<4x36x128xf32, #tpu.memory_space<vmem>> -> memref<1x1x128xf32, #tpu.memory_space<vmem>>
    %dma_start3A_118 = tpu.memref_squeeze %dma_start3A_117 : memref<1x1x128xf32, #tpu.memory_space<vmem>> -> memref<128xf32, #tpu.memory_space<vmem>>
    %dma_start3A_119 = arith.constant 0 : i32
    %dma_start3A_120 = tpu.memref_slice %arg13[%dma_start3A_112, %dma_start3A_113, %dma_start3A_119] : memref<4x36x128xi32, #tpu.memory_space<vmem>> -> memref<1x1x128xi32, #tpu.memory_space<vmem>>
    %dma_start3A_121 = tpu.memref_squeeze %dma_start3A_120 : memref<1x1x128xi32, #tpu.memory_space<vmem>> -> memref<128xi32, #tpu.memory_space<vmem>>
    %dma_start3A_122 = arith.constant 0 : i32
    %dma_start3A_123 = tpu.memref_slice %arg2[%dma_start3A_122] : memref<60549120xf32, #tpu.memory_space<hbm>> -> memref<60549120xf32, #tpu.memory_space<hbm>>
    tpu.enqueue_indirect_dma source(%dma_start3A_123 : memref<60549120xf32, #tpu.memory_space<hbm>>) target(%dma_start3A_118 : memref<128xf32, #tpu.memory_space<vmem>>) offsets(%dma_start3A_121 : memref<128xi32, #tpu.memory_space<vmem>>) semaphore(%arg18 : memref<!tpu.dma_semaphore, #tpu.memory_space<semaphore_mem>>)
    %dma_start3A_124 = arith.constant 0 : i32
    %dma_start3A_125 = arith.constant 1 : i32
    %dma_start3A_126 = arith.constant 1 : i32
    %dma_start3A_127 = arith.constant 0 : i32
    %dma_start3A_128 = tpu.memref_slice %arg16[%dma_start3A_126, %dma_start3A_127] : memref<36x128xf32, #tpu.memory_space<vmem>> -> memref<1x128xf32, #tpu.memory_space<vmem>>
    %dma_start3A_129 = tpu.memref_squeeze %dma_start3A_128 : memref<1x128xf32, #tpu.memory_space<vmem>> -> memref<128xf32, #tpu.memory_space<vmem>>
    %dma_start3A_130 = arith.constant 0 : i32
    %dma_start3A_131 = tpu.memref_slice %arg14[%dma_start3A_125, %dma_start3A_130] : memref<36x128xi32, #tpu.memory_space<vmem>> -> memref<1x128xi32, #tpu.memory_space<vmem>>
    %dma_start3A_132 = tpu.memref_squeeze %dma_start3A_131 : memref<1x128xi32, #tpu.memory_space<vmem>> -> memref<128xi32, #tpu.memory_space<vmem>>
    %dma_start3A_133 = arith.constant 0 : i32
    %dma_start3A_134 = tpu.memref_slice %arg3[%dma_start3A_124, %dma_start3A_133] : memref<1x15137280xf32, #tpu.memory_space<hbm>> -> memref<1x15137280xf32, #tpu.memory_space<hbm>>
    %dma_start3A_135 = tpu.memref_squeeze %dma_start3A_134 : memref<1x15137280xf32, #tpu.memory_space<hbm>> -> memref<15137280xf32, #tpu.memory_space<hbm>>
    %dma_start3A_136 = arith.constant 0 : i32
    %dma_start3A_137 = tpu.memref_slice %dma_start3A_135[%dma_start3A_136] : memref<15137280xf32, #tpu.memory_space<hbm>> -> memref<15137280xf32, #tpu.memory_space<hbm>>
    tpu.enqueue_indirect_dma source(%dma_start3A_137 : memref<15137280xf32, #tpu.memory_space<hbm>>) target(%dma_start3A_129 : memref<128xf32, #tpu.memory_space<vmem>>) offsets(%dma_start3A_132 : memref<128xi32, #tpu.memory_space<vmem>>) semaphore(%arg19 : memref<!tpu.dma_semaphore, #tpu.memory_space<semaphore_mem>>)
    %dma_start3A_138 = arith.constant 0 : i32
    %dma_start3A_139 = arith.constant 2 : i32
    %dma_start3A_140 = arith.constant 0 : i32
    %dma_start3A_141 = arith.constant 2 : i32
    %dma_start3A_142 = arith.constant 0 : i32
    %dma_start3A_143 = tpu.memref_slice %arg15[%dma_start3A_140, %dma_start3A_141, %dma_start3A_142] : memref<4x36x128xf32, #tpu.memory_space<vmem>> -> memref<1x1x128xf32, #tpu.memory_space<vmem>>
    %dma_start3A_144 = tpu.memref_squeeze %dma_start3A_143 : memref<1x1x128xf32, #tpu.memory_space<vmem>> -> memref<128xf32, #tpu.memory_space<vmem>>
    %dma_start3A_145 = arith.constant 0 : i32
    %dma_start3A_146 = tpu.memref_slice %arg13[%dma_start3A_138, %dma_start3A_139, %dma_start3A_145] : memref<4x36x128xi32, #tpu.memory_space<vmem>> -> memref<1x1x128xi32, #tpu.memory_space<vmem>>
    %dma_start3A_147 = tpu.memref_squeeze %dma_start3A_146 : memref<1x1x128xi32, #tpu.memory_space<vmem>> -> memref<128xi32, #tpu.memory_space<vmem>>
    %dma_start3A_148 = arith.constant 0 : i32
    %dma_start3A_149 = tpu.memref_slice %arg2[%dma_start3A_148] : memref<60549120xf32, #tpu.memory_space<hbm>> -> memref<60549120xf32, #tpu.memory_space<hbm>>
    tpu.enqueue_indirect_dma source(%dma_start3A_149 : memref<60549120xf32, #tpu.memory_space<hbm>>) target(%dma_start3A_144 : memref<128xf32, #tpu.memory_space<vmem>>) offsets(%dma_start3A_147 : memref<128xi32, #tpu.memory_space<vmem>>) semaphore(%arg18 : memref<!tpu.dma_semaphore, #tpu.memory_space<semaphore_mem>>)
    %dma_start3A_150 = arith.constant 1 : i32
    %dma_start3A_151 = arith.constant 2 : i32
    %dma_start3A_152 = arith.constant 1 : i32
    %dma_start3A_153 = arith.constant 2 : i32
    %dma_start3A_154 = arith.constant 0 : i32
    %dma_start3A_155 = tpu.memref_slice %arg15[%dma_start3A_152, %dma_start3A_153, %dma_start3A_154] : memref<4x36x128xf32, #tpu.memory_space<vmem>> -> memref<1x1x128xf32, #tpu.memory_space<vmem>>
    %dma_start3A_156 = tpu.memref_squeeze %dma_start3A_155 : memref<1x1x128xf32, #tpu.memory_space<vmem>> -> memref<128xf32, #tpu.memory_space<vmem>>
    %dma_start3A_157 = arith.constant 0 : i32
    %dma_start3A_158 = tpu.memref_slice %arg13[%dma_start3A_150, %dma_start3A_151, %dma_start3A_157] : memref<4x36x128xi32, #tpu.memory_space<vmem>> -> memref<1x1x128xi32, #tpu.memory_space<vmem>>
    %dma_start3A_159 = tpu.memref_squeeze %dma_start3A_158 : memref<1x1x128xi32, #tpu.memory_space<vmem>> -> memref<128xi32, #tpu.memory_space<vmem>>
    %dma_start3A_160 = arith.constant 0 : i32
    %dma_start3A_161 = tpu.memref_slice %arg2[%dma_start3A_160] : memref<60549120xf32, #tpu.memory_space<hbm>> -> memref<60549120xf32, #tpu.memory_space<hbm>>
    tpu.enqueue_indirect_dma source(%dma_start3A_161 : memref<60549120xf32, #tpu.memory_space<hbm>>) target(%dma_start3A_156 : memref<128xf32, #tpu.memory_space<vmem>>) offsets(%dma_start3A_159 : memref<128xi32, #tpu.memory_space<vmem>>) semaphore(%arg18 : memref<!tpu.dma_semaphore, #tpu.memory_space<semaphore_mem>>)
    %dma_start3A_162 = arith.constant 2 : i32
    %dma_start3A_163 = arith.constant 2 : i32
    %dma_start3A_164 = arith.constant 2 : i32
    %dma_start3A_165 = arith.constant 2 : i32
    %dma_start3A_166 = arith.constant 0 : i32
    %dma_start3A_167 = tpu.memref_slice %arg15[%dma_start3A_164, %dma_start3A_165, %dma_start3A_166] : memref<4x36x128xf32, #tpu.memory_space<vmem>> -> memref<1x1x128xf32, #tpu.memory_space<vmem>>
    %dma_start3A_168 = tpu.memref_squeeze %dma_start3A_167 : memref<1x1x128xf32, #tpu.memory_space<vmem>> -> memref<128xf32, #tpu.memory_space<vmem>>
    %dma_start3A_169 = arith.constant 0 : i32
    %dma_start3A_170 = tpu.memref_slice %arg13[%dma_start3A_162, %dma_start3A_163, %dma_start3A_169] : memref<4x36x128xi32, #tpu.memory_space<vmem>> -> memref<1x1x128xi32, #tpu.memory_space<vmem>>
    %dma_start3A_171 = tpu.memref_squeeze %dma_start3A_170 : memref<1x1x128xi32, #tpu.memory_space<vmem>> -> memref<128xi32, #tpu.memory_space<vmem>>
    %dma_start3A_172 = arith.constant 0 : i32
    %dma_start3A_173 = tpu.memref_slice %arg2[%dma_start3A_172] : memref<60549120xf32, #tpu.memory_space<hbm>> -> memref<60549120xf32, #tpu.memory_space<hbm>>
    tpu.enqueue_indirect_dma source(%dma_start3A_173 : memref<60549120xf32, #tpu.memory_space<hbm>>) target(%dma_start3A_168 : memref<128xf32, #tpu.memory_space<vmem>>) offsets(%dma_start3A_171 : memref<128xi32, #tpu.memory_space<vmem>>) semaphore(%arg18 : memref<!tpu.dma_semaphore, #tpu.memory_space<semaphore_mem>>)
    %dma_start3A_174 = arith.constant 3 : i32
    %dma_start3A_175 = arith.constant 2 : i32
    %dma_start3A_176 = arith.constant 3 : i32
    %dma_start3A_177 = arith.constant 2 : i32
    %dma_start3A_178 = arith.constant 0 : i32
    %dma_start3A_179 = tpu.memref_slice %arg15[%dma_start3A_176, %dma_start3A_177, %dma_start3A_178] : memref<4x36x128xf32, #tpu.memory_space<vmem>> -> memref<1x1x128xf32, #tpu.memory_space<vmem>>
    %dma_start3A_180 = tpu.memref_squeeze %dma_start3A_179 : memref<1x1x128xf32, #tpu.memory_space<vmem>> -> memref<128xf32, #tpu.memory_space<vmem>>
    %dma_start3A_181 = arith.constant 0 : i32
    %dma_start3A_182 = tpu.memref_slice %arg13[%dma_start3A_174, %dma_start3A_175, %dma_start3A_181] : memref<4x36x128xi32, #tpu.memory_space<vmem>> -> memref<1x1x128xi32, #tpu.memory_space<vmem>>
    %dma_start3A_183 = tpu.memref_squeeze %dma_start3A_182 : memref<1x1x128xi32, #tpu.memory_space<vmem>> -> memref<128xi32, #tpu.memory_space<vmem>>
    %dma_start3A_184 = arith.constant 0 : i32
    %dma_start3A_185 = tpu.memref_slice %arg2[%dma_start3A_184] : memref<60549120xf32, #tpu.memory_space<hbm>> -> memref<60549120xf32, #tpu.memory_space<hbm>>
    tpu.enqueue_indirect_dma source(%dma_start3A_185 : memref<60549120xf32, #tpu.memory_space<hbm>>) target(%dma_start3A_180 : memref<128xf32, #tpu.memory_space<vmem>>) offsets(%dma_start3A_183 : memref<128xi32, #tpu.memory_space<vmem>>) semaphore(%arg18 : memref<!tpu.dma_semaphore, #tpu.memory_space<semaphore_mem>>)
    %dma_start3A_186 = arith.constant 0 : i32
    %dma_start3A_187 = arith.constant 2 : i32
    %dma_start3A_188 = arith.constant 2 : i32
    %dma_start3A_189 = arith.constant 0 : i32
    %dma_start3A_190 = tpu.memref_slice %arg16[%dma_start3A_188, %dma_start3A_189] : memref<36x128xf32, #tpu.memory_space<vmem>> -> memref<1x128xf32, #tpu.memory_space<vmem>>
    %dma_start3A_191 = tpu.memref_squeeze %dma_start3A_190 : memref<1x128xf32, #tpu.memory_space<vmem>> -> memref<128xf32, #tpu.memory_space<vmem>>
    %dma_start3A_192 = arith.constant 0 : i32
    %dma_start3A_193 = tpu.memref_slice %arg14[%dma_start3A_187, %dma_start3A_192] : memref<36x128xi32, #tpu.memory_space<vmem>> -> memref<1x128xi32, #tpu.memory_space<vmem>>
    %dma_start3A_194 = tpu.memref_squeeze %dma_start3A_193 : memref<1x128xi32, #tpu.memory_space<vmem>> -> memref<128xi32, #tpu.memory_space<vmem>>
    %dma_start3A_195 = arith.constant 0 : i32
    %dma_start3A_196 = tpu.memref_slice %arg3[%dma_start3A_186, %dma_start3A_195] : memref<1x15137280xf32, #tpu.memory_space<hbm>> -> memref<1x15137280xf32, #tpu.memory_space<hbm>>
    %dma_start3A_197 = tpu.memref_squeeze %dma_start3A_196 : memref<1x15137280xf32, #tpu.memory_space<hbm>> -> memref<15137280xf32, #tpu.memory_space<hbm>>
    %dma_start3A_198 = arith.constant 0 : i32
    %dma_start3A_199 = tpu.memref_slice %dma_start3A_197[%dma_start3A_198] : memref<15137280xf32, #tpu.memory_space<hbm>> -> memref<15137280xf32, #tpu.memory_space<hbm>>
    tpu.enqueue_indirect_dma source(%dma_start3A_199 : memref<15137280xf32, #tpu.memory_space<hbm>>) target(%dma_start3A_191 : memref<128xf32, #tpu.memory_space<vmem>>) offsets(%dma_start3A_194 : memref<128xi32, #tpu.memory_space<vmem>>) semaphore(%arg19 : memref<!tpu.dma_semaphore, #tpu.memory_space<semaphore_mem>>)
    %dma_start3A_200 = arith.constant 0 : i32
    %dma_start3A_201 = arith.constant 3 : i32
    %dma_start3A_202 = arith.constant 0 : i32
    %dma_start3A_203 = arith.constant 3 : i32
    %dma_start3A_204 = arith.constant 0 : i32
    %dma_start3A_205 = tpu.memref_slice %arg15[%dma_start3A_202, %dma_start3A_203, %dma_start3A_204] : memref<4x36x128xf32, #tpu.memory_space<vmem>> -> memref<1x1x128xf32, #tpu.memory_space<vmem>>
    %dma_start3A_206 = tpu.memref_squeeze %dma_start3A_205 : memref<1x1x128xf32, #tpu.memory_space<vmem>> -> memref<128xf32, #tpu.memory_space<vmem>>
    %dma_start3A_207 = arith.constant 0 : i32
    %dma_start3A_208 = tpu.memref_slice %arg13[%dma_start3A_200, %dma_start3A_201, %dma_start3A_207] : memref<4x36x128xi32, #tpu.memory_space<vmem>> -> memref<1x1x128xi32, #tpu.memory_space<vmem>>
    %dma_start3A_209 = tpu.memref_squeeze %dma_start3A_208 : memref<1x1x128xi32, #tpu.memory_space<vmem>> -> memref<128xi32, #tpu.memory_space<vmem>>
    %dma_start3A_210 = arith.constant 0 : i32
    %dma_start3A_211 = tpu.memref_slice %arg2[%dma_start3A_210] : memref<60549120xf32, #tpu.memory_space<hbm>> -> memref<60549120xf32, #tpu.memory_space<hbm>>
    tpu.enqueue_indirect_dma source(%dma_start3A_211 : memref<60549120xf32, #tpu.memory_space<hbm>>) target(%dma_start3A_206 : memref<128xf32, #tpu.memory_space<vmem>>) offsets(%dma_start3A_209 : memref<128xi32, #tpu.memory_space<vmem>>) semaphore(%arg18 : memref<!tpu.dma_semaphore, #tpu.memory_space<semaphore_mem>>)
    %dma_start3A_212 = arith.constant 1 : i32
    %dma_start3A_213 = arith.constant 3 : i32
    %dma_start3A_214 = arith.constant 1 : i32
    %dma_start3A_215 = arith.constant 3 : i32
    %dma_start3A_216 = arith.constant 0 : i32
    %dma_start3A_217 = tpu.memref_slice %arg15[%dma_start3A_214, %dma_start3A_215, %dma_start3A_216] : memref<4x36x128xf32, #tpu.memory_space<vmem>> -> memref<1x1x128xf32, #tpu.memory_space<vmem>>
    %dma_start3A_218 = tpu.memref_squeeze %dma_start3A_217 : memref<1x1x128xf32, #tpu.memory_space<vmem>> -> memref<128xf32, #tpu.memory_space<vmem>>
    %dma_start3A_219 = arith.constant 0 : i32
    %dma_start3A_220 = tpu.memref_slice %arg13[%dma_start3A_212, %dma_start3A_213, %dma_start3A_219] : memref<4x36x128xi32, #tpu.memory_space<vmem>> -> memref<1x1x128xi32, #tpu.memory_space<vmem>>
    %dma_start3A_221 = tpu.memref_squeeze %dma_start3A_220 : memref<1x1x128xi32, #tpu.memory_space<vmem>> -> memref<128xi32, #tpu.memory_space<vmem>>
    %dma_start3A_222 = arith.constant 0 : i32
    %dma_start3A_223 = tpu.memref_slice %arg2[%dma_start3A_222] : memref<60549120xf32, #tpu.memory_space<hbm>> -> memref<60549120xf32, #tpu.memory_space<hbm>>
    tpu.enqueue_indirect_dma source(%dma_start3A_223 : memref<60549120xf32, #tpu.memory_space<hbm>>) target(%dma_start3A_218 : memref<128xf32, #tpu.memory_space<vmem>>) offsets(%dma_start3A_221 : memref<128xi32, #tpu.memory_space<vmem>>) semaphore(%arg18 : memref<!tpu.dma_semaphore, #tpu.memory_space<semaphore_mem>>)
    %dma_start3A_224 = arith.constant 2 : i32
    %dma_start3A_225 = arith.constant 3 : i32
    %dma_start3A_226 = arith.constant 2 : i32
    %dma_start3A_227 = arith.constant 3 : i32
    %dma_start3A_228 = arith.constant 0 : i32
    %dma_start3A_229 = tpu.memref_slice %arg15[%dma_start3A_226, %dma_start3A_227, %dma_start3A_228] : memref<4x36x128xf32, #tpu.memory_space<vmem>> -> memref<1x1x128xf32, #tpu.memory_space<vmem>>
    %dma_start3A_230 = tpu.memref_squeeze %dma_start3A_229 : memref<1x1x128xf32, #tpu.memory_space<vmem>> -> memref<128xf32, #tpu.memory_space<vmem>>
    %dma_start3A_231 = arith.constant 0 : i32
    %dma_start3A_232 = tpu.memref_slice %arg13[%dma_start3A_224, %dma_start3A_225, %dma_start3A_231] : memref<4x36x128xi32, #tpu.memory_space<vmem>> -> memref<1x1x128xi32, #tpu.memory_space<vmem>>
    %dma_start3A_233 = tpu.memref_squeeze %dma_start3A_232 : memref<1x1x128xi32, #tpu.memory_space<vmem>> -> memref<128xi32, #tpu.memory_space<vmem>>
    %dma_start3A_234 = arith.constant 0 : i32
    %dma_start3A_235 = tpu.memref_slice %arg2[%dma_start3A_234] : memref<60549120xf32, #tpu.memory_space<hbm>> -> memref<60549120xf32, #tpu.memory_space<hbm>>
    tpu.enqueue_indirect_dma source(%dma_start3A_235 : memref<60549120xf32, #tpu.memory_space<hbm>>) target(%dma_start3A_230 : memref<128xf32, #tpu.memory_space<vmem>>) offsets(%dma_start3A_233 : memref<128xi32, #tpu.memory_space<vmem>>) semaphore(%arg18 : memref<!tpu.dma_semaphore, #tpu.memory_space<semaphore_mem>>)
    %dma_start3A_236 = arith.constant 3 : i32
    %dma_start3A_237 = arith.constant 3 : i32
    %dma_start3A_238 = arith.constant 3 : i32
    %dma_start3A_239 = arith.constant 3 : i32
    %dma_start3A_240 = arith.constant 0 : i32
    %dma_start3A_241 = tpu.memref_slice %arg15[%dma_start3A_238, %dma_start3A_239, %dma_start3A_240] : memref<4x36x128xf32, #tpu.memory_space<vmem>> -> memref<1x1x128xf32, #tpu.memory_space<vmem>>
    %dma_start3A_242 = tpu.memref_squeeze %dma_start3A_241 : memref<1x1x128xf32, #tpu.memory_space<vmem>> -> memref<128xf32, #tpu.memory_space<vmem>>
    %dma_start3A_243 = arith.constant 0 : i32
    %dma_start3A_244 = tpu.memref_slice %arg13[%dma_start3A_236, %dma_start3A_237, %dma_start3A_243] : memref<4x36x128xi32, #tpu.memory_space<vmem>> -> memref<1x1x128xi32, #tpu.memory_space<vmem>>
    %dma_start3A_245 = tpu.memref_squeeze %dma_start3A_244 : memref<1x1x128xi32, #tpu.memory_space<vmem>> -> memref<128xi32, #tpu.memory_space<vmem>>
    %dma_start3A_246 = arith.constant 0 : i32
    %dma_start3A_247 = tpu.memref_slice %arg2[%dma_start3A_246] : memref<60549120xf32, #tpu.memory_space<hbm>> -> memref<60549120xf32, #tpu.memory_space<hbm>>
    tpu.enqueue_indirect_dma source(%dma_start3A_247 : memref<60549120xf32, #tpu.memory_space<hbm>>) target(%dma_start3A_242 : memref<128xf32, #tpu.memory_space<vmem>>) offsets(%dma_start3A_245 : memref<128xi32, #tpu.memory_space<vmem>>) semaphore(%arg18 : memref<!tpu.dma_semaphore, #tpu.memory_space<semaphore_mem>>)
    %dma_start3A_248 = arith.constant 0 : i32
    %dma_start3A_249 = arith.constant 3 : i32
    %dma_start3A_250 = arith.constant 3 : i32
    %dma_start3A_251 = arith.constant 0 : i32
    %dma_start3A_252 = tpu.memref_slice %arg16[%dma_start3A_250, %dma_start3A_251] : memref<36x128xf32, #tpu.memory_space<vmem>> -> memref<1x128xf32, #tpu.memory_space<vmem>>
    %dma_start3A_253 = tpu.memref_squeeze %dma_start3A_252 : memref<1x128xf32, #tpu.memory_space<vmem>> -> memref<128xf32, #tpu.memory_space<vmem>>
    %dma_start3A_254 = arith.constant 0 : i32
    %dma_start3A_255 = tpu.memref_slice %arg14[%dma_start3A_249, %dma_start3A_254] : memref<36x128xi32, #tpu.memory_space<vmem>> -> memref<1x128xi32, #tpu.memory_space<vmem>>
    %dma_start3A_256 = tpu.memref_squeeze %dma_start3A_255 : memref<1x128xi32, #tpu.memory_space<vmem>> -> memref<128xi32, #tpu.memory_space<vmem>>
    %dma_start3A_257 = arith.constant 0 : i32
    %dma_start3A_258 = tpu.memref_slice %arg3[%dma_start3A_248, %dma_start3A_257] : memref<1x15137280xf32, #tpu.memory_space<hbm>> -> memref<1x15137280xf32, #tpu.memory_space<hbm>>
    %dma_start3A_259 = tpu.memref_squeeze %dma_start3A_258 : memref<1x15137280xf32, #tpu.memory_space<hbm>> -> memref<15137280xf32, #tpu.memory_space<hbm>>
    %dma_start3A_260 = arith.constant 0 : i32
    %dma_start3A_261 = tpu.memref_slice %dma_start3A_259[%dma_start3A_260] : memref<15137280xf32, #tpu.memory_space<hbm>> -> memref<15137280xf32, #tpu.memory_space<hbm>>
    tpu.enqueue_indirect_dma source(%dma_start3A_261 : memref<15137280xf32, #tpu.memory_space<hbm>>) target(%dma_start3A_253 : memref<128xf32, #tpu.memory_space<vmem>>) offsets(%dma_start3A_256 : memref<128xi32, #tpu.memory_space<vmem>>) semaphore(%arg19 : memref<!tpu.dma_semaphore, #tpu.memory_space<semaphore_mem>>)
    %scan3A_262 = arith.constant 0 : i32
    %scan3A_263 = arith.constant 0 : i32
    %scan3A_264 = arith.constant 32 : i32
    %scan3A_265 = arith.addi %scan3A_263, %scan3A_264 : i32
    %scan3A_266 = arith.constant 1 : i32
    scf.for %scan3A_521 = %scan3A_263 to %scan3A_265 step %scan3A_266  : i32 {
      %add3A_522 = arith.constant 4 : i32
      %add3A_523 = arith.addi %scan3A_521, %add3A_522 : i32
      %dma_start3A_524 = arith.constant 0 : i32
      %dma_start3A_525 = arith.constant 0 : i32
      %dma_start3A_526 = arith.constant 0 : i32
      %dma_start3A_527 = tpu.memref_slice %arg15[%dma_start3A_525, %add3A_523, %dma_start3A_526] : memref<4x36x128xf32, #tpu.memory_space<vmem>> -> memref<1x1x128xf32, #tpu.memory_space<vmem>>
      %dma_start3A_528 = tpu.memref_squeeze %dma_start3A_527 : memref<1x1x128xf32, #tpu.memory_space<vmem>> -> memref<128xf32, #tpu.memory_space<vmem>>
      %dma_start3A_529 = arith.constant 0 : i32
      %dma_start3A_530 = tpu.memref_slice %arg13[%dma_start3A_524, %add3A_523, %dma_start3A_529] : memref<4x36x128xi32, #tpu.memory_space<vmem>> -> memref<1x1x128xi32, #tpu.memory_space<vmem>>
      %dma_start3A_531 = tpu.memref_squeeze %dma_start3A_530 : memref<1x1x128xi32, #tpu.memory_space<vmem>> -> memref<128xi32, #tpu.memory_space<vmem>>
      %dma_start3A_532 = arith.constant 0 : i32
      %dma_start3A_533 = tpu.memref_slice %arg2[%dma_start3A_532] : memref<60549120xf32, #tpu.memory_space<hbm>> -> memref<60549120xf32, #tpu.memory_space<hbm>>
      tpu.enqueue_indirect_dma source(%dma_start3A_533 : memref<60549120xf32, #tpu.memory_space<hbm>>) target(%dma_start3A_528 : memref<128xf32, #tpu.memory_space<vmem>>) offsets(%dma_start3A_531 : memref<128xi32, #tpu.memory_space<vmem>>) semaphore(%arg18 : memref<!tpu.dma_semaphore, #tpu.memory_space<semaphore_mem>>)
      %dma_start3A_534 = arith.constant 1 : i32
      %dma_start3A_535 = arith.constant 1 : i32
      %dma_start3A_536 = arith.constant 0 : i32
      %dma_start3A_537 = tpu.memref_slice %arg15[%dma_start3A_535, %add3A_523, %dma_start3A_536] : memref<4x36x128xf32, #tpu.memory_space<vmem>> -> memref<1x1x128xf32, #tpu.memory_space<vmem>>
      %dma_start3A_538 = tpu.memref_squeeze %dma_start3A_537 : memref<1x1x128xf32, #tpu.memory_space<vmem>> -> memref<128xf32, #tpu.memory_space<vmem>>
      %dma_start3A_539 = arith.constant 0 : i32
      %dma_start3A_540 = tpu.memref_slice %arg13[%dma_start3A_534, %add3A_523, %dma_start3A_539] : memref<4x36x128xi32, #tpu.memory_space<vmem>> -> memref<1x1x128xi32, #tpu.memory_space<vmem>>
      %dma_start3A_541 = tpu.memref_squeeze %dma_start3A_540 : memref<1x1x128xi32, #tpu.memory_space<vmem>> -> memref<128xi32, #tpu.memory_space<vmem>>
      %dma_start3A_542 = arith.constant 0 : i32
      %dma_start3A_543 = tpu.memref_slice %arg2[%dma_start3A_542] : memref<60549120xf32, #tpu.memory_space<hbm>> -> memref<60549120xf32, #tpu.memory_space<hbm>>
      tpu.enqueue_indirect_dma source(%dma_start3A_543 : memref<60549120xf32, #tpu.memory_space<hbm>>) target(%dma_start3A_538 : memref<128xf32, #tpu.memory_space<vmem>>) offsets(%dma_start3A_541 : memref<128xi32, #tpu.memory_space<vmem>>) semaphore(%arg18 : memref<!tpu.dma_semaphore, #tpu.memory_space<semaphore_mem>>)
      %dma_start3A_544 = arith.constant 2 : i32
      %dma_start3A_545 = arith.constant 2 : i32
      %dma_start3A_546 = arith.constant 0 : i32
      %dma_start3A_547 = tpu.memref_slice %arg15[%dma_start3A_545, %add3A_523, %dma_start3A_546] : memref<4x36x128xf32, #tpu.memory_space<vmem>> -> memref<1x1x128xf32, #tpu.memory_space<vmem>>
      %dma_start3A_548 = tpu.memref_squeeze %dma_start3A_547 : memref<1x1x128xf32, #tpu.memory_space<vmem>> -> memref<128xf32, #tpu.memory_space<vmem>>
      %dma_start3A_549 = arith.constant 0 : i32
      %dma_start3A_550 = tpu.memref_slice %arg13[%dma_start3A_544, %add3A_523, %dma_start3A_549] : memref<4x36x128xi32, #tpu.memory_space<vmem>> -> memref<1x1x128xi32, #tpu.memory_space<vmem>>
      %dma_start3A_551 = tpu.memref_squeeze %dma_start3A_550 : memref<1x1x128xi32, #tpu.memory_space<vmem>> -> memref<128xi32, #tpu.memory_space<vmem>>
      %dma_start3A_552 = arith.constant 0 : i32
      %dma_start3A_553 = tpu.memref_slice %arg2[%dma_start3A_552] : memref<60549120xf32, #tpu.memory_space<hbm>> -> memref<60549120xf32, #tpu.memory_space<hbm>>
      tpu.enqueue_indirect_dma source(%dma_start3A_553 : memref<60549120xf32, #tpu.memory_space<hbm>>) target(%dma_start3A_548 : memref<128xf32, #tpu.memory_space<vmem>>) offsets(%dma_start3A_551 : memref<128xi32, #tpu.memory_space<vmem>>) semaphore(%arg18 : memref<!tpu.dma_semaphore, #tpu.memory_space<semaphore_mem>>)
      %dma_start3A_554 = arith.constant 3 : i32
      %dma_start3A_555 = arith.constant 3 : i32
      %dma_start3A_556 = arith.constant 0 : i32
      %dma_start3A_557 = tpu.memref_slice %arg15[%dma_start3A_555, %add3A_523, %dma_start3A_556] : memref<4x36x128xf32, #tpu.memory_space<vmem>> -> memref<1x1x128xf32, #tpu.memory_space<vmem>>
      %dma_start3A_558 = tpu.memref_squeeze %dma_start3A_557 : memref<1x1x128xf32, #tpu.memory_space<vmem>> -> memref<128xf32, #tpu.memory_space<vmem>>
      %dma_start3A_559 = arith.constant 0 : i32
      %dma_start3A_560 = tpu.memref_slice %arg13[%dma_start3A_554, %add3A_523, %dma_start3A_559] : memref<4x36x128xi32, #tpu.memory_space<vmem>> -> memref<1x1x128xi32, #tpu.memory_space<vmem>>
      %dma_start3A_561 = tpu.memref_squeeze %dma_start3A_560 : memref<1x1x128xi32, #tpu.memory_space<vmem>> -> memref<128xi32, #tpu.memory_space<vmem>>
      %dma_start3A_562 = arith.constant 0 : i32
      %dma_start3A_563 = tpu.memref_slice %arg2[%dma_start3A_562] : memref<60549120xf32, #tpu.memory_space<hbm>> -> memref<60549120xf32, #tpu.memory_space<hbm>>
      tpu.enqueue_indirect_dma source(%dma_start3A_563 : memref<60549120xf32, #tpu.memory_space<hbm>>) target(%dma_start3A_558 : memref<128xf32, #tpu.memory_space<vmem>>) offsets(%dma_start3A_561 : memref<128xi32, #tpu.memory_space<vmem>>) semaphore(%arg18 : memref<!tpu.dma_semaphore, #tpu.memory_space<semaphore_mem>>)
      %dma_start3A_564 = arith.constant 0 : i32
      %dma_start3A_565 = arith.constant 0 : i32
      %dma_start3A_566 = tpu.memref_slice %arg16[%add3A_523, %dma_start3A_565] : memref<36x128xf32, #tpu.memory_space<vmem>> -> memref<1x128xf32, #tpu.memory_space<vmem>>
      %dma_start3A_567 = tpu.memref_squeeze %dma_start3A_566 : memref<1x128xf32, #tpu.memory_space<vmem>> -> memref<128xf32, #tpu.memory_space<vmem>>
      %dma_start3A_568 = arith.constant 0 : i32
      %dma_start3A_569 = tpu.memref_slice %arg14[%add3A_523, %dma_start3A_568] : memref<36x128xi32, #tpu.memory_space<vmem>> -> memref<1x128xi32, #tpu.memory_space<vmem>>
      %dma_start3A_570 = tpu.memref_squeeze %dma_start3A_569 : memref<1x128xi32, #tpu.memory_space<vmem>> -> memref<128xi32, #tpu.memory_space<vmem>>
      %dma_start3A_571 = arith.constant 0 : i32
      %dma_start3A_572 = tpu.memref_slice %arg3[%dma_start3A_564, %dma_start3A_571] : memref<1x15137280xf32, #tpu.memory_space<hbm>> -> memref<1x15137280xf32, #tpu.memory_space<hbm>>
      %dma_start3A_573 = tpu.memref_squeeze %dma_start3A_572 : memref<1x15137280xf32, #tpu.memory_space<hbm>> -> memref<15137280xf32, #tpu.memory_space<hbm>>
      %dma_start3A_574 = arith.constant 0 : i32
      %dma_start3A_575 = tpu.memref_slice %dma_start3A_573[%dma_start3A_574] : memref<15137280xf32, #tpu.memory_space<hbm>> -> memref<15137280xf32, #tpu.memory_space<hbm>>
      tpu.enqueue_indirect_dma source(%dma_start3A_575 : memref<15137280xf32, #tpu.memory_space<hbm>>) target(%dma_start3A_567 : memref<128xf32, #tpu.memory_space<vmem>>) offsets(%dma_start3A_570 : memref<128xi32, #tpu.memory_space<vmem>>) semaphore(%arg19 : memref<!tpu.dma_semaphore, #tpu.memory_space<semaphore_mem>>)
      %dma_wait3A_576 = arith.constant 0 : i32
      %dma_wait3A_577 = arith.constant 0 : i32
      %dma_wait3A_578 = arith.constant 0 : i32
      %dma_wait3A_579 = tpu.memref_slice %arg15[%dma_wait3A_577, %scan3A_521, %dma_wait3A_578] : memref<4x36x128xf32, #tpu.memory_space<vmem>> -> memref<1x1x128xf32, #tpu.memory_space<vmem>>
      %dma_wait3A_580 = tpu.memref_squeeze %dma_wait3A_579 : memref<1x1x128xf32, #tpu.memory_space<vmem>> -> memref<128xf32, #tpu.memory_space<vmem>>
      %dma_wait3A_581 = arith.constant 0 : i32
      %dma_wait3A_582 = tpu.memref_slice %arg13[%dma_wait3A_576, %scan3A_521, %dma_wait3A_581] : memref<4x36x128xi32, #tpu.memory_space<vmem>> -> memref<1x1x128xi32, #tpu.memory_space<vmem>>
      %dma_wait3A_583 = tpu.memref_squeeze %dma_wait3A_582 : memref<1x1x128xi32, #tpu.memory_space<vmem>> -> memref<128xi32, #tpu.memory_space<vmem>>
      %dma_wait3A_584 = arith.constant 0 : i32
      %dma_wait3A_585 = tpu.memref_slice %arg2[%dma_wait3A_584] : memref<60549120xf32, #tpu.memory_space<hbm>> -> memref<60549120xf32, #tpu.memory_space<hbm>>
      tpu.wait_indirect_dma semaphore(%arg18 : memref<!tpu.dma_semaphore, #tpu.memory_space<semaphore_mem>>) src(%dma_wait3A_585 : memref<60549120xf32, #tpu.memory_space<hbm>>) dst(%dma_wait3A_580 : memref<128xf32, #tpu.memory_space<vmem>>)
      %dma_wait3A_586 = arith.constant 1 : i32
      %dma_wait3A_587 = arith.constant 1 : i32
      %dma_wait3A_588 = arith.constant 0 : i32
      %dma_wait3A_589 = tpu.memref_slice %arg15[%dma_wait3A_587, %scan3A_521, %dma_wait3A_588] : memref<4x36x128xf32, #tpu.memory_space<vmem>> -> memref<1x1x128xf32, #tpu.memory_space<vmem>>
      %dma_wait3A_590 = tpu.memref_squeeze %dma_wait3A_589 : memref<1x1x128xf32, #tpu.memory_space<vmem>> -> memref<128xf32, #tpu.memory_space<vmem>>
      %dma_wait3A_591 = arith.constant 0 : i32
      %dma_wait3A_592 = tpu.memref_slice %arg13[%dma_wait3A_586, %scan3A_521, %dma_wait3A_591] : memref<4x36x128xi32, #tpu.memory_space<vmem>> -> memref<1x1x128xi32, #tpu.memory_space<vmem>>
      %dma_wait3A_593 = tpu.memref_squeeze %dma_wait3A_592 : memref<1x1x128xi32, #tpu.memory_space<vmem>> -> memref<128xi32, #tpu.memory_space<vmem>>
      %dma_wait3A_594 = arith.constant 0 : i32
      %dma_wait3A_595 = tpu.memref_slice %arg2[%dma_wait3A_594] : memref<60549120xf32, #tpu.memory_space<hbm>> -> memref<60549120xf32, #tpu.memory_space<hbm>>
      tpu.wait_indirect_dma semaphore(%arg18 : memref<!tpu.dma_semaphore, #tpu.memory_space<semaphore_mem>>) src(%dma_wait3A_595 : memref<60549120xf32, #tpu.memory_space<hbm>>) dst(%dma_wait3A_590 : memref<128xf32, #tpu.memory_space<vmem>>)
      %dma_wait3A_596 = arith.constant 2 : i32
      %dma_wait3A_597 = arith.constant 2 : i32
      %dma_wait3A_598 = arith.constant 0 : i32
      %dma_wait3A_599 = tpu.memref_slice %arg15[%dma_wait3A_597, %scan3A_521, %dma_wait3A_598] : memref<4x36x128xf32, #tpu.memory_space<vmem>> -> memref<1x1x128xf32, #tpu.memory_space<vmem>>
      %dma_wait3A_600 = tpu.memref_squeeze %dma_wait3A_599 : memref<1x1x128xf32, #tpu.memory_space<vmem>> -> memref<128xf32, #tpu.memory_space<vmem>>
      %dma_wait3A_601 = arith.constant 0 : i32
      %dma_wait3A_602 = tpu.memref_slice %arg13[%dma_wait3A_596, %scan3A_521, %dma_wait3A_601] : memref<4x36x128xi32, #tpu.memory_space<vmem>> -> memref<1x1x128xi32, #tpu.memory_space<vmem>>
      %dma_wait3A_603 = tpu.memref_squeeze %dma_wait3A_602 : memref<1x1x128xi32, #tpu.memory_space<vmem>> -> memref<128xi32, #tpu.memory_space<vmem>>
      %dma_wait3A_604 = arith.constant 0 : i32
      %dma_wait3A_605 = tpu.memref_slice %arg2[%dma_wait3A_604] : memref<60549120xf32, #tpu.memory_space<hbm>> -> memref<60549120xf32, #tpu.memory_space<hbm>>
      tpu.wait_indirect_dma semaphore(%arg18 : memref<!tpu.dma_semaphore, #tpu.memory_space<semaphore_mem>>) src(%dma_wait3A_605 : memref<60549120xf32, #tpu.memory_space<hbm>>) dst(%dma_wait3A_600 : memref<128xf32, #tpu.memory_space<vmem>>)
      %dma_wait3A_606 = arith.constant 3 : i32
      %dma_wait3A_607 = arith.constant 3 : i32
      %dma_wait3A_608 = arith.constant 0 : i32
      %dma_wait3A_609 = tpu.memref_slice %arg15[%dma_wait3A_607, %scan3A_521, %dma_wait3A_608] : memref<4x36x128xf32, #tpu.memory_space<vmem>> -> memref<1x1x128xf32, #tpu.memory_space<vmem>>
      %dma_wait3A_610 = tpu.memref_squeeze %dma_wait3A_609 : memref<1x1x128xf32, #tpu.memory_space<vmem>> -> memref<128xf32, #tpu.memory_space<vmem>>
      %dma_wait3A_611 = arith.constant 0 : i32
      %dma_wait3A_612 = tpu.memref_slice %arg13[%dma_wait3A_606, %scan3A_521, %dma_wait3A_611] : memref<4x36x128xi32, #tpu.memory_space<vmem>> -> memref<1x1x128xi32, #tpu.memory_space<vmem>>
      %dma_wait3A_613 = tpu.memref_squeeze %dma_wait3A_612 : memref<1x1x128xi32, #tpu.memory_space<vmem>> -> memref<128xi32, #tpu.memory_space<vmem>>
      %dma_wait3A_614 = arith.constant 0 : i32
      %dma_wait3A_615 = tpu.memref_slice %arg2[%dma_wait3A_614] : memref<60549120xf32, #tpu.memory_space<hbm>> -> memref<60549120xf32, #tpu.memory_space<hbm>>
      tpu.wait_indirect_dma semaphore(%arg18 : memref<!tpu.dma_semaphore, #tpu.memory_space<semaphore_mem>>) src(%dma_wait3A_615 : memref<60549120xf32, #tpu.memory_space<hbm>>) dst(%dma_wait3A_610 : memref<128xf32, #tpu.memory_space<vmem>>)
      %dma_wait3A_616 = arith.constant 0 : i32
      %dma_wait3A_617 = arith.constant 0 : i32
      %dma_wait3A_618 = tpu.memref_slice %arg16[%scan3A_521, %dma_wait3A_617] : memref<36x128xf32, #tpu.memory_space<vmem>> -> memref<1x128xf32, #tpu.memory_space<vmem>>
      %dma_wait3A_619 = tpu.memref_squeeze %dma_wait3A_618 : memref<1x128xf32, #tpu.memory_space<vmem>> -> memref<128xf32, #tpu.memory_space<vmem>>
      %dma_wait3A_620 = arith.constant 0 : i32
      %dma_wait3A_621 = tpu.memref_slice %arg14[%scan3A_521, %dma_wait3A_620] : memref<36x128xi32, #tpu.memory_space<vmem>> -> memref<1x128xi32, #tpu.memory_space<vmem>>
      %dma_wait3A_622 = tpu.memref_squeeze %dma_wait3A_621 : memref<1x128xi32, #tpu.memory_space<vmem>> -> memref<128xi32, #tpu.memory_space<vmem>>
      %dma_wait3A_623 = arith.constant 0 : i32
      %dma_wait3A_624 = tpu.memref_slice %arg3[%dma_wait3A_616, %dma_wait3A_623] : memref<1x15137280xf32, #tpu.memory_space<hbm>> -> memref<1x15137280xf32, #tpu.memory_space<hbm>>
      %dma_wait3A_625 = tpu.memref_squeeze %dma_wait3A_624 : memref<1x15137280xf32, #tpu.memory_space<hbm>> -> memref<15137280xf32, #tpu.memory_space<hbm>>
      %dma_wait3A_626 = arith.constant 0 : i32
      %dma_wait3A_627 = tpu.memref_slice %dma_wait3A_625[%dma_wait3A_626] : memref<15137280xf32, #tpu.memory_space<hbm>> -> memref<15137280xf32, #tpu.memory_space<hbm>>
      tpu.wait_indirect_dma semaphore(%arg19 : memref<!tpu.dma_semaphore, #tpu.memory_space<semaphore_mem>>) src(%dma_wait3A_627 : memref<15137280xf32, #tpu.memory_space<hbm>>) dst(%dma_wait3A_619 : memref<128xf32, #tpu.memory_space<vmem>>)
    }
    %scan3A_267 = arith.constant 32 : i32
    %dma_wait3A = arith.constant 0 : i32
    %dma_wait3A_268 = arith.constant 32 : i32
    %dma_wait3A_269 = arith.constant 0 : i32
    %dma_wait3A_270 = arith.constant 32 : i32
    %dma_wait3A_271 = arith.constant 0 : i32
    %dma_wait3A_272 = tpu.memref_slice %arg15[%dma_wait3A_269, %dma_wait3A_270, %dma_wait3A_271] : memref<4x36x128xf32, #tpu.memory_space<vmem>> -> memref<1x1x128xf32, #tpu.memory_space<vmem>>
    %dma_wait3A_273 = tpu.memref_squeeze %dma_wait3A_272 : memref<1x1x128xf32, #tpu.memory_space<vmem>> -> memref<128xf32, #tpu.memory_space<vmem>>
    %dma_wait3A_274 = arith.constant 0 : i32
    %dma_wait3A_275 = tpu.memref_slice %arg13[%dma_wait3A, %dma_wait3A_268, %dma_wait3A_274] : memref<4x36x128xi32, #tpu.memory_space<vmem>> -> memref<1x1x128xi32, #tpu.memory_space<vmem>>
    %dma_wait3A_276 = tpu.memref_squeeze %dma_wait3A_275 : memref<1x1x128xi32, #tpu.memory_space<vmem>> -> memref<128xi32, #tpu.memory_space<vmem>>
    %dma_wait3A_277 = arith.constant 0 : i32
    %dma_wait3A_278 = tpu.memref_slice %arg2[%dma_wait3A_277] : memref<60549120xf32, #tpu.memory_space<hbm>> -> memref<60549120xf32, #tpu.memory_space<hbm>>
    tpu.wait_indirect_dma semaphore(%arg18 : memref<!tpu.dma_semaphore, #tpu.memory_space<semaphore_mem>>) src(%dma_wait3A_278 : memref<60549120xf32, #tpu.memory_space<hbm>>) dst(%dma_wait3A_273 : memref<128xf32, #tpu.memory_space<vmem>>)
    %dma_wait3A_279 = arith.constant 1 : i32
    %dma_wait3A_280 = arith.constant 32 : i32
    %dma_wait3A_281 = arith.constant 1 : i32
    %dma_wait3A_282 = arith.constant 32 : i32
    %dma_wait3A_283 = arith.constant 0 : i32
    %dma_wait3A_284 = tpu.memref_slice %arg15[%dma_wait3A_281, %dma_wait3A_282, %dma_wait3A_283] : memref<4x36x128xf32, #tpu.memory_space<vmem>> -> memref<1x1x128xf32, #tpu.memory_space<vmem>>
    %dma_wait3A_285 = tpu.memref_squeeze %dma_wait3A_284 : memref<1x1x128xf32, #tpu.memory_space<vmem>> -> memref<128xf32, #tpu.memory_space<vmem>>
    %dma_wait3A_286 = arith.constant 0 : i32
    %dma_wait3A_287 = tpu.memref_slice %arg13[%dma_wait3A_279, %dma_wait3A_280, %dma_wait3A_286] : memref<4x36x128xi32, #tpu.memory_space<vmem>> -> memref<1x1x128xi32, #tpu.memory_space<vmem>>
    %dma_wait3A_288 = tpu.memref_squeeze %dma_wait3A_287 : memref<1x1x128xi32, #tpu.memory_space<vmem>> -> memref<128xi32, #tpu.memory_space<vmem>>
    %dma_wait3A_289 = arith.constant 0 : i32
    %dma_wait3A_290 = tpu.memref_slice %arg2[%dma_wait3A_289] : memref<60549120xf32, #tpu.memory_space<hbm>> -> memref<60549120xf32, #tpu.memory_space<hbm>>
    tpu.wait_indirect_dma semaphore(%arg18 : memref<!tpu.dma_semaphore, #tpu.memory_space<semaphore_mem>>) src(%dma_wait3A_290 : memref<60549120xf32, #tpu.memory_space<hbm>>) dst(%dma_wait3A_285 : memref<128xf32, #tpu.memory_space<vmem>>)
    %dma_wait3A_291 = arith.constant 2 : i32
    %dma_wait3A_292 = arith.constant 32 : i32
    %dma_wait3A_293 = arith.constant 2 : i32
    %dma_wait3A_294 = arith.constant 32 : i32
    %dma_wait3A_295 = arith.constant 0 : i32
    %dma_wait3A_296 = tpu.memref_slice %arg15[%dma_wait3A_293, %dma_wait3A_294, %dma_wait3A_295] : memref<4x36x128xf32, #tpu.memory_space<vmem>> -> memref<1x1x128xf32, #tpu.memory_space<vmem>>
    %dma_wait3A_297 = tpu.memref_squeeze %dma_wait3A_296 : memref<1x1x128xf32, #tpu.memory_space<vmem>> -> memref<128xf32, #tpu.memory_space<vmem>>
    %dma_wait3A_298 = arith.constant 0 : i32
    %dma_wait3A_299 = tpu.memref_slice %arg13[%dma_wait3A_291, %dma_wait3A_292, %dma_wait3A_298] : memref<4x36x128xi32, #tpu.memory_space<vmem>> -> memref<1x1x128xi32, #tpu.memory_space<vmem>>
    %dma_wait3A_300 = tpu.memref_squeeze %dma_wait3A_299 : memref<1x1x128xi32, #tpu.memory_space<vmem>> -> memref<128xi32, #tpu.memory_space<vmem>>
    %dma_wait3A_301 = arith.constant 0 : i32
    %dma_wait3A_302 = tpu.memref_slice %arg2[%dma_wait3A_301] : memref<60549120xf32, #tpu.memory_space<hbm>> -> memref<60549120xf32, #tpu.memory_space<hbm>>
    tpu.wait_indirect_dma semaphore(%arg18 : memref<!tpu.dma_semaphore, #tpu.memory_space<semaphore_mem>>) src(%dma_wait3A_302 : memref<60549120xf32, #tpu.memory_space<hbm>>) dst(%dma_wait3A_297 : memref<128xf32, #tpu.memory_space<vmem>>)
    %dma_wait3A_303 = arith.constant 3 : i32
    %dma_wait3A_304 = arith.constant 32 : i32
    %dma_wait3A_305 = arith.constant 3 : i32
    %dma_wait3A_306 = arith.constant 32 : i32
    %dma_wait3A_307 = arith.constant 0 : i32
    %dma_wait3A_308 = tpu.memref_slice %arg15[%dma_wait3A_305, %dma_wait3A_306, %dma_wait3A_307] : memref<4x36x128xf32, #tpu.memory_space<vmem>> -> memref<1x1x128xf32, #tpu.memory_space<vmem>>
    %dma_wait3A_309 = tpu.memref_squeeze %dma_wait3A_308 : memref<1x1x128xf32, #tpu.memory_space<vmem>> -> memref<128xf32, #tpu.memory_space<vmem>>
    %dma_wait3A_310 = arith.constant 0 : i32
    %dma_wait3A_311 = tpu.memref_slice %arg13[%dma_wait3A_303, %dma_wait3A_304, %dma_wait3A_310] : memref<4x36x128xi32, #tpu.memory_space<vmem>> -> memref<1x1x128xi32, #tpu.memory_space<vmem>>
    %dma_wait3A_312 = tpu.memref_squeeze %dma_wait3A_311 : memref<1x1x128xi32, #tpu.memory_space<vmem>> -> memref<128xi32, #tpu.memory_space<vmem>>
    %dma_wait3A_313 = arith.constant 0 : i32
    %dma_wait3A_314 = tpu.memref_slice %arg2[%dma_wait3A_313] : memref<60549120xf32, #tpu.memory_space<hbm>> -> memref<60549120xf32, #tpu.memory_space<hbm>>
    tpu.wait_indirect_dma semaphore(%arg18 : memref<!tpu.dma_semaphore, #tpu.memory_space<semaphore_mem>>) src(%dma_wait3A_314 : memref<60549120xf32, #tpu.memory_space<hbm>>) dst(%dma_wait3A_309 : memref<128xf32, #tpu.memory_space<vmem>>)
    %dma_wait3A_315 = arith.constant 0 : i32
    %dma_wait3A_316 = arith.constant 32 : i32
    %dma_wait3A_317 = arith.constant 32 : i32
    %dma_wait3A_318 = arith.constant 0 : i32
    %dma_wait3A_319 = tpu.memref_slice %arg16[%dma_wait3A_317, %dma_wait3A_318] : memref<36x128xf32, #tpu.memory_space<vmem>> -> memref<1x128xf32, #tpu.memory_space<vmem>>
    %dma_wait3A_320 = tpu.memref_squeeze %dma_wait3A_319 : memref<1x128xf32, #tpu.memory_space<vmem>> -> memref<128xf32, #tpu.memory_space<vmem>>
    %dma_wait3A_321 = arith.constant 0 : i32
    %dma_wait3A_322 = tpu.memref_slice %arg14[%dma_wait3A_316, %dma_wait3A_321] : memref<36x128xi32, #tpu.memory_space<vmem>> -> memref<1x128xi32, #tpu.memory_space<vmem>>
    %dma_wait3A_323 = tpu.memref_squeeze %dma_wait3A_322 : memref<1x128xi32, #tpu.memory_space<vmem>> -> memref<128xi32, #tpu.memory_space<vmem>>
    %dma_wait3A_324 = arith.constant 0 : i32
    %dma_wait3A_325 = tpu.memref_slice %arg3[%dma_wait3A_315, %dma_wait3A_324] : memref<1x15137280xf32, #tpu.memory_space<hbm>> -> memref<1x15137280xf32, #tpu.memory_space<hbm>>
    %dma_wait3A_326 = tpu.memref_squeeze %dma_wait3A_325 : memref<1x15137280xf32, #tpu.memory_space<hbm>> -> memref<15137280xf32, #tpu.memory_space<hbm>>
    %dma_wait3A_327 = arith.constant 0 : i32
    %dma_wait3A_328 = tpu.memref_slice %dma_wait3A_326[%dma_wait3A_327] : memref<15137280xf32, #tpu.memory_space<hbm>> -> memref<15137280xf32, #tpu.memory_space<hbm>>
    tpu.wait_indirect_dma semaphore(%arg19 : memref<!tpu.dma_semaphore, #tpu.memory_space<semaphore_mem>>) src(%dma_wait3A_328 : memref<15137280xf32, #tpu.memory_space<hbm>>) dst(%dma_wait3A_320 : memref<128xf32, #tpu.memory_space<vmem>>)
    %dma_wait3A_329 = arith.constant 0 : i32
    %dma_wait3A_330 = arith.constant 33 : i32
    %dma_wait3A_331 = arith.constant 0 : i32
    %dma_wait3A_332 = arith.constant 33 : i32
    %dma_wait3A_333 = arith.constant 0 : i32
    %dma_wait3A_334 = tpu.memref_slice %arg15[%dma_wait3A_331, %dma_wait3A_332, %dma_wait3A_333] : memref<4x36x128xf32, #tpu.memory_space<vmem>> -> memref<1x1x128xf32, #tpu.memory_space<vmem>>
    %dma_wait3A_335 = tpu.memref_squeeze %dma_wait3A_334 : memref<1x1x128xf32, #tpu.memory_space<vmem>> -> memref<128xf32, #tpu.memory_space<vmem>>
    %dma_wait3A_336 = arith.constant 0 : i32
    %dma_wait3A_337 = tpu.memref_slice %arg13[%dma_wait3A_329, %dma_wait3A_330, %dma_wait3A_336] : memref<4x36x128xi32, #tpu.memory_space<vmem>> -> memref<1x1x128xi32, #tpu.memory_space<vmem>>
    %dma_wait3A_338 = tpu.memref_squeeze %dma_wait3A_337 : memref<1x1x128xi32, #tpu.memory_space<vmem>> -> memref<128xi32, #tpu.memory_space<vmem>>
    %dma_wait3A_339 = arith.constant 0 : i32
    %dma_wait3A_340 = tpu.memref_slice %arg2[%dma_wait3A_339] : memref<60549120xf32, #tpu.memory_space<hbm>> -> memref<60549120xf32, #tpu.memory_space<hbm>>
    tpu.wait_indirect_dma semaphore(%arg18 : memref<!tpu.dma_semaphore, #tpu.memory_space<semaphore_mem>>) src(%dma_wait3A_340 : memref<60549120xf32, #tpu.memory_space<hbm>>) dst(%dma_wait3A_335 : memref<128xf32, #tpu.memory_space<vmem>>)
    %dma_wait3A_341 = arith.constant 1 : i32
    %dma_wait3A_342 = arith.constant 33 : i32
    %dma_wait3A_343 = arith.constant 1 : i32
    %dma_wait3A_344 = arith.constant 33 : i32
    %dma_wait3A_345 = arith.constant 0 : i32
    %dma_wait3A_346 = tpu.memref_slice %arg15[%dma_wait3A_343, %dma_wait3A_344, %dma_wait3A_345] : memref<4x36x128xf32, #tpu.memory_space<vmem>> -> memref<1x1x128xf32, #tpu.memory_space<vmem>>
    %dma_wait3A_347 = tpu.memref_squeeze %dma_wait3A_346 : memref<1x1x128xf32, #tpu.memory_space<vmem>> -> memref<128xf32, #tpu.memory_space<vmem>>
    %dma_wait3A_348 = arith.constant 0 : i32
    %dma_wait3A_349 = tpu.memref_slice %arg13[%dma_wait3A_341, %dma_wait3A_342, %dma_wait3A_348] : memref<4x36x128xi32, #tpu.memory_space<vmem>> -> memref<1x1x128xi32, #tpu.memory_space<vmem>>
    %dma_wait3A_350 = tpu.memref_squeeze %dma_wait3A_349 : memref<1x1x128xi32, #tpu.memory_space<vmem>> -> memref<128xi32, #tpu.memory_space<vmem>>
    %dma_wait3A_351 = arith.constant 0 : i32
    %dma_wait3A_352 = tpu.memref_slice %arg2[%dma_wait3A_351] : memref<60549120xf32, #tpu.memory_space<hbm>> -> memref<60549120xf32, #tpu.memory_space<hbm>>
    tpu.wait_indirect_dma semaphore(%arg18 : memref<!tpu.dma_semaphore, #tpu.memory_space<semaphore_mem>>) src(%dma_wait3A_352 : memref<60549120xf32, #tpu.memory_space<hbm>>) dst(%dma_wait3A_347 : memref<128xf32, #tpu.memory_space<vmem>>)
    %dma_wait3A_353 = arith.constant 2 : i32
    %dma_wait3A_354 = arith.constant 33 : i32
    %dma_wait3A_355 = arith.constant 2 : i32
    %dma_wait3A_356 = arith.constant 33 : i32
    %dma_wait3A_357 = arith.constant 0 : i32
    %dma_wait3A_358 = tpu.memref_slice %arg15[%dma_wait3A_355, %dma_wait3A_356, %dma_wait3A_357] : memref<4x36x128xf32, #tpu.memory_space<vmem>> -> memref<1x1x128xf32, #tpu.memory_space<vmem>>
    %dma_wait3A_359 = tpu.memref_squeeze %dma_wait3A_358 : memref<1x1x128xf32, #tpu.memory_space<vmem>> -> memref<128xf32, #tpu.memory_space<vmem>>
    %dma_wait3A_360 = arith.constant 0 : i32
    %dma_wait3A_361 = tpu.memref_slice %arg13[%dma_wait3A_353, %dma_wait3A_354, %dma_wait3A_360] : memref<4x36x128xi32, #tpu.memory_space<vmem>> -> memref<1x1x128xi32, #tpu.memory_space<vmem>>
    %dma_wait3A_362 = tpu.memref_squeeze %dma_wait3A_361 : memref<1x1x128xi32, #tpu.memory_space<vmem>> -> memref<128xi32, #tpu.memory_space<vmem>>
    %dma_wait3A_363 = arith.constant 0 : i32
    %dma_wait3A_364 = tpu.memref_slice %arg2[%dma_wait3A_363] : memref<60549120xf32, #tpu.memory_space<hbm>> -> memref<60549120xf32, #tpu.memory_space<hbm>>
    tpu.wait_indirect_dma semaphore(%arg18 : memref<!tpu.dma_semaphore, #tpu.memory_space<semaphore_mem>>) src(%dma_wait3A_364 : memref<60549120xf32, #tpu.memory_space<hbm>>) dst(%dma_wait3A_359 : memref<128xf32, #tpu.memory_space<vmem>>)
    %dma_wait3A_365 = arith.constant 3 : i32
    %dma_wait3A_366 = arith.constant 33 : i32
    %dma_wait3A_367 = arith.constant 3 : i32
    %dma_wait3A_368 = arith.constant 33 : i32
    %dma_wait3A_369 = arith.constant 0 : i32
    %dma_wait3A_370 = tpu.memref_slice %arg15[%dma_wait3A_367, %dma_wait3A_368, %dma_wait3A_369] : memref<4x36x128xf32, #tpu.memory_space<vmem>> -> memref<1x1x128xf32, #tpu.memory_space<vmem>>
    %dma_wait3A_371 = tpu.memref_squeeze %dma_wait3A_370 : memref<1x1x128xf32, #tpu.memory_space<vmem>> -> memref<128xf32, #tpu.memory_space<vmem>>
    %dma_wait3A_372 = arith.constant 0 : i32
    %dma_wait3A_373 = tpu.memref_slice %arg13[%dma_wait3A_365, %dma_wait3A_366, %dma_wait3A_372] : memref<4x36x128xi32, #tpu.memory_space<vmem>> -> memref<1x1x128xi32, #tpu.memory_space<vmem>>
    %dma_wait3A_374 = tpu.memref_squeeze %dma_wait3A_373 : memref<1x1x128xi32, #tpu.memory_space<vmem>> -> memref<128xi32, #tpu.memory_space<vmem>>
    %dma_wait3A_375 = arith.constant 0 : i32
    %dma_wait3A_376 = tpu.memref_slice %arg2[%dma_wait3A_375] : memref<60549120xf32, #tpu.memory_space<hbm>> -> memref<60549120xf32, #tpu.memory_space<hbm>>
    tpu.wait_indirect_dma semaphore(%arg18 : memref<!tpu.dma_semaphore, #tpu.memory_space<semaphore_mem>>) src(%dma_wait3A_376 : memref<60549120xf32, #tpu.memory_space<hbm>>) dst(%dma_wait3A_371 : memref<128xf32, #tpu.memory_space<vmem>>)
    %dma_wait3A_377 = arith.constant 0 : i32
    %dma_wait3A_378 = arith.constant 33 : i32
    %dma_wait3A_379 = arith.constant 33 : i32
    %dma_wait3A_380 = arith.constant 0 : i32
    %dma_wait3A_381 = tpu.memref_slice %arg16[%dma_wait3A_379, %dma_wait3A_380] : memref<36x128xf32, #tpu.memory_space<vmem>> -> memref<1x128xf32, #tpu.memory_space<vmem>>
    %dma_wait3A_382 = tpu.memref_squeeze %dma_wait3A_381 : memref<1x128xf32, #tpu.memory_space<vmem>> -> memref<128xf32, #tpu.memory_space<vmem>>
    %dma_wait3A_383 = arith.constant 0 : i32
    %dma_wait3A_384 = tpu.memref_slice %arg14[%dma_wait3A_378, %dma_wait3A_383] : memref<36x128xi32, #tpu.memory_space<vmem>> -> memref<1x128xi32, #tpu.memory_space<vmem>>
    %dma_wait3A_385 = tpu.memref_squeeze %dma_wait3A_384 : memref<1x128xi32, #tpu.memory_space<vmem>> -> memref<128xi32, #tpu.memory_space<vmem>>
    %dma_wait3A_386 = arith.constant 0 : i32
    %dma_wait3A_387 = tpu.memref_slice %arg3[%dma_wait3A_377, %dma_wait3A_386] : memref<1x15137280xf32, #tpu.memory_space<hbm>> -> memref<1x15137280xf32, #tpu.memory_space<hbm>>
    %dma_wait3A_388 = tpu.memref_squeeze %dma_wait3A_387 : memref<1x15137280xf32, #tpu.memory_space<hbm>> -> memref<15137280xf32, #tpu.memory_space<hbm>>
    %dma_wait3A_389 = arith.constant 0 : i32
    %dma_wait3A_390 = tpu.memref_slice %dma_wait3A_388[%dma_wait3A_389] : memref<15137280xf32, #tpu.memory_space<hbm>> -> memref<15137280xf32, #tpu.memory_space<hbm>>
    tpu.wait_indirect_dma semaphore(%arg19 : memref<!tpu.dma_semaphore, #tpu.memory_space<semaphore_mem>>) src(%dma_wait3A_390 : memref<15137280xf32, #tpu.memory_space<hbm>>) dst(%dma_wait3A_382 : memref<128xf32, #tpu.memory_space<vmem>>)
    %dma_wait3A_391 = arith.constant 0 : i32
    %dma_wait3A_392 = arith.constant 34 : i32
    %dma_wait3A_393 = arith.constant 0 : i32
    %dma_wait3A_394 = arith.constant 34 : i32
    %dma_wait3A_395 = arith.constant 0 : i32
    %dma_wait3A_396 = tpu.memref_slice %arg15[%dma_wait3A_393, %dma_wait3A_394, %dma_wait3A_395] : memref<4x36x128xf32, #tpu.memory_space<vmem>> -> memref<1x1x128xf32, #tpu.memory_space<vmem>>
    %dma_wait3A_397 = tpu.memref_squeeze %dma_wait3A_396 : memref<1x1x128xf32, #tpu.memory_space<vmem>> -> memref<128xf32, #tpu.memory_space<vmem>>
    %dma_wait3A_398 = arith.constant 0 : i32
    %dma_wait3A_399 = tpu.memref_slice %arg13[%dma_wait3A_391, %dma_wait3A_392, %dma_wait3A_398] : memref<4x36x128xi32, #tpu.memory_space<vmem>> -> memref<1x1x128xi32, #tpu.memory_space<vmem>>
    %dma_wait3A_400 = tpu.memref_squeeze %dma_wait3A_399 : memref<1x1x128xi32, #tpu.memory_space<vmem>> -> memref<128xi32, #tpu.memory_space<vmem>>
    %dma_wait3A_401 = arith.constant 0 : i32
    %dma_wait3A_402 = tpu.memref_slice %arg2[%dma_wait3A_401] : memref<60549120xf32, #tpu.memory_space<hbm>> -> memref<60549120xf32, #tpu.memory_space<hbm>>
    tpu.wait_indirect_dma semaphore(%arg18 : memref<!tpu.dma_semaphore, #tpu.memory_space<semaphore_mem>>) src(%dma_wait3A_402 : memref<60549120xf32, #tpu.memory_space<hbm>>) dst(%dma_wait3A_397 : memref<128xf32, #tpu.memory_space<vmem>>)
    %dma_wait3A_403 = arith.constant 1 : i32
    %dma_wait3A_404 = arith.constant 34 : i32
    %dma_wait3A_405 = arith.constant 1 : i32
    %dma_wait3A_406 = arith.constant 34 : i32
    %dma_wait3A_407 = arith.constant 0 : i32
    %dma_wait3A_408 = tpu.memref_slice %arg15[%dma_wait3A_405, %dma_wait3A_406, %dma_wait3A_407] : memref<4x36x128xf32, #tpu.memory_space<vmem>> -> memref<1x1x128xf32, #tpu.memory_space<vmem>>
    %dma_wait3A_409 = tpu.memref_squeeze %dma_wait3A_408 : memref<1x1x128xf32, #tpu.memory_space<vmem>> -> memref<128xf32, #tpu.memory_space<vmem>>
    %dma_wait3A_410 = arith.constant 0 : i32
    %dma_wait3A_411 = tpu.memref_slice %arg13[%dma_wait3A_403, %dma_wait3A_404, %dma_wait3A_410] : memref<4x36x128xi32, #tpu.memory_space<vmem>> -> memref<1x1x128xi32, #tpu.memory_space<vmem>>
    %dma_wait3A_412 = tpu.memref_squeeze %dma_wait3A_411 : memref<1x1x128xi32, #tpu.memory_space<vmem>> -> memref<128xi32, #tpu.memory_space<vmem>>
    %dma_wait3A_413 = arith.constant 0 : i32
    %dma_wait3A_414 = tpu.memref_slice %arg2[%dma_wait3A_413] : memref<60549120xf32, #tpu.memory_space<hbm>> -> memref<60549120xf32, #tpu.memory_space<hbm>>
    tpu.wait_indirect_dma semaphore(%arg18 : memref<!tpu.dma_semaphore, #tpu.memory_space<semaphore_mem>>) src(%dma_wait3A_414 : memref<60549120xf32, #tpu.memory_space<hbm>>) dst(%dma_wait3A_409 : memref<128xf32, #tpu.memory_space<vmem>>)
    %dma_wait3A_415 = arith.constant 2 : i32
    %dma_wait3A_416 = arith.constant 34 : i32
    %dma_wait3A_417 = arith.constant 2 : i32
    %dma_wait3A_418 = arith.constant 34 : i32
    %dma_wait3A_419 = arith.constant 0 : i32
    %dma_wait3A_420 = tpu.memref_slice %arg15[%dma_wait3A_417, %dma_wait3A_418, %dma_wait3A_419] : memref<4x36x128xf32, #tpu.memory_space<vmem>> -> memref<1x1x128xf32, #tpu.memory_space<vmem>>
    %dma_wait3A_421 = tpu.memref_squeeze %dma_wait3A_420 : memref<1x1x128xf32, #tpu.memory_space<vmem>> -> memref<128xf32, #tpu.memory_space<vmem>>
    %dma_wait3A_422 = arith.constant 0 : i32
    %dma_wait3A_423 = tpu.memref_slice %arg13[%dma_wait3A_415, %dma_wait3A_416, %dma_wait3A_422] : memref<4x36x128xi32, #tpu.memory_space<vmem>> -> memref<1x1x128xi32, #tpu.memory_space<vmem>>
    %dma_wait3A_424 = tpu.memref_squeeze %dma_wait3A_423 : memref<1x1x128xi32, #tpu.memory_space<vmem>> -> memref<128xi32, #tpu.memory_space<vmem>>
    %dma_wait3A_425 = arith.constant 0 : i32
    %dma_wait3A_426 = tpu.memref_slice %arg2[%dma_wait3A_425] : memref<60549120xf32, #tpu.memory_space<hbm>> -> memref<60549120xf32, #tpu.memory_space<hbm>>
    tpu.wait_indirect_dma semaphore(%arg18 : memref<!tpu.dma_semaphore, #tpu.memory_space<semaphore_mem>>) src(%dma_wait3A_426 : memref<60549120xf32, #tpu.memory_space<hbm>>) dst(%dma_wait3A_421 : memref<128xf32, #tpu.memory_space<vmem>>)
    %dma_wait3A_427 = arith.constant 3 : i32
    %dma_wait3A_428 = arith.constant 34 : i32
    %dma_wait3A_429 = arith.constant 3 : i32
    %dma_wait3A_430 = arith.constant 34 : i32
    %dma_wait3A_431 = arith.constant 0 : i32
    %dma_wait3A_432 = tpu.memref_slice %arg15[%dma_wait3A_429, %dma_wait3A_430, %dma_wait3A_431] : memref<4x36x128xf32, #tpu.memory_space<vmem>> -> memref<1x1x128xf32, #tpu.memory_space<vmem>>
    %dma_wait3A_433 = tpu.memref_squeeze %dma_wait3A_432 : memref<1x1x128xf32, #tpu.memory_space<vmem>> -> memref<128xf32, #tpu.memory_space<vmem>>
    %dma_wait3A_434 = arith.constant 0 : i32
    %dma_wait3A_435 = tpu.memref_slice %arg13[%dma_wait3A_427, %dma_wait3A_428, %dma_wait3A_434] : memref<4x36x128xi32, #tpu.memory_space<vmem>> -> memref<1x1x128xi32, #tpu.memory_space<vmem>>
    %dma_wait3A_436 = tpu.memref_squeeze %dma_wait3A_435 : memref<1x1x128xi32, #tpu.memory_space<vmem>> -> memref<128xi32, #tpu.memory_space<vmem>>
    %dma_wait3A_437 = arith.constant 0 : i32
    %dma_wait3A_438 = tpu.memref_slice %arg2[%dma_wait3A_437] : memref<60549120xf32, #tpu.memory_space<hbm>> -> memref<60549120xf32, #tpu.memory_space<hbm>>
    tpu.wait_indirect_dma semaphore(%arg18 : memref<!tpu.dma_semaphore, #tpu.memory_space<semaphore_mem>>) src(%dma_wait3A_438 : memref<60549120xf32, #tpu.memory_space<hbm>>) dst(%dma_wait3A_433 : memref<128xf32, #tpu.memory_space<vmem>>)
    %dma_wait3A_439 = arith.constant 0 : i32
    %dma_wait3A_440 = arith.constant 34 : i32
    %dma_wait3A_441 = arith.constant 34 : i32
    %dma_wait3A_442 = arith.constant 0 : i32
    %dma_wait3A_443 = tpu.memref_slice %arg16[%dma_wait3A_441, %dma_wait3A_442] : memref<36x128xf32, #tpu.memory_space<vmem>> -> memref<1x128xf32, #tpu.memory_space<vmem>>
    %dma_wait3A_444 = tpu.memref_squeeze %dma_wait3A_443 : memref<1x128xf32, #tpu.memory_space<vmem>> -> memref<128xf32, #tpu.memory_space<vmem>>
    %dma_wait3A_445 = arith.constant 0 : i32
    %dma_wait3A_446 = tpu.memref_slice %arg14[%dma_wait3A_440, %dma_wait3A_445] : memref<36x128xi32, #tpu.memory_space<vmem>> -> memref<1x128xi32, #tpu.memory_space<vmem>>
    %dma_wait3A_447 = tpu.memref_squeeze %dma_wait3A_446 : memref<1x128xi32, #tpu.memory_space<vmem>> -> memref<128xi32, #tpu.memory_space<vmem>>
    %dma_wait3A_448 = arith.constant 0 : i32
    %dma_wait3A_449 = tpu.memref_slice %arg3[%dma_wait3A_439, %dma_wait3A_448] : memref<1x15137280xf32, #tpu.memory_space<hbm>> -> memref<1x15137280xf32, #tpu.memory_space<hbm>>
    %dma_wait3A_450 = tpu.memref_squeeze %dma_wait3A_449 : memref<1x15137280xf32, #tpu.memory_space<hbm>> -> memref<15137280xf32, #tpu.memory_space<hbm>>
    %dma_wait3A_451 = arith.constant 0 : i32
    %dma_wait3A_452 = tpu.memref_slice %dma_wait3A_450[%dma_wait3A_451] : memref<15137280xf32, #tpu.memory_space<hbm>> -> memref<15137280xf32, #tpu.memory_space<hbm>>
    tpu.wait_indirect_dma semaphore(%arg19 : memref<!tpu.dma_semaphore, #tpu.memory_space<semaphore_mem>>) src(%dma_wait3A_452 : memref<15137280xf32, #tpu.memory_space<hbm>>) dst(%dma_wait3A_444 : memref<128xf32, #tpu.memory_space<vmem>>)
    %dma_wait3A_453 = arith.constant 0 : i32
    %dma_wait3A_454 = arith.constant 35 : i32
    %dma_wait3A_455 = arith.constant 0 : i32
    %dma_wait3A_456 = arith.constant 35 : i32
    %dma_wait3A_457 = arith.constant 0 : i32
    %dma_wait3A_458 = tpu.memref_slice %arg15[%dma_wait3A_455, %dma_wait3A_456, %dma_wait3A_457] : memref<4x36x128xf32, #tpu.memory_space<vmem>> -> memref<1x1x128xf32, #tpu.memory_space<vmem>>
    %dma_wait3A_459 = tpu.memref_squeeze %dma_wait3A_458 : memref<1x1x128xf32, #tpu.memory_space<vmem>> -> memref<128xf32, #tpu.memory_space<vmem>>
    %dma_wait3A_460 = arith.constant 0 : i32
    %dma_wait3A_461 = tpu.memref_slice %arg13[%dma_wait3A_453, %dma_wait3A_454, %dma_wait3A_460] : memref<4x36x128xi32, #tpu.memory_space<vmem>> -> memref<1x1x128xi32, #tpu.memory_space<vmem>>
    %dma_wait3A_462 = tpu.memref_squeeze %dma_wait3A_461 : memref<1x1x128xi32, #tpu.memory_space<vmem>> -> memref<128xi32, #tpu.memory_space<vmem>>
    %dma_wait3A_463 = arith.constant 0 : i32
    %dma_wait3A_464 = tpu.memref_slice %arg2[%dma_wait3A_463] : memref<60549120xf32, #tpu.memory_space<hbm>> -> memref<60549120xf32, #tpu.memory_space<hbm>>
    tpu.wait_indirect_dma semaphore(%arg18 : memref<!tpu.dma_semaphore, #tpu.memory_space<semaphore_mem>>) src(%dma_wait3A_464 : memref<60549120xf32, #tpu.memory_space<hbm>>) dst(%dma_wait3A_459 : memref<128xf32, #tpu.memory_space<vmem>>)
    %dma_wait3A_465 = arith.constant 1 : i32
    %dma_wait3A_466 = arith.constant 35 : i32
    %dma_wait3A_467 = arith.constant 1 : i32
    %dma_wait3A_468 = arith.constant 35 : i32
    %dma_wait3A_469 = arith.constant 0 : i32
    %dma_wait3A_470 = tpu.memref_slice %arg15[%dma_wait3A_467, %dma_wait3A_468, %dma_wait3A_469] : memref<4x36x128xf32, #tpu.memory_space<vmem>> -> memref<1x1x128xf32, #tpu.memory_space<vmem>>
    %dma_wait3A_471 = tpu.memref_squeeze %dma_wait3A_470 : memref<1x1x128xf32, #tpu.memory_space<vmem>> -> memref<128xf32, #tpu.memory_space<vmem>>
    %dma_wait3A_472 = arith.constant 0 : i32
    %dma_wait3A_473 = tpu.memref_slice %arg13[%dma_wait3A_465, %dma_wait3A_466, %dma_wait3A_472] : memref<4x36x128xi32, #tpu.memory_space<vmem>> -> memref<1x1x128xi32, #tpu.memory_space<vmem>>
    %dma_wait3A_474 = tpu.memref_squeeze %dma_wait3A_473 : memref<1x1x128xi32, #tpu.memory_space<vmem>> -> memref<128xi32, #tpu.memory_space<vmem>>
    %dma_wait3A_475 = arith.constant 0 : i32
    %dma_wait3A_476 = tpu.memref_slice %arg2[%dma_wait3A_475] : memref<60549120xf32, #tpu.memory_space<hbm>> -> memref<60549120xf32, #tpu.memory_space<hbm>>
    tpu.wait_indirect_dma semaphore(%arg18 : memref<!tpu.dma_semaphore, #tpu.memory_space<semaphore_mem>>) src(%dma_wait3A_476 : memref<60549120xf32, #tpu.memory_space<hbm>>) dst(%dma_wait3A_471 : memref<128xf32, #tpu.memory_space<vmem>>)
    %dma_wait3A_477 = arith.constant 2 : i32
    %dma_wait3A_478 = arith.constant 35 : i32
    %dma_wait3A_479 = arith.constant 2 : i32
    %dma_wait3A_480 = arith.constant 35 : i32
    %dma_wait3A_481 = arith.constant 0 : i32
    %dma_wait3A_482 = tpu.memref_slice %arg15[%dma_wait3A_479, %dma_wait3A_480, %dma_wait3A_481] : memref<4x36x128xf32, #tpu.memory_space<vmem>> -> memref<1x1x128xf32, #tpu.memory_space<vmem>>
    %dma_wait3A_483 = tpu.memref_squeeze %dma_wait3A_482 : memref<1x1x128xf32, #tpu.memory_space<vmem>> -> memref<128xf32, #tpu.memory_space<vmem>>
    %dma_wait3A_484 = arith.constant 0 : i32
    %dma_wait3A_485 = tpu.memref_slice %arg13[%dma_wait3A_477, %dma_wait3A_478, %dma_wait3A_484] : memref<4x36x128xi32, #tpu.memory_space<vmem>> -> memref<1x1x128xi32, #tpu.memory_space<vmem>>
    %dma_wait3A_486 = tpu.memref_squeeze %dma_wait3A_485 : memref<1x1x128xi32, #tpu.memory_space<vmem>> -> memref<128xi32, #tpu.memory_space<vmem>>
    %dma_wait3A_487 = arith.constant 0 : i32
    %dma_wait3A_488 = tpu.memref_slice %arg2[%dma_wait3A_487] : memref<60549120xf32, #tpu.memory_space<hbm>> -> memref<60549120xf32, #tpu.memory_space<hbm>>
    tpu.wait_indirect_dma semaphore(%arg18 : memref<!tpu.dma_semaphore, #tpu.memory_space<semaphore_mem>>) src(%dma_wait3A_488 : memref<60549120xf32, #tpu.memory_space<hbm>>) dst(%dma_wait3A_483 : memref<128xf32, #tpu.memory_space<vmem>>)
    %dma_wait3A_489 = arith.constant 3 : i32
    %dma_wait3A_490 = arith.constant 35 : i32
    %dma_wait3A_491 = arith.constant 3 : i32
    %dma_wait3A_492 = arith.constant 35 : i32
    %dma_wait3A_493 = arith.constant 0 : i32
    %dma_wait3A_494 = tpu.memref_slice %arg15[%dma_wait3A_491, %dma_wait3A_492, %dma_wait3A_493] : memref<4x36x128xf32, #tpu.memory_space<vmem>> -> memref<1x1x128xf32, #tpu.memory_space<vmem>>
    %dma_wait3A_495 = tpu.memref_squeeze %dma_wait3A_494 : memref<1x1x128xf32, #tpu.memory_space<vmem>> -> memref<128xf32, #tpu.memory_space<vmem>>
    %dma_wait3A_496 = arith.constant 0 : i32
    %dma_wait3A_497 = tpu.memref_slice %arg13[%dma_wait3A_489, %dma_wait3A_490, %dma_wait3A_496] : memref<4x36x128xi32, #tpu.memory_space<vmem>> -> memref<1x1x128xi32, #tpu.memory_space<vmem>>
    %dma_wait3A_498 = tpu.memref_squeeze %dma_wait3A_497 : memref<1x1x128xi32, #tpu.memory_space<vmem>> -> memref<128xi32, #tpu.memory_space<vmem>>
    %dma_wait3A_499 = arith.constant 0 : i32
    %dma_wait3A_500 = tpu.memref_slice %arg2[%dma_wait3A_499] : memref<60549120xf32, #tpu.memory_space<hbm>> -> memref<60549120xf32, #tpu.memory_space<hbm>>
    tpu.wait_indirect_dma semaphore(%arg18 : memref<!tpu.dma_semaphore, #tpu.memory_space<semaphore_mem>>) src(%dma_wait3A_500 : memref<60549120xf32, #tpu.memory_space<hbm>>) dst(%dma_wait3A_495 : memref<128xf32, #tpu.memory_space<vmem>>)
    %dma_wait3A_501 = arith.constant 0 : i32
    %dma_wait3A_502 = arith.constant 35 : i32
    %dma_wait3A_503 = arith.constant 35 : i32
    %dma_wait3A_504 = arith.constant 0 : i32
    %dma_wait3A_505 = tpu.memref_slice %arg16[%dma_wait3A_503, %dma_wait3A_504] : memref<36x128xf32, #tpu.memory_space<vmem>> -> memref<1x128xf32, #tpu.memory_space<vmem>>
    %dma_wait3A_506 = tpu.memref_squeeze %dma_wait3A_505 : memref<1x128xf32, #tpu.memory_space<vmem>> -> memref<128xf32, #tpu.memory_space<vmem>>
    %dma_wait3A_507 = arith.constant 0 : i32
    %dma_wait3A_508 = tpu.memref_slice %arg14[%dma_wait3A_502, %dma_wait3A_507] : memref<36x128xi32, #tpu.memory_space<vmem>> -> memref<1x128xi32, #tpu.memory_space<vmem>>
    %dma_wait3A_509 = tpu.memref_squeeze %dma_wait3A_508 : memref<1x128xi32, #tpu.memory_space<vmem>> -> memref<128xi32, #tpu.memory_space<vmem>>
    %dma_wait3A_510 = arith.constant 0 : i32
    %dma_wait3A_511 = tpu.memref_slice %arg3[%dma_wait3A_501, %dma_wait3A_510] : memref<1x15137280xf32, #tpu.memory_space<hbm>> -> memref<1x15137280xf32, #tpu.memory_space<hbm>>
    %dma_wait3A_512 = tpu.memref_squeeze %dma_wait3A_511 : memref<1x15137280xf32, #tpu.memory_space<hbm>> -> memref<15137280xf32, #tpu.memory_space<hbm>>
    %dma_wait3A_513 = arith.constant 0 : i32
    %dma_wait3A_514 = tpu.memref_slice %dma_wait3A_512[%dma_wait3A_513] : memref<15137280xf32, #tpu.memory_space<hbm>> -> memref<15137280xf32, #tpu.memory_space<hbm>>
    tpu.wait_indirect_dma semaphore(%arg19 : memref<!tpu.dma_semaphore, #tpu.memory_space<semaphore_mem>>) src(%dma_wait3A_514 : memref<15137280xf32, #tpu.memory_space<hbm>>) dst(%dma_wait3A_506 : memref<128xf32, #tpu.memory_space<vmem>>)
    %scan3A_515 = arith.constant 0 : i32
    %scan3A_516 = arith.constant 0 : i32
    %scan3A_517 = arith.constant 32 : i32
    %scan3A_518 = arith.addi %scan3A_516, %scan3A_517 : i32
    %scan3A_519 = arith.constant 1 : i32
    scf.for %scan3A_521 = %scan3A_516 to %scan3A_518 step %scan3A_519  : i32 {
      %mul3A_522 = arith.constant 16 : i32
      %mul3A_523 = arith.muli %scan3A_521, %mul3A_522 : i32
      %jit3A = arith.constant 8 : i32
      %div3A = arith.divsi %scan3A_521, %jit3A : i32
      %sign3A = arith.constant 0 : i32
      %sign3A_524 = arith.cmpi sgt, %scan3A_521, %sign3A : i32
      %sign3A_525 = arith.extui %sign3A_524 : i1 to i32
      %sign3A_526 = arith.constant 0 : i32
      %sign3A_527 = arith.cmpi slt, %scan3A_521, %sign3A_526 : i32
      %sign3A_528 = arith.extui %sign3A_527 : i1 to i32
      %sign3A_529 = arith.subi %sign3A_525, %sign3A_528 : i32
      %sign3A_530 = arith.constant 0 : i32
      %sign3A_531 = arith.cmpi sgt, %jit3A, %sign3A_530 : i32
      %sign3A_532 = arith.extui %sign3A_531 : i1 to i32
      %sign3A_533 = arith.constant 0 : i32
      %sign3A_534 = arith.cmpi slt, %jit3A, %sign3A_533 : i32
      %sign3A_535 = arith.extui %sign3A_534 : i1 to i32
      %sign3A_536 = arith.subi %sign3A_532, %sign3A_535 : i32
      %ne3A = arith.cmpi ne, %sign3A_529, %sign3A_536 : i32
      %rem3A = arith.remsi %scan3A_521, %jit3A : i32
      %ne3A_537 = arith.constant 0 : i32
      %ne3A_538 = arith.cmpi ne, %rem3A, %ne3A_537 : i32
      %and3A = arith.andi %ne3A, %ne3A_538 : i1
      %sub3A = arith.constant 1 : i32
      %sub3A_539 = arith.subi %div3A, %sub3A : i32
      %select_n3A = arith.select %and3A, %sub3A_539, %div3A : i32
      %jit3A_540 = arith.constant 8 : i32
      %eq3A = arith.constant 0 : i32
      %eq3A_541 = arith.cmpi eq, %jit3A_540, %eq3A : i32
      %jit3A_542 = arith.constant 1 : i32
      %select_n3A_543 = arith.select %eq3A_541, %jit3A_542, %jit3A_540 : i32
      %rem3A_544 = arith.remsi %scan3A_521, %select_n3A_543 : i32
      %ne3A_545 = arith.constant 0 : i32
      %ne3A_546 = arith.cmpi ne, %rem3A_544, %ne3A_545 : i32
      %lt3A = arith.constant 0 : i32
      %lt3A_547 = arith.cmpi slt, %rem3A_544, %lt3A : i32
      %lt3A_548 = arith.constant 0 : i32
      %lt3A_549 = arith.cmpi slt, %select_n3A_543, %lt3A_548 : i32
      %ne3A_550 = arith.xori %lt3A_547, %lt3A_549 : i1
      %and3A_551 = arith.andi %ne3A_550, %ne3A_546 : i1
      %add3A_552 = arith.addi %rem3A_544, %select_n3A_543 : i32
      %select_n3A_553 = arith.select %and3A_551, %add3A_552, %rem3A_544 : i32
      %mul3A_554 = arith.constant 16 : i32
      %mul3A_555 = arith.muli %select_n3A_553, %mul3A_554 : i32
      %broadcast_in_dim3A = arith.constant 0.000000e+00 : f32
      %broadcast_in_dim3A_556 = vector.broadcast %broadcast_in_dim3A : f32 to vector<16xf32>
      %broadcast_in_dim3A_557 = arith.constant 0.000000e+00 : f32
      %broadcast_in_dim3A_558 = vector.broadcast %broadcast_in_dim3A_557 : f32 to vector<16xf32>
      %add3A_559 = arith.constant 0 : i32
      %add3A_560 = arith.addi %add3A_559, %select_n3A : i32
      %get3A = arith.constant 0 : i32
      %get3A_561 = arith.index_cast %get3A : i32 to index
      %get3A_562 = arith.index_cast %add3A_560 : i32 to index
      %get3A_563 = arith.index_cast %mul3A_555 : i32 to index
      %get3A_564 = tpu.vector_load %arg15[%get3A_561, %get3A_562, %get3A_563] {strides = array<i32>} : memref<4x36x128xf32, #tpu.memory_space<vmem>>, vector<1x1x16xf32>,
      %get3A_565 = vector.shape_cast %get3A_564 : vector<1x1x16xf32> to vector<16xf32>
      %add3A_566 = arith.addf %broadcast_in_dim3A_558, %get3A_565 : vector<16xf32>
      %add3A_567 = arith.constant 4 : i32
      %add3A_568 = arith.addi %add3A_567, %select_n3A : i32
      %get3A_569 = arith.constant 0 : i32
      %get3A_570 = arith.index_cast %get3A_569 : i32 to index
      %get3A_571 = arith.index_cast %add3A_568 : i32 to index
      %get3A_572 = arith.index_cast %mul3A_555 : i32 to index
      %get3A_573 = tpu.vector_load %arg15[%get3A_570, %get3A_571, %get3A_572] {strides = array<i32>} : memref<4x36x128xf32, #tpu.memory_space<vmem>>, vector<1x1x16xf32>,
      %get3A_574 = vector.shape_cast %get3A_573 : vector<1x1x16xf32> to vector<16xf32>
      %add3A_575 = arith.addf %add3A_566, %get3A_574 : vector<16xf32>
      %add3A_576 = arith.constant 8 : i32
      %add3A_577 = arith.addi %add3A_576, %select_n3A : i32
      %get3A_578 = arith.constant 0 : i32
      %get3A_579 = arith.index_cast %get3A_578 : i32 to index
      %get3A_580 = arith.index_cast %add3A_577 : i32 to index
      %get3A_581 = arith.index_cast %mul3A_555 : i32 to index
      %get3A_582 = tpu.vector_load %arg15[%get3A_579, %get3A_580, %get3A_581] {strides = array<i32>} : memref<4x36x128xf32, #tpu.memory_space<vmem>>, vector<1x1x16xf32>,
      %get3A_583 = vector.shape_cast %get3A_582 : vector<1x1x16xf32> to vector<16xf32>
      %add3A_584 = arith.addf %add3A_575, %get3A_583 : vector<16xf32>
      %add3A_585 = arith.constant 12 : i32
      %add3A_586 = arith.addi %add3A_585, %select_n3A : i32
      %get3A_587 = arith.constant 0 : i32
      %get3A_588 = arith.index_cast %get3A_587 : i32 to index
      %get3A_589 = arith.index_cast %add3A_586 : i32 to index
      %get3A_590 = arith.index_cast %mul3A_555 : i32 to index
      %get3A_591 = tpu.vector_load %arg15[%get3A_588, %get3A_589, %get3A_590] {strides = array<i32>} : memref<4x36x128xf32, #tpu.memory_space<vmem>>, vector<1x1x16xf32>,
      %get3A_592 = vector.shape_cast %get3A_591 : vector<1x1x16xf32> to vector<16xf32>
      %add3A_593 = arith.addf %add3A_584, %get3A_592 : vector<16xf32>
      %add3A_594 = arith.constant 16 : i32
      %add3A_595 = arith.addi %add3A_594, %select_n3A : i32
      %get3A_596 = arith.constant 0 : i32
      %get3A_597 = arith.index_cast %get3A_596 : i32 to index
      %get3A_598 = arith.index_cast %add3A_595 : i32 to index
      %get3A_599 = arith.index_cast %mul3A_555 : i32 to index
      %get3A_600 = tpu.vector_load %arg15[%get3A_597, %get3A_598, %get3A_599] {strides = array<i32>} : memref<4x36x128xf32, #tpu.memory_space<vmem>>, vector<1x1x16xf32>,
      %get3A_601 = vector.shape_cast %get3A_600 : vector<1x1x16xf32> to vector<16xf32>
      %add3A_602 = arith.addf %add3A_593, %get3A_601 : vector<16xf32>
      %add3A_603 = arith.constant 20 : i32
      %add3A_604 = arith.addi %add3A_603, %select_n3A : i32
      %get3A_605 = arith.constant 0 : i32
      %get3A_606 = arith.index_cast %get3A_605 : i32 to index
      %get3A_607 = arith.index_cast %add3A_604 : i32 to index
      %get3A_608 = arith.index_cast %mul3A_555 : i32 to index
      %get3A_609 = tpu.vector_load %arg15[%get3A_606, %get3A_607, %get3A_608] {strides = array<i32>} : memref<4x36x128xf32, #tpu.memory_space<vmem>>, vector<1x1x16xf32>,
      %get3A_610 = vector.shape_cast %get3A_609 : vector<1x1x16xf32> to vector<16xf32>
      %add3A_611 = arith.addf %add3A_602, %get3A_610 : vector<16xf32>
      %add3A_612 = arith.constant 24 : i32
      %add3A_613 = arith.addi %add3A_612, %select_n3A : i32
      %get3A_614 = arith.constant 0 : i32
      %get3A_615 = arith.index_cast %get3A_614 : i32 to index
      %get3A_616 = arith.index_cast %add3A_613 : i32 to index
      %get3A_617 = arith.index_cast %mul3A_555 : i32 to index
      %get3A_618 = tpu.vector_load %arg15[%get3A_615, %get3A_616, %get3A_617] {strides = array<i32>} : memref<4x36x128xf32, #tpu.memory_space<vmem>>, vector<1x1x16xf32>,
      %get3A_619 = vector.shape_cast %get3A_618 : vector<1x1x16xf32> to vector<16xf32>
      %add3A_620 = arith.addf %add3A_611, %get3A_619 : vector<16xf32>
      %add3A_621 = arith.constant 28 : i32
      %add3A_622 = arith.addi %add3A_621, %select_n3A : i32
      %get3A_623 = arith.constant 0 : i32
      %get3A_624 = arith.index_cast %get3A_623 : i32 to index
      %get3A_625 = arith.index_cast %add3A_622 : i32 to index
      %get3A_626 = arith.index_cast %mul3A_555 : i32 to index
      %get3A_627 = tpu.vector_load %arg15[%get3A_624, %get3A_625, %get3A_626] {strides = array<i32>} : memref<4x36x128xf32, #tpu.memory_space<vmem>>, vector<1x1x16xf32>,
      %get3A_628 = vector.shape_cast %get3A_627 : vector<1x1x16xf32> to vector<16xf32>
      %add3A_629 = arith.addf %add3A_620, %get3A_628 : vector<16xf32>
      %add3A_630 = arith.constant 32 : i32
      %add3A_631 = arith.addi %add3A_630, %select_n3A : i32
      %get3A_632 = arith.constant 0 : i32
      %get3A_633 = arith.index_cast %get3A_632 : i32 to index
      %get3A_634 = arith.index_cast %add3A_631 : i32 to index
      %get3A_635 = arith.index_cast %mul3A_555 : i32 to index
      %get3A_636 = tpu.vector_load %arg15[%get3A_633, %get3A_634, %get3A_635] {strides = array<i32>} : memref<4x36x128xf32, #tpu.memory_space<vmem>>, vector<1x1x16xf32>,
      %get3A_637 = vector.shape_cast %get3A_636 : vector<1x1x16xf32> to vector<16xf32>
      %add3A_638 = arith.addf %add3A_629, %get3A_637 : vector<16xf32>
      %get3A_639 = arith.constant 0 : i32
      %get3A_640 = arith.index_cast %get3A_639 : i32 to index
      %get3A_641 = arith.index_cast %mul3A_523 : i32 to index
      %get3A_642 = tpu.vector_load %arg12[%get3A_640, %get3A_641] {strides = array<i32>} : memref<4x512xf32, #tpu.memory_space<vmem>>, vector<1x16xf32>,
      %get3A_643 = vector.shape_cast %get3A_642 : vector<1x16xf32> to vector<16xf32>
      %mul3A_644 = arith.mulf %add3A_638, %get3A_643 : vector<16xf32>
      %add3A_645 = arith.addf %broadcast_in_dim3A_556, %mul3A_644 : vector<16xf32>
      %broadcast_in_dim3A_646 = arith.constant 0.000000e+00 : f32
      %broadcast_in_dim3A_647 = vector.broadcast %broadcast_in_dim3A_646 : f32 to vector<16xf32>
      %add3A_648 = arith.constant 0 : i32
      %add3A_649 = arith.addi %add3A_648, %select_n3A : i32
      %get3A_650 = arith.constant 1 : i32
      %get3A_651 = arith.index_cast %get3A_650 : i32 to index
      %get3A_652 = arith.index_cast %add3A_649 : i32 to index
      %get3A_653 = arith.index_cast %mul3A_555 : i32 to index
      %get3A_654 = tpu.vector_load %arg15[%get3A_651, %get3A_652, %get3A_653] {strides = array<i32>} : memref<4x36x128xf32, #tpu.memory_space<vmem>>, vector<1x1x16xf32>,
      %get3A_655 = vector.shape_cast %get3A_654 : vector<1x1x16xf32> to vector<16xf32>
      %add3A_656 = arith.addf %broadcast_in_dim3A_647, %get3A_655 : vector<16xf32>
      %add3A_657 = arith.constant 4 : i32
      %add3A_658 = arith.addi %add3A_657, %select_n3A : i32
      %get3A_659 = arith.constant 1 : i32
      %get3A_660 = arith.index_cast %get3A_659 : i32 to index
      %get3A_661 = arith.index_cast %add3A_658 : i32 to index
      %get3A_662 = arith.index_cast %mul3A_555 : i32 to index
      %get3A_663 = tpu.vector_load %arg15[%get3A_660, %get3A_661, %get3A_662] {strides = array<i32>} : memref<4x36x128xf32, #tpu.memory_space<vmem>>, vector<1x1x16xf32>,
      %get3A_664 = vector.shape_cast %get3A_663 : vector<1x1x16xf32> to vector<16xf32>
      %add3A_665 = arith.addf %add3A_656, %get3A_664 : vector<16xf32>
      %add3A_666 = arith.constant 8 : i32
      %add3A_667 = arith.addi %add3A_666, %select_n3A : i32
      %get3A_668 = arith.constant 1 : i32
      %get3A_669 = arith.index_cast %get3A_668 : i32 to index
      %get3A_670 = arith.index_cast %add3A_667 : i32 to index
      %get3A_671 = arith.index_cast %mul3A_555 : i32 to index
      %get3A_672 = tpu.vector_load %arg15[%get3A_669, %get3A_670, %get3A_671] {strides = array<i32>} : memref<4x36x128xf32, #tpu.memory_space<vmem>>, vector<1x1x16xf32>,
      %get3A_673 = vector.shape_cast %get3A_672 : vector<1x1x16xf32> to vector<16xf32>
      %add3A_674 = arith.addf %add3A_665, %get3A_673 : vector<16xf32>
      %add3A_675 = arith.constant 12 : i32
      %add3A_676 = arith.addi %add3A_675, %select_n3A : i32
      %get3A_677 = arith.constant 1 : i32
      %get3A_678 = arith.index_cast %get3A_677 : i32 to index
      %get3A_679 = arith.index_cast %add3A_676 : i32 to index
      %get3A_680 = arith.index_cast %mul3A_555 : i32 to index
      %get3A_681 = tpu.vector_load %arg15[%get3A_678, %get3A_679, %get3A_680] {strides = array<i32>} : memref<4x36x128xf32, #tpu.memory_space<vmem>>, vector<1x1x16xf32>,
      %get3A_682 = vector.shape_cast %get3A_681 : vector<1x1x16xf32> to vector<16xf32>
      %add3A_683 = arith.addf %add3A_674, %get3A_682 : vector<16xf32>
      %add3A_684 = arith.constant 16 : i32
      %add3A_685 = arith.addi %add3A_684, %select_n3A : i32
      %get3A_686 = arith.constant 1 : i32
      %get3A_687 = arith.index_cast %get3A_686 : i32 to index
      %get3A_688 = arith.index_cast %add3A_685 : i32 to index
      %get3A_689 = arith.index_cast %mul3A_555 : i32 to index
      %get3A_690 = tpu.vector_load %arg15[%get3A_687, %get3A_688, %get3A_689] {strides = array<i32>} : memref<4x36x128xf32, #tpu.memory_space<vmem>>, vector<1x1x16xf32>,
      %get3A_691 = vector.shape_cast %get3A_690 : vector<1x1x16xf32> to vector<16xf32>
      %add3A_692 = arith.addf %add3A_683, %get3A_691 : vector<16xf32>
      %add3A_693 = arith.constant 20 : i32
      %add3A_694 = arith.addi %add3A_693, %select_n3A : i32
      %get3A_695 = arith.constant 1 : i32
      %get3A_696 = arith.index_cast %get3A_695 : i32 to index
      %get3A_697 = arith.index_cast %add3A_694 : i32 to index
      %get3A_698 = arith.index_cast %mul3A_555 : i32 to index
      %get3A_699 = tpu.vector_load %arg15[%get3A_696, %get3A_697, %get3A_698] {strides = array<i32>} : memref<4x36x128xf32, #tpu.memory_space<vmem>>, vector<1x1x16xf32>,
      %get3A_700 = vector.shape_cast %get3A_699 : vector<1x1x16xf32> to vector<16xf32>
      %add3A_701 = arith.addf %add3A_692, %get3A_700 : vector<16xf32>
      %add3A_702 = arith.constant 24 : i32
      %add3A_703 = arith.addi %add3A_702, %select_n3A : i32
      %get3A_704 = arith.constant 1 : i32
      %get3A_705 = arith.index_cast %get3A_704 : i32 to index
      %get3A_706 = arith.index_cast %add3A_703 : i32 to index
      %get3A_707 = arith.index_cast %mul3A_555 : i32 to index
      %get3A_708 = tpu.vector_load %arg15[%get3A_705, %get3A_706, %get3A_707] {strides = array<i32>} : memref<4x36x128xf32, #tpu.memory_space<vmem>>, vector<1x1x16xf32>,
      %get3A_709 = vector.shape_cast %get3A_708 : vector<1x1x16xf32> to vector<16xf32>
      %add3A_710 = arith.addf %add3A_701, %get3A_709 : vector<16xf32>
      %add3A_711 = arith.constant 28 : i32
      %add3A_712 = arith.addi %add3A_711, %select_n3A : i32
      %get3A_713 = arith.constant 1 : i32
      %get3A_714 = arith.index_cast %get3A_713 : i32 to index
      %get3A_715 = arith.index_cast %add3A_712 : i32 to index
      %get3A_716 = arith.index_cast %mul3A_555 : i32 to index
      %get3A_717 = tpu.vector_load %arg15[%get3A_714, %get3A_715, %get3A_716] {strides = array<i32>} : memref<4x36x128xf32, #tpu.memory_space<vmem>>, vector<1x1x16xf32>,
      %get3A_718 = vector.shape_cast %get3A_717 : vector<1x1x16xf32> to vector<16xf32>
      %add3A_719 = arith.addf %add3A_710, %get3A_718 : vector<16xf32>
      %add3A_720 = arith.constant 32 : i32
      %add3A_721 = arith.addi %add3A_720, %select_n3A : i32
      %get3A_722 = arith.constant 1 : i32
      %get3A_723 = arith.index_cast %get3A_722 : i32 to index
      %get3A_724 = arith.index_cast %add3A_721 : i32 to index
      %get3A_725 = arith.index_cast %mul3A_555 : i32 to index
      %get3A_726 = tpu.vector_load %arg15[%get3A_723, %get3A_724, %get3A_725] {strides = array<i32>} : memref<4x36x128xf32, #tpu.memory_space<vmem>>, vector<1x1x16xf32>,
      %get3A_727 = vector.shape_cast %get3A_726 : vector<1x1x16xf32> to vector<16xf32>
      %add3A_728 = arith.addf %add3A_719, %get3A_727 : vector<16xf32>
      %get3A_729 = arith.constant 1 : i32
      %get3A_730 = arith.index_cast %get3A_729 : i32 to index
      %get3A_731 = arith.index_cast %mul3A_523 : i32 to index
      %get3A_732 = tpu.vector_load %arg12[%get3A_730, %get3A_731] {strides = array<i32>} : memref<4x512xf32, #tpu.memory_space<vmem>>, vector<1x16xf32>,
      %get3A_733 = vector.shape_cast %get3A_732 : vector<1x16xf32> to vector<16xf32>
      %mul3A_734 = arith.mulf %add3A_728, %get3A_733 : vector<16xf32>
      %add3A_735 = arith.addf %add3A_645, %mul3A_734 : vector<16xf32>
      %broadcast_in_dim3A_736 = arith.constant 0.000000e+00 : f32
      %broadcast_in_dim3A_737 = vector.broadcast %broadcast_in_dim3A_736 : f32 to vector<16xf32>
      %add3A_738 = arith.constant 0 : i32
      %add3A_739 = arith.addi %add3A_738, %select_n3A : i32
      %get3A_740 = arith.constant 2 : i32
      %get3A_741 = arith.index_cast %get3A_740 : i32 to index
      %get3A_742 = arith.index_cast %add3A_739 : i32 to index
      %get3A_743 = arith.index_cast %mul3A_555 : i32 to index
      %get3A_744 = tpu.vector_load %arg15[%get3A_741, %get3A_742, %get3A_743] {strides = array<i32>} : memref<4x36x128xf32, #tpu.memory_space<vmem>>, vector<1x1x16xf32>,
      %get3A_745 = vector.shape_cast %get3A_744 : vector<1x1x16xf32> to vector<16xf32>
      %add3A_746 = arith.addf %broadcast_in_dim3A_737, %get3A_745 : vector<16xf32>
      %add3A_747 = arith.constant 4 : i32
      %add3A_748 = arith.addi %add3A_747, %select_n3A : i32
      %get3A_749 = arith.constant 2 : i32
      %get3A_750 = arith.index_cast %get3A_749 : i32 to index
      %get3A_751 = arith.index_cast %add3A_748 : i32 to index
      %get3A_752 = arith.index_cast %mul3A_555 : i32 to index
      %get3A_753 = tpu.vector_load %arg15[%get3A_750, %get3A_751, %get3A_752] {strides = array<i32>} : memref<4x36x128xf32, #tpu.memory_space<vmem>>, vector<1x1x16xf32>,
      %get3A_754 = vector.shape_cast %get3A_753 : vector<1x1x16xf32> to vector<16xf32>
      %add3A_755 = arith.addf %add3A_746, %get3A_754 : vector<16xf32>
      %add3A_756 = arith.constant 8 : i32
      %add3A_757 = arith.addi %add3A_756, %select_n3A : i32
      %get3A_758 = arith.constant 2 : i32
      %get3A_759 = arith.index_cast %get3A_758 : i32 to index
      %get3A_760 = arith.index_cast %add3A_757 : i32 to index
      %get3A_761 = arith.index_cast %mul3A_555 : i32 to index
      %get3A_762 = tpu.vector_load %arg15[%get3A_759, %get3A_760, %get3A_761] {strides = array<i32>} : memref<4x36x128xf32, #tpu.memory_space<vmem>>, vector<1x1x16xf32>,
      %get3A_763 = vector.shape_cast %get3A_762 : vector<1x1x16xf32> to vector<16xf32>
      %add3A_764 = arith.addf %add3A_755, %get3A_763 : vector<16xf32>
      %add3A_765 = arith.constant 12 : i32
      %add3A_766 = arith.addi %add3A_765, %select_n3A : i32
      %get3A_767 = arith.constant 2 : i32
      %get3A_768 = arith.index_cast %get3A_767 : i32 to index
      %get3A_769 = arith.index_cast %add3A_766 : i32 to index
      %get3A_770 = arith.index_cast %mul3A_555 : i32 to index
      %get3A_771 = tpu.vector_load %arg15[%get3A_768, %get3A_769, %get3A_770] {strides = array<i32>} : memref<4x36x128xf32, #tpu.memory_space<vmem>>, vector<1x1x16xf32>,
      %get3A_772 = vector.shape_cast %get3A_771 : vector<1x1x16xf32> to vector<16xf32>
      %add3A_773 = arith.addf %add3A_764, %get3A_772 : vector<16xf32>
      %add3A_774 = arith.constant 16 : i32
      %add3A_775 = arith.addi %add3A_774, %select_n3A : i32
      %get3A_776 = arith.constant 2 : i32
      %get3A_777 = arith.index_cast %get3A_776 : i32 to index
      %get3A_778 = arith.index_cast %add3A_775 : i32 to index
      %get3A_779 = arith.index_cast %mul3A_555 : i32 to index
      %get3A_780 = tpu.vector_load %arg15[%get3A_777, %get3A_778, %get3A_779] {strides = array<i32>} : memref<4x36x128xf32, #tpu.memory_space<vmem>>, vector<1x1x16xf32>,
      %get3A_781 = vector.shape_cast %get3A_780 : vector<1x1x16xf32> to vector<16xf32>
      %add3A_782 = arith.addf %add3A_773, %get3A_781 : vector<16xf32>
      %add3A_783 = arith.constant 20 : i32
      %add3A_784 = arith.addi %add3A_783, %select_n3A : i32
      %get3A_785 = arith.constant 2 : i32
      %get3A_786 = arith.index_cast %get3A_785 : i32 to index
      %get3A_787 = arith.index_cast %add3A_784 : i32 to index
      %get3A_788 = arith.index_cast %mul3A_555 : i32 to index
      %get3A_789 = tpu.vector_load %arg15[%get3A_786, %get3A_787, %get3A_788] {strides = array<i32>} : memref<4x36x128xf32, #tpu.memory_space<vmem>>, vector<1x1x16xf32>,
      %get3A_790 = vector.shape_cast %get3A_789 : vector<1x1x16xf32> to vector<16xf32>
      %add3A_791 = arith.addf %add3A_782, %get3A_790 : vector<16xf32>
      %add3A_792 = arith.constant 24 : i32
      %add3A_793 = arith.addi %add3A_792, %select_n3A : i32
      %get3A_794 = arith.constant 2 : i32
      %get3A_795 = arith.index_cast %get3A_794 : i32 to index
      %get3A_796 = arith.index_cast %add3A_793 : i32 to index
      %get3A_797 = arith.index_cast %mul3A_555 : i32 to index
      %get3A_798 = tpu.vector_load %arg15[%get3A_795, %get3A_796, %get3A_797] {strides = array<i32>} : memref<4x36x128xf32, #tpu.memory_space<vmem>>, vector<1x1x16xf32>,
      %get3A_799 = vector.shape_cast %get3A_798 : vector<1x1x16xf32> to vector<16xf32>
      %add3A_800 = arith.addf %add3A_791, %get3A_799 : vector<16xf32>
      %add3A_801 = arith.constant 28 : i32
      %add3A_802 = arith.addi %add3A_801, %select_n3A : i32
      %get3A_803 = arith.constant 2 : i32
      %get3A_804 = arith.index_cast %get3A_803 : i32 to index
      %get3A_805 = arith.index_cast %add3A_802 : i32 to index
      %get3A_806 = arith.index_cast %mul3A_555 : i32 to index
      %get3A_807 = tpu.vector_load %arg15[%get3A_804, %get3A_805, %get3A_806] {strides = array<i32>} : memref<4x36x128xf32, #tpu.memory_space<vmem>>, vector<1x1x16xf32>,
      %get3A_808 = vector.shape_cast %get3A_807 : vector<1x1x16xf32> to vector<16xf32>
      %add3A_809 = arith.addf %add3A_800, %get3A_808 : vector<16xf32>
      %add3A_810 = arith.constant 32 : i32
      %add3A_811 = arith.addi %add3A_810, %select_n3A : i32
      %get3A_812 = arith.constant 2 : i32
      %get3A_813 = arith.index_cast %get3A_812 : i32 to index
      %get3A_814 = arith.index_cast %add3A_811 : i32 to index
      %get3A_815 = arith.index_cast %mul3A_555 : i32 to index
      %get3A_816 = tpu.vector_load %arg15[%get3A_813, %get3A_814, %get3A_815] {strides = array<i32>} : memref<4x36x128xf32, #tpu.memory_space<vmem>>, vector<1x1x16xf32>,
      %get3A_817 = vector.shape_cast %get3A_816 : vector<1x1x16xf32> to vector<16xf32>
      %add3A_818 = arith.addf %add3A_809, %get3A_817 : vector<16xf32>
      %get3A_819 = arith.constant 2 : i32
      %get3A_820 = arith.index_cast %get3A_819 : i32 to index
      %get3A_821 = arith.index_cast %mul3A_523 : i32 to index
      %get3A_822 = tpu.vector_load %arg12[%get3A_820, %get3A_821] {strides = array<i32>} : memref<4x512xf32, #tpu.memory_space<vmem>>, vector<1x16xf32>,
      %get3A_823 = vector.shape_cast %get3A_822 : vector<1x16xf32> to vector<16xf32>
      %mul3A_824 = arith.mulf %add3A_818, %get3A_823 : vector<16xf32>
      %add3A_825 = arith.addf %add3A_735, %mul3A_824 : vector<16xf32>
      %broadcast_in_dim3A_826 = arith.constant 0.000000e+00 : f32
      %broadcast_in_dim3A_827 = vector.broadcast %broadcast_in_dim3A_826 : f32 to vector<16xf32>
      %add3A_828 = arith.constant 0 : i32
      %add3A_829 = arith.addi %add3A_828, %select_n3A : i32
      %get3A_830 = arith.constant 3 : i32
      %get3A_831 = arith.index_cast %get3A_830 : i32 to index
      %get3A_832 = arith.index_cast %add3A_829 : i32 to index
      %get3A_833 = arith.index_cast %mul3A_555 : i32 to index
      %get3A_834 = tpu.vector_load %arg15[%get3A_831, %get3A_832, %get3A_833] {strides = array<i32>} : memref<4x36x128xf32, #tpu.memory_space<vmem>>, vector<1x1x16xf32>,
      %get3A_835 = vector.shape_cast %get3A_834 : vector<1x1x16xf32> to vector<16xf32>
      %add3A_836 = arith.addf %broadcast_in_dim3A_827, %get3A_835 : vector<16xf32>
      %add3A_837 = arith.constant 4 : i32
      %add3A_838 = arith.addi %add3A_837, %select_n3A : i32
      %get3A_839 = arith.constant 3 : i32
      %get3A_840 = arith.index_cast %get3A_839 : i32 to index
      %get3A_841 = arith.index_cast %add3A_838 : i32 to index
      %get3A_842 = arith.index_cast %mul3A_555 : i32 to index
      %get3A_843 = tpu.vector_load %arg15[%get3A_840, %get3A_841, %get3A_842] {strides = array<i32>} : memref<4x36x128xf32, #tpu.memory_space<vmem>>, vector<1x1x16xf32>,
      %get3A_844 = vector.shape_cast %get3A_843 : vector<1x1x16xf32> to vector<16xf32>
      %add3A_845 = arith.addf %add3A_836, %get3A_844 : vector<16xf32>
      %add3A_846 = arith.constant 8 : i32
      %add3A_847 = arith.addi %add3A_846, %select_n3A : i32
      %get3A_848 = arith.constant 3 : i32
      %get3A_849 = arith.index_cast %get3A_848 : i32 to index
      %get3A_850 = arith.index_cast %add3A_847 : i32 to index
      %get3A_851 = arith.index_cast %mul3A_555 : i32 to index
      %get3A_852 = tpu.vector_load %arg15[%get3A_849, %get3A_850, %get3A_851] {strides = array<i32>} : memref<4x36x128xf32, #tpu.memory_space<vmem>>, vector<1x1x16xf32>,
      %get3A_853 = vector.shape_cast %get3A_852 : vector<1x1x16xf32> to vector<16xf32>
      %add3A_854 = arith.addf %add3A_845, %get3A_853 : vector<16xf32>
      %add3A_855 = arith.constant 12 : i32
      %add3A_856 = arith.addi %add3A_855, %select_n3A : i32
      %get3A_857 = arith.constant 3 : i32
      %get3A_858 = arith.index_cast %get3A_857 : i32 to index
      %get3A_859 = arith.index_cast %add3A_856 : i32 to index
      %get3A_860 = arith.index_cast %mul3A_555 : i32 to index
      %get3A_861 = tpu.vector_load %arg15[%get3A_858, %get3A_859, %get3A_860] {strides = array<i32>} : memref<4x36x128xf32, #tpu.memory_space<vmem>>, vector<1x1x16xf32>,
      %get3A_862 = vector.shape_cast %get3A_861 : vector<1x1x16xf32> to vector<16xf32>
      %add3A_863 = arith.addf %add3A_854, %get3A_862 : vector<16xf32>
      %add3A_864 = arith.constant 16 : i32
      %add3A_865 = arith.addi %add3A_864, %select_n3A : i32
      %get3A_866 = arith.constant 3 : i32
      %get3A_867 = arith.index_cast %get3A_866 : i32 to index
      %get3A_868 = arith.index_cast %add3A_865 : i32 to index
      %get3A_869 = arith.index_cast %mul3A_555 : i32 to index
      %get3A_870 = tpu.vector_load %arg15[%get3A_867, %get3A_868, %get3A_869] {strides = array<i32>} : memref<4x36x128xf32, #tpu.memory_space<vmem>>, vector<1x1x16xf32>,
      %get3A_871 = vector.shape_cast %get3A_870 : vector<1x1x16xf32> to vector<16xf32>
      %add3A_872 = arith.addf %add3A_863, %get3A_871 : vector<16xf32>
      %add3A_873 = arith.constant 20 : i32
      %add3A_874 = arith.addi %add3A_873, %select_n3A : i32
      %get3A_875 = arith.constant 3 : i32
      %get3A_876 = arith.index_cast %get3A_875 : i32 to index
      %get3A_877 = arith.index_cast %add3A_874 : i32 to index
      %get3A_878 = arith.index_cast %mul3A_555 : i32 to index
      %get3A_879 = tpu.vector_load %arg15[%get3A_876, %get3A_877, %get3A_878] {strides = array<i32>} : memref<4x36x128xf32, #tpu.memory_space<vmem>>, vector<1x1x16xf32>,
      %get3A_880 = vector.shape_cast %get3A_879 : vector<1x1x16xf32> to vector<16xf32>
      %add3A_881 = arith.addf %add3A_872, %get3A_880 : vector<16xf32>
      %add3A_882 = arith.constant 24 : i32
      %add3A_883 = arith.addi %add3A_882, %select_n3A : i32
      %get3A_884 = arith.constant 3 : i32
      %get3A_885 = arith.index_cast %get3A_884 : i32 to index
      %get3A_886 = arith.index_cast %add3A_883 : i32 to index
      %get3A_887 = arith.index_cast %mul3A_555 : i32 to index
      %get3A_888 = tpu.vector_load %arg15[%get3A_885, %get3A_886, %get3A_887] {strides = array<i32>} : memref<4x36x128xf32, #tpu.memory_space<vmem>>, vector<1x1x16xf32>,
      %get3A_889 = vector.shape_cast %get3A_888 : vector<1x1x16xf32> to vector<16xf32>
      %add3A_890 = arith.addf %add3A_881, %get3A_889 : vector<16xf32>
      %add3A_891 = arith.constant 28 : i32
      %add3A_892 = arith.addi %add3A_891, %select_n3A : i32
      %get3A_893 = arith.constant 3 : i32
      %get3A_894 = arith.index_cast %get3A_893 : i32 to index
      %get3A_895 = arith.index_cast %add3A_892 : i32 to index
      %get3A_896 = arith.index_cast %mul3A_555 : i32 to index
      %get3A_897 = tpu.vector_load %arg15[%get3A_894, %get3A_895, %get3A_896] {strides = array<i32>} : memref<4x36x128xf32, #tpu.memory_space<vmem>>, vector<1x1x16xf32>,
      %get3A_898 = vector.shape_cast %get3A_897 : vector<1x1x16xf32> to vector<16xf32>
      %add3A_899 = arith.addf %add3A_890, %get3A_898 : vector<16xf32>
      %add3A_900 = arith.constant 32 : i32
      %add3A_901 = arith.addi %add3A_900, %select_n3A : i32
      %get3A_902 = arith.constant 3 : i32
      %get3A_903 = arith.index_cast %get3A_902 : i32 to index
      %get3A_904 = arith.index_cast %add3A_901 : i32 to index
      %get3A_905 = arith.index_cast %mul3A_555 : i32 to index
      %get3A_906 = tpu.vector_load %arg15[%get3A_903, %get3A_904, %get3A_905] {strides = array<i32>} : memref<4x36x128xf32, #tpu.memory_space<vmem>>, vector<1x1x16xf32>,
      %get3A_907 = vector.shape_cast %get3A_906 : vector<1x1x16xf32> to vector<16xf32>
      %add3A_908 = arith.addf %add3A_899, %get3A_907 : vector<16xf32>
      %get3A_909 = arith.constant 3 : i32
      %get3A_910 = arith.index_cast %get3A_909 : i32 to index
      %get3A_911 = arith.index_cast %mul3A_523 : i32 to index
      %get3A_912 = tpu.vector_load %arg12[%get3A_910, %get3A_911] {strides = array<i32>} : memref<4x512xf32, #tpu.memory_space<vmem>>, vector<1x16xf32>,
      %get3A_913 = vector.shape_cast %get3A_912 : vector<1x16xf32> to vector<16xf32>
      %mul3A_914 = arith.mulf %add3A_908, %get3A_913 : vector<16xf32>
      %add3A_915 = arith.addf %add3A_825, %mul3A_914 : vector<16xf32>
      %broadcast_in_dim3A_916 = arith.constant 0.000000e+00 : f32
      %broadcast_in_dim3A_917 = vector.broadcast %broadcast_in_dim3A_916 : f32 to vector<16xf32>
      %add3A_918 = arith.constant 0 : i32
      %add3A_919 = arith.addi %add3A_918, %select_n3A : i32
      %get3A_920 = arith.index_cast %add3A_919 : i32 to index
      %get3A_921 = arith.index_cast %mul3A_555 : i32 to index
      %get3A_922 = tpu.vector_load %arg16[%get3A_920, %get3A_921] {strides = array<i32>} : memref<36x128xf32, #tpu.memory_space<vmem>>, vector<1x16xf32>,
      %get3A_923 = vector.shape_cast %get3A_922 : vector<1x16xf32> to vector<16xf32>
      %add3A_924 = arith.addf %broadcast_in_dim3A_917, %get3A_923 : vector<16xf32>
      %add3A_925 = arith.constant 4 : i32
      %add3A_926 = arith.addi %add3A_925, %select_n3A : i32
      %get3A_927 = arith.index_cast %add3A_926 : i32 to index
      %get3A_928 = arith.index_cast %mul3A_555 : i32 to index
      %get3A_929 = tpu.vector_load %arg16[%get3A_927, %get3A_928] {strides = array<i32>} : memref<36x128xf32, #tpu.memory_space<vmem>>, vector<1x16xf32>,
      %get3A_930 = vector.shape_cast %get3A_929 : vector<1x16xf32> to vector<16xf32>
      %add3A_931 = arith.addf %add3A_924, %get3A_930 : vector<16xf32>
      %add3A_932 = arith.constant 8 : i32
      %add3A_933 = arith.addi %add3A_932, %select_n3A : i32
      %get3A_934 = arith.index_cast %add3A_933 : i32 to index
      %get3A_935 = arith.index_cast %mul3A_555 : i32 to index
      %get3A_936 = tpu.vector_load %arg16[%get3A_934, %get3A_935] {strides = array<i32>} : memref<36x128xf32, #tpu.memory_space<vmem>>, vector<1x16xf32>,
      %get3A_937 = vector.shape_cast %get3A_936 : vector<1x16xf32> to vector<16xf32>
      %add3A_938 = arith.addf %add3A_931, %get3A_937 : vector<16xf32>
      %add3A_939 = arith.constant 12 : i32
      %add3A_940 = arith.addi %add3A_939, %select_n3A : i32
      %get3A_941 = arith.index_cast %add3A_940 : i32 to index
      %get3A_942 = arith.index_cast %mul3A_555 : i32 to index
      %get3A_943 = tpu.vector_load %arg16[%get3A_941, %get3A_942] {strides = array<i32>} : memref<36x128xf32, #tpu.memory_space<vmem>>, vector<1x16xf32>,
      %get3A_944 = vector.shape_cast %get3A_943 : vector<1x16xf32> to vector<16xf32>
      %add3A_945 = arith.addf %add3A_938, %get3A_944 : vector<16xf32>
      %add3A_946 = arith.constant 16 : i32
      %add3A_947 = arith.addi %add3A_946, %select_n3A : i32
      %get3A_948 = arith.index_cast %add3A_947 : i32 to index
      %get3A_949 = arith.index_cast %mul3A_555 : i32 to index
      %get3A_950 = tpu.vector_load %arg16[%get3A_948, %get3A_949] {strides = array<i32>} : memref<36x128xf32, #tpu.memory_space<vmem>>, vector<1x16xf32>,
      %get3A_951 = vector.shape_cast %get3A_950 : vector<1x16xf32> to vector<16xf32>
      %add3A_952 = arith.addf %add3A_945, %get3A_951 : vector<16xf32>
      %add3A_953 = arith.constant 20 : i32
      %add3A_954 = arith.addi %add3A_953, %select_n3A : i32
      %get3A_955 = arith.index_cast %add3A_954 : i32 to index
      %get3A_956 = arith.index_cast %mul3A_555 : i32 to index
      %get3A_957 = tpu.vector_load %arg16[%get3A_955, %get3A_956] {strides = array<i32>} : memref<36x128xf32, #tpu.memory_space<vmem>>, vector<1x16xf32>,
      %get3A_958 = vector.shape_cast %get3A_957 : vector<1x16xf32> to vector<16xf32>
      %add3A_959 = arith.addf %add3A_952, %get3A_958 : vector<16xf32>
      %add3A_960 = arith.constant 24 : i32
      %add3A_961 = arith.addi %add3A_960, %select_n3A : i32
      %get3A_962 = arith.index_cast %add3A_961 : i32 to index
      %get3A_963 = arith.index_cast %mul3A_555 : i32 to index
      %get3A_964 = tpu.vector_load %arg16[%get3A_962, %get3A_963] {strides = array<i32>} : memref<36x128xf32, #tpu.memory_space<vmem>>, vector<1x16xf32>,
      %get3A_965 = vector.shape_cast %get3A_964 : vector<1x16xf32> to vector<16xf32>
      %add3A_966 = arith.addf %add3A_959, %get3A_965 : vector<16xf32>
      %add3A_967 = arith.constant 28 : i32
      %add3A_968 = arith.addi %add3A_967, %select_n3A : i32
      %get3A_969 = arith.index_cast %add3A_968 : i32 to index
      %get3A_970 = arith.index_cast %mul3A_555 : i32 to index
      %get3A_971 = tpu.vector_load %arg16[%get3A_969, %get3A_970] {strides = array<i32>} : memref<36x128xf32, #tpu.memory_space<vmem>>, vector<1x16xf32>,
      %get3A_972 = vector.shape_cast %get3A_971 : vector<1x16xf32> to vector<16xf32>
      %add3A_973 = arith.addf %add3A_966, %get3A_972 : vector<16xf32>
      %add3A_974 = arith.constant 32 : i32
      %add3A_975 = arith.addi %add3A_974, %select_n3A : i32
      %get3A_976 = arith.index_cast %add3A_975 : i32 to index
      %get3A_977 = arith.index_cast %mul3A_555 : i32 to index
      %get3A_978 = tpu.vector_load %arg16[%get3A_976, %get3A_977] {strides = array<i32>} : memref<36x128xf32, #tpu.memory_space<vmem>>, vector<1x16xf32>,
      %get3A_979 = vector.shape_cast %get3A_978 : vector<1x16xf32> to vector<16xf32>
      %add3A_980 = arith.addf %add3A_973, %get3A_979 : vector<16xf32>
      %add3A_981 = arith.addf %add3A_915, %add3A_980 : vector<16xf32>
      %mul3A_982 = arith.constant 0.111111112 : f32
      %mul3A_983 = vector.broadcast %mul3A_982 : f32 to vector<16xf32>
      %mul3A_984 = arith.mulf %add3A_981, %mul3A_983 : vector<16xf32>
      %swap3A = arith.index_cast %mul3A_523 : i32 to index
      %swap3A_985 = tpu.vector_load %arg17[%swap3A] {strides = array<i32>} : memref<512xf32, #tpu.memory_space<vmem>>, vector<16xf32>,
      %swap3A_986 = vector.shape_cast %swap3A_985 : vector<16xf32> to vector<16xf32>
      %swap3A_987 = vector.shape_cast %mul3A_984 : vector<16xf32> to vector<16xf32>
      tpu.vector_store %arg17[%swap3A], %swap3A_987 {strides = array<i32>} : memref<512xf32, #tpu.memory_space<vmem>>, vector<16xf32>,
    }
    %scan3A_520 = arith.constant 32 : i32
    "tpu.region"() ({
      %run_scoped3A_521 = tpu.sem_alloc : memref<!tpu.dma_semaphore, #tpu.memory_space<semaphore_mem>>
      %dma_start3A_522 = tpu.memref_slice %arg8[%mul3A_2] : memref<16384xf32, #tpu.memory_space<hbm>> -> memref<512xf32, #tpu.memory_space<hbm>>
      %dma_start3A_523 = tpu.memref_slice %arg8[%mul3A_2] : memref<16384xf32, #tpu.memory_space<hbm>> -> memref<512xf32, #tpu.memory_space<hbm>>
      tpu.enqueue_dma source(%arg17 : memref<512xf32, #tpu.memory_space<vmem>>) target(%dma_start3A_523 : memref<512xf32, #tpu.memory_space<hbm>>) target_semaphore(%run_scoped3A_521 : memref<!tpu.dma_semaphore, #tpu.memory_space<semaphore_mem>>)
      %dma_wait3A_524 = tpu.memref_slice %arg8[%mul3A_2] : memref<16384xf32, #tpu.memory_space<hbm>> -> memref<512xf32, #tpu.memory_space<hbm>>
      %dma_wait3A_525 = tpu.memref_slice %arg8[%mul3A_2] : memref<16384xf32, #tpu.memory_space<hbm>> -> memref<512xf32, #tpu.memory_space<hbm>>
      tpu.wait_dma2 semaphore(%run_scoped3A_521 : memref<!tpu.dma_semaphore, #tpu.memory_space<semaphore_mem>>) src(%arg17 : memref<512xf32, #tpu.memory_space<vmem>>) dst(%dma_wait3A_525 : memref<512xf32, #tpu.memory_space<hbm>>)
      tpu.yield
    }) : () -> ()
    return
  }
}

</mosaic_0001>

<sc_bundles>
// kernel: kernel.3.cloned.1.call-start
scs
__scs_entry_jumppad:
0x0: {  	(pc) =	sbr.rel $0x88, $3  }
0x1: {  	(tag) =	ssettag $0x0;
	lr =	simm.s32 $0x1  }
0x2: {  	[smem:$0x3F9B] =	sst lr;
	_ =	strace $0xD0000000  }
0x3: {  	_ = 	snop  }
0x4: {  	_ = 	snop  }
0x5: {  	_ = 	snop  }
0x6: {  	_ = 	snop  }
0x7: {  	_ = 	snop  }
__scs_overlays_trampoline_lowered:
0x8: {  	[smem:$0x3FAA] =	sst s0  }
0x9: {  	[smem:$0x3FAB] =	sst s1  }
0xa: {  	[smem:$0x3FAC] =	sst s2  }
0xb: {  	[smem:$0x3FAD] =	sst s3  }
0xc: {  	[smem:$0x3FAE] =	sst s4  }
0xd: {  	[smem:$0x3FAF] =	sst s5  }
0xe: {  	[smem:$0x3FB0] =	sst s6  }
0xf: {  	[smem:$0x3FB1] =	sst s7  }
0x10: {  	[smem:$0x3FB2] =	sst s8  }
0x11: {  	[smem:$0x3FB3] =	sst s9;
	s0 =	simm.s32 @!p0 $0x0  }
0x12: {  	s1 =	sld [smem:$0x3F99];
	s0 =	simm.s32 @p0 $0x1  }
0x13: {  	[smem:$0x3FB4] =	sst s0;
	s0 =	simm.s32 @!p1 $0x0  }
0x14: {  	s2 =	sld [smem:$0x3F98];
	s0 =	simm.s32 @p1 $0x1  }
0x15: {  	[smem:$0x3FB5] =	sst s0;
	s0 =	simm.s32 @!p2 $0x0  }
0x16: {  	s3 =	sld [smem:$0x3FDB];
	s0 =	simm.s32 @p2 $0x1  }
0x17: {  	s4 =	simm.s32 $0x1BF5;
	[smem:$0x3FB7] =	sst s0  }
0x18: {  	s0 =	sld [smem:$0x3F9A];
	_ =	swait.ge [sflag:s4], $0x0  }
0x19: {  	s7 =	sld [smem:$0x3F9B]  }
0x1a: {  	s8 =	sadd.s32 $0xFFFFE003, lr  }
0x1b: {  	s9 =	sadd.s32 $0xFFFFFEF7, lr;
	s5 =	simm.s32 $0xFFFFFFFF;
	p2 =	slt.u32 s8, $0xFFFFF086  }
0x1c: {  	p1 =	slt.u32 s9, $0xF7A;
	s5 =	simm.s32 @!p2 $0x0  }
0x1d: {  	s5 =	simm.s32 @p1 $0x1;
	p0 =	seq.s32 s7, s2  }
0x1e: {  	s7 =	smul.u32 @!p0 $0xF7A, s2;
	p2 =	seq.s32 @!p0 s5, $0x0  }
0x1f: {  	s9 =	smul.u32 $0xF7A, s1;
	s8 =	simm.s32 @!p0 $0x1BF5;
	p2 =	por !p2, p0  }
0x20: {  	[sflag:s8] =	ssyncset.s32 @!p0 $0xFFFFF086;
	s6 =	sadd.s32 @!p0 s3, s7;
	s7 =	simm.s32 @!p0 $0x108  }
0x21: {  	s3 =	sadd.s32 s3, s9;
	s6 =	sadd.s32 @!p0 $0x88, s6;
	s7 =	simm.s32 @p2 $0x1082  }
0x22: {  	[simem:s7], [sflag:s8] =	dma.local @!p0 [hbm:s6], $0xF7A  }
0x23: {  	s9 =	sor.u32 $0xD0000000, s2;
	s6 =	simm.s32 $0x108;
	_ =	swait.ge @!p0 [sflag:s8], $0x0  }
0x24: {  	s3 =	sadd.s32 $0x88, s3;
	s6 =	simm.s32 @!p1 $0x1082;
	[sflag:s4] =	ssyncset.s32 $0xFFFFF086  }
0x25: {  	[simem:s6], [sflag:s4] =	dma.local [hbm:s3], $0xF7A  }
0x26: {  	[smem:$0x3F9B] =	sst s1;
	(tag) =	ssettag s2;
	_ =	strace s9  }
0x27: {  	s1 =	sld [smem:$0x3FAB]  }
0x28: {  	s2 =	sld [smem:$0x3FAC]  }
0x29: {  	s4 =	sld [smem:$0x3FAE]  }
0x2a: {  	p0 =	seq.s32 s5, $0x0;
	s5 =	sld [smem:$0x3FAF]  }
0x2b: {  	s6 =	sld [smem:$0x3FB0]  }
0x2c: {  	s7 =	sld [smem:$0x3FB1]  }
0x2d: {  	s3 =	simm.s32 $0x108;
	s8 =	sld [smem:$0x3FB2]  }
0x2e: {  	s3 =	simm.s32 @!p0 $0x1082;
	s9 =	sld [smem:$0x3FB3]  }
0x2f: {  	lr =	sadd.s32 s0, s3;
	s0 =	sld [smem:$0x3FAA]  }
0x30: {  	s3 =	sld [smem:$0x3FAD]  }
0x31: {  	[smem:$0x3FB6] =	sst s10  }
0x32: {  	s10 =	sld [smem:$0x3FB4];
	_ =	sdelay $0x3  }
0x33: {  	p0 =	seq.s32 s10, $0x1;
	s10 =	sld [smem:$0x3FB6];
	_ =	sdelay $0x3  }
0x34: {  	[smem:$0x3FB6] =	sst s10  }
0x35: {  	s10 =	sld [smem:$0x3FB5];
	_ =	sdelay $0x3  }
0x36: {  	p1 =	seq.s32 s10, $0x1;
	s10 =	sld [smem:$0x3FB6];
	_ =	sdelay $0x3  }
0x37: {  	[smem:$0x3FB6] =	sst s10  }
0x38: {  	s10 =	sld [smem:$0x3FB7]  }
0x39: {  	_ = 	snop;
	(pc) =	sbr.ind lr, $3  }
0x3a: {  	_ = 	snop  }
0x3b: {  	_ = 	snop  }
0x3c: {  	p2 =	seq.s32 s10, $0x1;
	s10 =	sld [smem:$0x3FB6]  }
0x3d: {  	_ =	shalt  }
0x3e: {  	_ =	shalt  }
0x3f: {  	_ =	shalt  }
0x40: {  	_ =	shalt  }
0x41: {  	_ =	shalt  }
0x42: {  	_ =	shalt  }
0x43: {  	_ =	shalt  }
0x44: {  	_ =	shalt  }
0x45: {  	_ =	shalt  }
0x46: {  	_ =	shalt  }
0x47: {  	_ =	shalt  }
0x48: {  	_ =	shalt  }
0x49: {  	_ =	shalt  }
0x4a: {  	_ =	shalt  }
0x4b: {  	_ =	shalt  }
0x4c: {  	_ =	shalt  }
0x4d: {  	_ =	shalt  }
0x4e: {  	_ =	shalt  }
0x4f: {  	_ =	shalt  }
0x50: {  	_ =	shalt  }
0x51: {  	_ =	shalt  }
0x52: {  	_ =	shalt  }
0x53: {  	_ =	shalt  }
0x54: {  	_ =	shalt  }
0x55: {  	_ =	shalt  }
0x56: {  	_ =	shalt  }
0x57: {  	_ =	shalt  }
0x58: {  	_ =	shalt  }
0x59: {  	_ =	shalt  }
0x5a: {  	_ =	shalt  }
0x5b: {  	_ =	shalt  }
0x5c: {  	_ =	shalt  }
0x5d: {  	_ =	shalt  }
0x5e: {  	_ =	shalt  }
0x5f: {  	_ =	shalt  }
0x60: {  	_ =	shalt  }
0x61: {  	_ =	shalt  }
0x62: {  	_ =	shalt  }
0x63: {  	_ =	shalt  }
0x64: {  	_ =	shalt  }
0x65: {  	_ =	shalt  }
0x66: {  	_ =	shalt  }
0x67: {  	_ =	shalt  }
0x68: {  	_ =	shalt  }
0x69: {  	_ =	shalt  }
0x6a: {  	_ =	shalt  }
0x6b: {  	_ =	shalt  }
0x6c: {  	_ =	shalt  }
0x6d: {  	_ =	shalt  }
0x6e: {  	_ =	shalt  }
0x6f: {  	_ =	shalt  }
0x70: {  	_ =	shalt  }
0x71: {  	_ =	shalt  }
0x72: {  	_ =	shalt  }
0x73: {  	_ =	shalt  }
0x74: {  	_ =	shalt  }
0x75: {  	_ =	shalt  }
0x76: {  	_ =	shalt  }
0x77: {  	_ =	shalt  }
0x78: {  	_ =	shalt  }
0x79: {  	_ =	shalt  }
0x7a: {  	_ =	shalt  }
0x7b: {  	_ =	shalt  }
0x7c: {  	_ =	shalt  }
0x7d: {  	_ =	shalt  }
0x7e: {  	_ =	shalt  }
0x7f: {  	_ =	shalt  }
0x80: {  	_ =	shalt  }
0x81: {  	_ =	shalt  }
0x82: {  	_ =	shalt  }
0x83: {  	_ =	shalt  }
0x84: {  	_ =	shalt  }
0x85: {  	_ =	shalt  }
0x86: {  	_ =	shalt  }
0x87: {  	_ =	shalt  }
.Lfunc_end0:
.L_simem_size_0:
called_computation_lowered:
.L_overlay_start_0:
0x88: {  	s2 =	sld [smem:$0x3FD9]  }
0x89: {  	s3 =	sld [smem:$0x3FFE];
	_ =	sdelay $0x1  }
0x8a: {  	s1 =	srdreg.scid  }
0x8b: {  	s0 =	sand.u32 $0x1, s1  }
0x8c: {  	s18 =	sshll.u32 s0, $0xA;
	s2 =	sadd.s32 s3, s2  }
0x8d: {  	s2 =	sadd.s32 s2, s18  }
0x8e: {  	[smem:$0x3FC2] =	sst s2  }
0x8f: {  	_ = 	snop  }
0x90: {  	s2 =	sld [smem:$0x3FC9]  }
0x91: {  	s19 =	sld [smem:$0x3FC8]  }
0x92: {  	s4 =	sld [smem:$0x3FC7]  }
0x93: {  	s5 =	sld [smem:$0x3FC6]  }
0x94: {  	s6 =	sld [smem:$0x3FC5]  }
0x95: {  	s7 =	sld [smem:$0x3FC4]  }
0x96: {  	s8 =	sld [smem:$0x3FD0];
	(tm) =	ssettm $0x1  }
0x97: {  	s9 =	sld [smem:$0x3FFB];
	_ =	sdelay $0x3  }
0x98: {  	_ =	strace s9  }
0x99: {  	s9 =	sld [smem:$0x3FFC];
	_ =	sdelay $0x3  }
0x9a: {  	_ =	strace s9  }
0x9b: {  	s9 =	sld [smem:$0x3FFD];
	_ =	sdelay $0x3  }
0x9c: {  	_ =	strace s9  }
0x9d: {  	_ =	strace $0x8FFFFFFF  }
0x9e: {  	s20 =	sld [smem:$0x3FDB];
	_ =	sdelay $0x1  }
0x9f: {  	s10 =	simm.s32 $_scs_section_size  }
0xa0: {  	s11 =	simm.s32 $_size__tile_overlayer_lowered;
	s12 =	simm.s32 $_tile_overlayer_lowered  }
0xa1: {  	s23 =	simm.s32 $0x1BFF;
	s22 =	sshll.u32 s12, $0x1;
	s9 =	sadd.s32 s10, s20  }
0xa2: {  	s13 =	simm.s32 $0x0;
	s21 =	sshll.u32 s11, $0x1;
	s11 =	sadd.s32 s22, s9  }
0xa3: {  	[timem:s13], [sflag:s23] =	dma.local [hbm:s11], s21  }
0xa4: {  	_ =	swait.ge [sflag:s23], s21  }
0xa5: {  	s10 =	ssub.s32 $0x0, s21;
	[sflag:s23] =	ssyncset.done $0x0  }
0xa6: {  	[sflag:s23] =	ssyncadd.s32 s10;
	_ =	sdelay $0x1  }
0xa7: {  	s24 =	simm.s32 $0x1B8B  }
0xa8: {  	_ =	swait.ge [sflag:s24], $0x1  }
0xa9: {  	[sflag:s24] =	ssyncset.done $0x0  }
0xaa: {  	s25 =	simm.s32 $0x1B8E;
	[sflag:s24] =	ssyncadd.s32 $0xFFFFFFFF  }
0xab: {  	s26 =	simm.s32 $execute0_lowered;
	[smem:$0x3FD2] =	sst s25  }
0xac: {  	s10 =	sshll.u32 s26, $0x1;
	_ =	strace $0x80000046;
	[dreg:$0x1] =	wrdreg $0xFFFFFFFF  }
0xad: {  	s28 =	simm.s32 $_size_execute0_lowered;
	s9 =	sadd.s32 s9, s10;
	[dreg:$0x0] =	wrdreg $0x0  }
0xae: {  	s10 =	sshll.u32 s28, $0x1;
	[dreg:$0x2] =	wrdreg s9  }
0xaf: {  	[dreg:$0x3] =	wrdreg s10  }
0xb0: {  	[dreg:$0x4] =	wrdreg $0xC0  }
0xb1: {  	_ =	task [dreg:s13], $0x5FFFF  }
0xb2: {  	[dreg:$0x1] =	wrdreg $0xFFFFFFFF  }
0xb3: {  	[dreg:$0x0] =	wrdreg $0x60  }
0xb4: {  	[dreg:$0x2] =	wrdreg s6  }
0xb5: {  	[dreg:$0x3] =	wrdreg s7  }
0xb6: {  	[dreg:$0x4] =	wrdreg s2  }
0xb7: {  	[dreg:$0x5] =	wrdreg s19  }
0xb8: {  	[dreg:$0x6] =	wrdreg s4  }
0xb9: {  	[dreg:$0x7] =	wrdreg s5  }
0xba: {  	[dreg:$0x8] =	wrdreg s8  }
0xbb: {  	[dreg:$0x9] =	wrdreg $0x9  }
0xbc: {  	_ =	task.clear_ibuf [dreg:s13], $0xAFFFF;
	_ =	strace $0x90000046  }
0xbd: {  	s29 =	simm.s32 $0x9;
	_ =	strace $0x80000048  }
0xbe: {  	_ =	swait.ge [sflag:s29], $0x1  }
0xbf: {  	[sflag:s29] =	ssyncadd.s32 $0xFFFFFFFF  }
0xc0: {  	_ =	strace $0x90000048  }
0xc1: {  	_ =	sfence  }
0xc2: {  	s30 =	sld [smem:$0x0];
	_ =	sdelay $0x2  }
0xc3: {  	s31 =	sshll.u32 s1, $0xD;
	s1 =	sshrl.u32 s1, $0x2  }
0xc4: {  	s3 =	sand.u32 $0x4000, s31;
	s1 =	sadd.s32 s1, s30  }
0xc5: {  	s0 =	sor.u32 s3, s0;
	s1 =	sshll.u32 s1, $0x11  }
0xc6: {  	s0 =	sor.u32 s1, s0  }
0xc7: {  	s0 =	sadd.s32 $0x8F2B, s0  }
0xc8: {  	[sflag:s0] =	ssyncadd.remote.s32 $0x1  }
0xc9: {  	_ =	sfence.sel $0xFFFF  }
0xca: {  	[dreg:$0x0] =	wrdreg $0xFFFFFFFF;
	(pc) =	sbr.abs _section_cstart, $3  }
0xcb: {  	[dreg:$0x1] =	wrdreg $0xFFFFFFFF  }
0xcc: {  	_ =	task.clear_ibuf [dreg:s13], $0x2FFFF;
	_ =	strace $0x9FFFFFFF  }
0xcd: {  	(tm) =	ssettm $0x7FFFFFFF  }
tec
execute0_lowered:
.L_overlay_start_1:
0x0: {  	(tag) =	ssettag $0x1  }
0x1: {  	s0 =	rddreg [dreg:$0x0]  }
0x2: {  	s1 =	rddreg [dreg:$0x1]  }
0x3: {  	s2 =	rddreg [dreg:$0x2]  }
0x4: {  	s3 =	rddreg [dreg:$0x3]  }
0x5: {  	s6 =	rddreg [dreg:$0x4]  }
0x6: {  	s7 =	rddreg [dreg:$0x5]  }
0x7: {  	s12 =	rddreg [dreg:$0x6]  }
0x8: {  	s4 =	srdreg.scid;
	s8 =	stileid.u32  }
0x9: {  	s21 =	simm.s32 $0x80;
	s28 =	simm.s32 $0xC380;
	s29 =	simm.s32 $0x1  }
0xa: {  	s30 =	simm.s32 $0x2;
	s31 =	simm.s32 $0xD600;
	s5 =	sand.u32 $0x1, s4  }
0xb: {  	s4 =	simm.s32 $0x0;
	s8 =	sshll.u32 s8, $0xA;
	s9 =	sshll.u32 s5, $0x9  }
0xc: {  	[smem:$0x7FF] =	sst s4;
	s5 =	ssub.s32 $0x2, s5;
	s8 =	sor.u32 s9, s8  }
0xd: {  	_ =	strace $0x80000047;
	s25 =	sshrl.u32 s5, $0x1;
	s13 =	sshrl.u32 s8, $0x3  }
0xe: {  	s14 =	ssub.s32 s5, s25;
	s26 =	sshrl.u32 s8, $0x1;
	s5 =	sadd.s32 s3, s13  }
0xf: {  	s6 =	sadd.s32 s6, s13;
	s7 =	sadd.s32 s7, s13;
	s8 =	sadd.s32 s2, s26  }
0x10: {  	s12 =	sadd.s32 s12, s13;
	s13 =	smax.u32 s14, $0x1;
	s14 =	simm.s32 $0x3  }
0x11: {  	s2 =	simm.s32 $0x0;
	s9 =	sadd.s32 $0x10, s8;
	s10 =	sadd.s32 $0x20, s8  }
0x12: {  	s11 =	sadd.s32 $0x30, s8;
	s16 =	sadd.s32 $0x40, s8;
	s18 =	sadd.s32 $0x80, s8  }
0x13: {  	v0 =	vimm.s32 $0x1;
	s20 =	sadd.s32 $0xC0, s8;
	s23 =	sadd.s32 $0x40, s9;
	s25 =	sadd.s32 $0x80, s9  }
.LBB2_1:
0x14: {  	[tilespmem:s4], [sflag:$0x3] =	stream.linear.gather [hbm4b:s5+s4], $0x200, $0x38;
	[tilespmem:$0xD800] =	vst v63  }
0x15: {  	_ =	swait.ge [sflag:s14], $0x200  }
0x16: {  	[sflag:s14] =	ssyncset.done $0x0  }
0x17: {  	s3 =	simm.s32 $0x200;
	[sflag:s14] =	ssyncadd.s32 $0xFFFFFE00  }
0x18: {  	[tilespmem:s3], [sflag:$0x3] =	stream.linear.gather [hbm4b:s6+s4], $0x200, $0x38;
	[tilespmem:$0xD800] =	vst v63  }
0x19: {  	_ =	swait.ge [sflag:s14], $0x200  }
0x1a: {  	[sflag:s14] =	ssyncset.done $0x0  }
0x1b: {  	s15 =	simm.s32 $0x400;
	[sflag:s14] =	ssyncadd.s32 $0xFFFFFE00  }
0x1c: {  	[tilespmem:s15], [sflag:$0x3] =	stream.linear.gather [hbm4b:s7+s4], $0x200, $0x38;
	[tilespmem:$0xD800] =	vst v63  }
0x1d: {  	_ =	swait.ge [sflag:s14], $0x200  }
0x1e: {  	[sflag:s14] =	ssyncset.done $0x0  }
0x1f: {  	s17 =	simm.s32 $0x600;
	[sflag:s14] =	ssyncadd.s32 $0xFFFFFE00  }
0x20: {  	[tilespmem:s17], [sflag:$0x3] =	stream.linear.gather [hbm4b:s8+s4], $0x80, $0x38;
	[tilespmem:$0xD800] =	vst v63  }
0x21: {  	s22 =	simm.s32 $0x800  }
0x22: {  	[tilespmem:s22], [sflag:$0x3] =	stream.linear.gather [hbm4b:s16+s4], $0x80, $0x38;
	[tilespmem:$0xD800] =	vst v63  }
0x23: {  	s24 =	simm.s32 $0xA00  }
0x24: {  	[tilespmem:s24], [sflag:$0x3] =	stream.linear.gather [hbm4b:s18+s4], $0x80, $0x38;
	[tilespmem:$0xD800] =	vst v63  }
0x25: {  	s26 =	simm.s32 $0xC00  }
0x26: {  	[tilespmem:s26], [sflag:$0x3] =	stream.linear.gather [hbm4b:s20+s4], $0x80, $0x38;
	[tilespmem:$0xD800] =	vst v63  }
0x27: {  	_ =	swait.ge [sflag:s14], $0x200  }
0x28: {  	[sflag:s14] =	ssyncset.done $0x0  }
0x29: {  	s19 =	simm.s32 $0x680;
	[sflag:s14] =	ssyncadd.s32 $0xFFFFFE00  }
0x2a: {  	[tilespmem:s19], [sflag:$0x3] =	stream.linear.gather [hbm4b:s9+s4], $0x80, $0x38;
	[tilespmem:$0xD800] =	vst v63  }
0x2b: {  	s22 =	simm.s32 $0x880  }
0x2c: {  	[tilespmem:s22], [sflag:$0x3] =	stream.linear.gather [hbm4b:s23+s4], $0x80, $0x38;
	[tilespmem:$0xD800] =	vst v63  }
0x2d: {  	s24 =	simm.s32 $0xA80  }
0x2e: {  	[tilespmem:s24], [sflag:$0x3] =	stream.linear.gather [hbm4b:s25+s4], $0x80, $0x38;
	[tilespmem:$0xD800] =	vst v63  }
0x2f: {  	s26 =	sadd.s32 $0xC0, s9;
	s19 =	simm.s32 $0xC80  }
0x30: {  	[tilespmem:s19], [sflag:$0x3] =	stream.linear.gather [hbm4b:s26+s4], $0x80, $0x38;
	[tilespmem:$0xD800] =	vst v63  }
0x31: {  	_ =	swait.ge [sflag:s14], $0x200  }
0x32: {  	[sflag:s14] =	ssyncset.done $0x0  }
0x33: {  	s22 =	simm.s32 $0x700;
	[sflag:s14] =	ssyncadd.s32 $0xFFFFFE00  }
0x34: {  	[tilespmem:s22], [sflag:$0x3] =	stream.linear.gather [hbm4b:s10+s4], $0x80, $0x38;
	[tilespmem:$0xD800] =	vst v63  }
0x35: {  	s24 =	sadd.s32 $0x40, s10;
	s26 =	simm.s32 $0x900  }
0x36: {  	[tilespmem:s26], [sflag:$0x3] =	stream.linear.gather [hbm4b:s24+s4], $0x80, $0x38;
	[tilespmem:$0xD800] =	vst v63  }
0x37: {  	s19 =	sadd.s32 $0x80, s10;
	s22 =	simm.s32 $0xB00  }
0x38: {  	[tilespmem:s22], [sflag:$0x3] =	stream.linear.gather [hbm4b:s19+s4], $0x80, $0x38;
	[tilespmem:$0xD800] =	vst v63  }
0x39: {  	s24 =	sadd.s32 $0xC0, s10;
	s26 =	simm.s32 $0xD00  }
0x3a: {  	[tilespmem:s26], [sflag:$0x3] =	stream.linear.gather [hbm4b:s24+s4], $0x80, $0x38;
	[tilespmem:$0xD800] =	vst v63  }
0x3b: {  	_ =	swait.ge [sflag:s14], $0x200  }
0x3c: {  	[sflag:s14] =	ssyncset.done $0x0  }
0x3d: {  	s22 =	simm.s32 $0x780;
	[sflag:s14] =	ssyncadd.s32 $0xFFFFFE00  }
0x3e: {  	[tilespmem:s22], [sflag:$0x3] =	stream.linear.gather [hbm4b:s11+s4], $0x80, $0x38;
	[tilespmem:$0xD800] =	vst v63  }
0x3f: {  	s24 =	sadd.s32 $0x40, s11;
	s26 =	simm.s32 $0x980  }
0x40: {  	[tilespmem:s26], [sflag:$0x3] =	stream.linear.gather [hbm4b:s24+s4], $0x80, $0x38;
	[tilespmem:$0xD800] =	vst v63  }
0x41: {  	s19 =	sadd.s32 $0x80, s11;
	s22 =	simm.s32 $0xB80  }
0x42: {  	[tilespmem:s22], [sflag:$0x3] =	stream.linear.gather [hbm4b:s19+s4], $0x80, $0x38;
	[tilespmem:$0xD800] =	vst v63  }
0x43: {  	s24 =	sadd.s32 $0xC0, s11;
	s26 =	simm.s32 $0xD80  }
0x44: {  	[tilespmem:s26], [sflag:$0x3] =	stream.linear.gather [hbm4b:s24+s4], $0x80, $0x38;
	[tilespmem:$0xD800] =	vst v63  }
0x45: {  	_ =	swait.ge [sflag:s14], $0x200  }
0x46: {  	s17 =	simm.s32 $0x6600;
	s19 =	simm.s32 $0x1600;
	[sflag:s14] =	ssyncset.done $0x0  }
0x47: {  	s22 =	simm.s32 $0x0;
	s24 =	simm.s32 $0x0;
	[sflag:s14] =	ssyncadd.s32 $0xFFFFFE00  }
.LBB2_2:
0x48: {  	v1 =	vld [tilespmem:s3+$0x0];
	_ =	sdelay $0x1  }
0x49: {  	v2 =	vld [tilespmem:s15+$0x0];
	_ =	sdelay $0x1  }
0x4a: {  	v3 =	vld [tilespmem:s22+$0x0]  }
0x4b: {  	v4 =	vmul.u32 $0x51, v1;
	_ =	sdelay $0x1  }
0x4c: {  	vm0 =	veq.s32 v1, $0x0;
	v6 =	vmax.u32 v2, $0x1;
	v5 =	vadd.s32 $0xFFFFFFAF, v4  }
0x4d: {  	v6 =	vsub.s32 v6, v0;
	v5 =	vsel vm0, $0xE6A9, v5  }
0x4e: {  	v7 =	vshll.u32 v3, $0x2;
	v8 =	vadd.s32 v6, v5  }
0x4f: {  	v9 =	vand.u32 $0x7F, v3;
	v7 =	vand.u32 $0xFFFFFE00, v7;
	v10 =	vshll.u32 v8, $0x8  }
0x50: {  	v7 =	vor.u32 v9, v7;
	v8 =	vshll.u32 v8, $0xA;
	v21 =	vadd.s32 v3, v10  }
0x51: {  	v8 =	vadd.s32 v7, v8;
	[tilespmem:s17+$0xFFFFF800] =	vst v21  }
0x52: {  	s26 =	sand.u32 $0x1F0, s24;
	v22 =	vor.u32 $0x80, v8;
	[tilespmem:s19+$0xFFFFF800] =	vst v8  }
0x53: {  	v24 =	vadd.s32 v2, v5;
	v23 =	vor.u32 $0x100, v8;
	[tilespmem:s26+$0x2200] =	vst v22  }
0x54: {  	v25 =	vshll.u32 v24, $0x8;
	v8 =	vor.u32 $0x180, v8;
	[tilespmem:s26+$0x3600] =	vst v23  }
0x55: {  	v27 =	vshll.u32 v24, $0xA;
	v26 =	vadd.s32 v3, v25;
	[tilespmem:s26+$0x4A00] =	vst v8  }
0x56: {  	vm14 =	veq.s32 v2, $0x50;
	v28 =	vadd.s32 $0x1, v2;
	v9 =	vadd.s32 v7, v27;
	[tilespmem:s17+$0xFFFFFA00] =	vst v26  }
0x57: {  	v29 =	vor.u32 $0x80, v9;
	v8 =	vsel vm14, $0x50, v28;
	[tilespmem:s19+$0xFFFFFA00] =	vst v9  }
0x58: {  	v30 =	vor.u32 $0x100, v9;
	v5 =	vadd.s32 v8, v5;
	[tilespmem:s26+$0x2400] =	vst v29  }
0x59: {  	v9 =	vor.u32 $0x180, v9;
	v31 =	vshll.u32 v5, $0x8;
	[tilespmem:s26+$0x3800] =	vst v30  }
0x5a: {  	v5 =	vshll.u32 v5, $0xA;
	[tilespmem:s26+$0x4C00] =	vst v9;
	v32 =	vadd.s32 v3, v31  }
0x5b: {  	v5 =	vadd.s32 v7, v5;
	[tilespmem:s17+$0xFFFFFC00] =	vst v32  }
0x5c: {  	v33 =	vor.u32 $0x80, v5;
	[tilespmem:s19+$0xFFFFFC00] =	vst v5  }
0x5d: {  	v35 =	vadd.s32 v4, v6;
	v34 =	vor.u32 $0x100, v5;
	[tilespmem:s26+$0x2600] =	vst v33  }
0x5e: {  	v36 =	vshll.u32 v35, $0x8;
	v5 =	vor.u32 $0x180, v5;
	[tilespmem:s26+$0x3A00] =	vst v34  }
0x5f: {  	v38 =	vshll.u32 v35, $0xA;
	v37 =	vadd.s32 v3, v36;
	[tilespmem:s26+$0x4E00] =	vst v5  }
0x60: {  	v39 =	vadd.s32 v7, v38;
	[tilespmem:s17+$0xFFFFFE00] =	vst v37  }
0x61: {  	v9 =	vor.u32 $0x80, v39;
	[tilespmem:s19+$0xFFFFFE00] =	vst v39  }
0x62: {  	v41 =	vadd.s32 v2, v4;
	v40 =	vor.u32 $0x100, v39;
	[tilespmem:s26+$0x2800] =	vst v9  }
0x63: {  	v42 =	vshll.u32 v41, $0x8;
	v5 =	vor.u32 $0x180, v39;
	[tilespmem:s26+$0x3C00] =	vst v40  }
0x64: {  	v44 =	vshll.u32 v41, $0xA;
	v43 =	vadd.s32 v3, v42;
	[tilespmem:s26+$0x5000] =	vst v5  }
0x65: {  	v45 =	vadd.s32 v7, v44;
	[tilespmem:s17+$0x0] =	vst v43  }
0x66: {  	v9 =	vor.u32 $0x80, v45;
	[tilespmem:s19+$0x0] =	vst v45  }
0x67: {  	v46 =	vor.u32 $0x100, v45;
	v47 =	vadd.s32 v4, v8;
	[tilespmem:s26+$0x2A00] =	vst v9  }
0x68: {  	v48 =	vshll.u32 v47, $0x8;
	v5 =	vor.u32 $0x180, v45;
	[tilespmem:s26+$0x3E00] =	vst v46  }
0x69: {  	v50 =	vshll.u32 v47, $0xA;
	v49 =	vadd.s32 v3, v48;
	[tilespmem:s26+$0x5200] =	vst v5  }
0x6a: {  	vm15 =	veq.s32 v1, $0x2D9;
	v1 =	vadd.s32 $0x51, v4;
	v51 =	vadd.s32 v7, v50;
	[tilespmem:s17+$0x200] =	vst v49  }
0x6b: {  	v1 =	vsel vm15, $0x0, v1;
	v52 =	vor.u32 $0x80, v51;
	[tilespmem:s19+$0x200] =	vst v51  }
0x6c: {  	v6 =	vadd.s32 v6, v1;
	v53 =	vor.u32 $0x100, v51;
	[tilespmem:s26+$0x2C00] =	vst v52  }
0x6d: {  	v54 =	vshll.u32 v6, $0x8;
	v4 =	vor.u32 $0x180, v51;
	[tilespmem:s26+$0x4000] =	vst v53  }
0x6e: {  	v56 =	vshll.u32 v6, $0xA;
	v55 =	vadd.s32 v3, v54;
	[tilespmem:s26+$0x5400] =	vst v4  }
0x6f: {  	v57 =	vadd.s32 v7, v56;
	[tilespmem:s17+$0x400] =	vst v55  }
0x70: {  	v5 =	vor.u32 $0x80, v57;
	[tilespmem:s19+$0x400] =	vst v57  }
0x71: {  	v2 =	vadd.s32 v2, v1;
	v58 =	vor.u32 $0x100, v57;
	[tilespmem:s26+$0x2E00] =	vst v5  }
0x72: {  	v59 =	vshll.u32 v2, $0x8;
	v4 =	vor.u32 $0x180, v57;
	[tilespmem:s26+$0x4200] =	vst v58  }
0x73: {  	v2 =	vshll.u32 v2, $0xA;
	v60 =	vadd.s32 v3, v59;
	[tilespmem:s26+$0x5600] =	vst v4  }
0x74: {  	v2 =	vadd.s32 v7, v2;
	[tilespmem:s17+$0x600] =	vst v60  }
0x75: {  	v61 =	vor.u32 $0x80, v2;
	[tilespmem:s19+$0x600] =	vst v2  }
0x76: {  	v62 =	vor.u32 $0x100, v2;
	v1 =	vadd.s32 v8, v1;
	[tilespmem:s26+$0x3000] =	vst v61  }
0x77: {  	v63 =	vshll.u32 v1, $0x8;
	v2 =	vor.u32 $0x180, v2;
	[tilespmem:s26+$0x4400] =	vst v62  }
0x78: {  	p0 =	sne.s32 s24, $0x1F0;
	v1 =	vshll.u32 v1, $0xA;
	[tilespmem:s26+$0x5800] =	vst v2;
	v2 =	vadd.s32 v3, v63  }
.Ltmp0:
0x79: {  	v1 =	vadd.s32 v7, v1;
	[tilespmem:s17+$0x800] =	vst v2;
	(pc) =	sbr.rel @p0 .LBB2_2-.Ltmp0, $4  }
0x7a: {  	v2 =	vor.u32 $0x80, v1;
	[tilespmem:s19+$0x800] =	vst v1  }
0x7b: {  	[tilespmem:s26+$0x3200] =	vst v2;
	v2 =	vor.u32 $0x100, v1  }
0x7c: {  	s15 =	sadd.s32 $0x10, s15;
	s3 =	sadd.s32 $0x10, s3;
	s22 =	sadd.s32 $0x10, s22;
	v1 =	vor.u32 $0x180, v1;
	[tilespmem:s26+$0x4600] =	vst v2  }
0x7d: {  	s24 =	sadd.s32 $0x10, s24;
	s17 =	sadd.s32 $0x10, s17;
	s19 =	sadd.s32 $0x10, s19;
	[tilespmem:s26+$0x5A00] =	vst v1  }
0x7e: {  	s3 =	simm.s32 $0xE00;
	s15 =	simm.s32 $0x7200  }
0x7f: {  	[tilespmem:s15], [sflag:$0x1] =	stream.indirect.gather [hbm4b:s0+s21], $0x1, s3, s21, $0xb8;
	[tilespmem:$0xD800] =	vst v63  }
0x80: {  	s17 =	simm.s32 $0x8600;
	s15 =	simm.s32 $0x2200  }
0x81: {  	[tilespmem:s17], [sflag:$0x1] =	stream.indirect.gather [hbm4b:s0+s21], $0x1, s15, s21, $0xb8;
	[tilespmem:$0xD800] =	vst v63  }
0x82: {  	s19 =	simm.s32 $0x3600;
	s22 =	simm.s32 $0x9A00  }
0x83: {  	[tilespmem:s22], [sflag:$0x1] =	stream.indirect.gather [hbm4b:s0+s21], $0x1, s19, s21, $0xb8;
	[tilespmem:$0xD800] =	vst v63  }
0x84: {  	s24 =	simm.s32 $0x4A00;
	s26 =	simm.s32 $0xAE00  }
0x85: {  	[tilespmem:s26], [sflag:$0x1] =	stream.indirect.gather [hbm4b:s0+s21], $0x1, s24, s21, $0xb8;
	[tilespmem:$0xD800] =	vst v63  }
0x86: {  	s15 =	simm.s32 $0x5E00;
	s17 =	simm.s32 $0xC200  }
0x87: {  	[tilespmem:s17], [sflag:$0x2] =	stream.indirect.gather [hbm4b:s1+s21], $0x1, s15, s21, $0xb8;
	[tilespmem:$0xD800] =	vst v63  }
0x88: {  	s19 =	simm.s32 $0xE80;
	s22 =	simm.s32 $0x7280  }
0x89: {  	[tilespmem:s22], [sflag:$0x1] =	stream.indirect.gather [hbm4b:s0+s21], $0x1, s19, s21, $0xb8;
	[tilespmem:$0xD800] =	vst v63  }
0x8a: {  	s24 =	simm.s32 $0x2280;
	s26 =	simm.s32 $0x8680  }
0x8b: {  	[tilespmem:s26], [sflag:$0x1] =	stream.indirect.gather [hbm4b:s0+s21], $0x1, s24, s21, $0xb8;
	[tilespmem:$0xD800] =	vst v63  }
0x8c: {  	s15 =	simm.s32 $0x3680;
	s17 =	simm.s32 $0x9A80  }
0x8d: {  	[tilespmem:s17], [sflag:$0x1] =	stream.indirect.gather [hbm4b:s0+s21], $0x1, s15, s21, $0xb8;
	[tilespmem:$0xD800] =	vst v63  }
0x8e: {  	s19 =	simm.s32 $0x4A80;
	s22 =	simm.s32 $0xAE80  }
0x8f: {  	[tilespmem:s22], [sflag:$0x1] =	stream.indirect.gather [hbm4b:s0+s21], $0x1, s19, s21, $0xb8;
	[tilespmem:$0xD800] =	vst v63  }
0x90: {  	s24 =	simm.s32 $0x5E80;
	s26 =	simm.s32 $0xC280  }
0x91: {  	[tilespmem:s26], [sflag:$0x2] =	stream.indirect.gather [hbm4b:s1+s21], $0x1, s24, s21, $0xb8;
	[tilespmem:$0xD800] =	vst v63  }
0x92: {  	s15 =	simm.s32 $0xF00;
	s17 =	simm.s32 $0x7300  }
0x93: {  	[tilespmem:s17], [sflag:$0x1] =	stream.indirect.gather [hbm4b:s0+s21], $0x1, s15, s21, $0xb8;
	[tilespmem:$0xD800] =	vst v63  }
0x94: {  	s19 =	simm.s32 $0x2300;
	s22 =	simm.s32 $0x8700  }
0x95: {  	[tilespmem:s22], [sflag:$0x1] =	stream.indirect.gather [hbm4b:s0+s21], $0x1, s19, s21, $0xb8;
	[tilespmem:$0xD800] =	vst v63  }
0x96: {  	s24 =	simm.s32 $0x3700;
	s26 =	simm.s32 $0x9B00  }
0x97: {  	[tilespmem:s26], [sflag:$0x1] =	stream.indirect.gather [hbm4b:s0+s21], $0x1, s24, s21, $0xb8;
	[tilespmem:$0xD800] =	vst v63  }
0x98: {  	s15 =	simm.s32 $0x4B00;
	s17 =	simm.s32 $0xAF00  }
0x99: {  	[tilespmem:s17], [sflag:$0x1] =	stream.indirect.gather [hbm4b:s0+s21], $0x1, s15, s21, $0xb8;
	[tilespmem:$0xD800] =	vst v63  }
0x9a: {  	s19 =	simm.s32 $0x5F00;
	s22 =	simm.s32 $0xC300  }
0x9b: {  	[tilespmem:s22], [sflag:$0x2] =	stream.indirect.gather [hbm4b:s1+s21], $0x1, s19, s21, $0xb8;
	[tilespmem:$0xD800] =	vst v63  }
0x9c: {  	s24 =	simm.s32 $0xF80;
	s26 =	simm.s32 $0x7380  }
0x9d: {  	[tilespmem:s26], [sflag:$0x1] =	stream.indirect.gather [hbm4b:s0+s21], $0x1, s24, s21, $0xb8;
	[tilespmem:$0xD800] =	vst v63  }
0x9e: {  	s15 =	simm.s32 $0x2380;
	s17 =	simm.s32 $0x8780  }
0x9f: {  	[tilespmem:s17], [sflag:$0x1] =	stream.indirect.gather [hbm4b:s0+s21], $0x1, s15, s21, $0xb8;
	[tilespmem:$0xD800] =	vst v63  }
0xa0: {  	s19 =	simm.s32 $0x3780;
	s22 =	simm.s32 $0x9B80  }
0xa1: {  	[tilespmem:s22], [sflag:$0x1] =	stream.indirect.gather [hbm4b:s0+s21], $0x1, s19, s21, $0xb8;
	[tilespmem:$0xD800] =	vst v63  }
0xa2: {  	s24 =	simm.s32 $0x4B80;
	s26 =	simm.s32 $0xAF80  }
0xa3: {  	[tilespmem:s26], [sflag:$0x1] =	stream.indirect.gather [hbm4b:s0+s21], $0x1, s24, s21, $0xb8;
	[tilespmem:$0xD800] =	vst v63  }
0xa4: {  	s17 =	simm.s32 $0x5F80  }
0xa5: {  	[tilespmem:s28], [sflag:$0x2] =	stream.indirect.gather [hbm4b:s1+s21], $0x1, s17, s21, $0xb8;
	[tilespmem:$0xD800] =	vst v63  }
0xa6: {  	s19 =	simm.s32 $0x7400;
	s22 =	simm.s32 $0x1000  }
0xa7: {  	[tilespmem:s19], [sflag:$0x1] =	stream.indirect.gather [hbm4b:s0+s21], $0x1, s22, s21, $0xb8;
	[tilespmem:$0xD800] =	vst v63  }
0xa8: {  	s24 =	simm.s32 $0x8800;
	s26 =	simm.s32 $0x2400  }
0xa9: {  	[tilespmem:s24], [sflag:$0x1] =	stream.indirect.gather [hbm4b:s0+s21], $0x1, s26, s21, $0xb8;
	[tilespmem:$0xD800] =	vst v63  }
0xaa: {  	s15 =	simm.s32 $0x9C00;
	s17 =	simm.s32 $0x3800  }
0xab: {  	[tilespmem:s15], [sflag:$0x1] =	stream.indirect.gather [hbm4b:s0+s21], $0x1, s17, s21, $0xb8;
	[tilespmem:$0xD800] =	vst v63  }
0xac: {  	s19 =	simm.s32 $0xB000;
	s22 =	simm.s32 $0x4C00  }
0xad: {  	[tilespmem:s19], [sflag:$0x1] =	stream.indirect.gather [hbm4b:s0+s21], $0x1, s22, s21, $0xb8;
	[tilespmem:$0xD800] =	vst v63  }
0xae: {  	s24 =	simm.s32 $0xC400;
	s26 =	simm.s32 $0x6000  }
0xaf: {  	[tilespmem:s24], [sflag:$0x2] =	stream.indirect.gather [hbm4b:s1+s21], $0x1, s26, s21, $0xb8;
	[tilespmem:$0xD800] =	vst v63  }
0xb0: {  	_ =	swait.ge [sflag:s29], $0x80  }
0xb1: {  	[sflag:s29] =	ssyncset.done $0x0  }
0xb2: {  	[sflag:s29] =	ssyncadd.s32 $0xFFFFFF80  }
0xb3: {  	_ =	swait.ge [sflag:s29], $0x80  }
0xb4: {  	[sflag:s29] =	ssyncset.done $0x0  }
0xb5: {  	[sflag:s29] =	ssyncadd.s32 $0xFFFFFF80  }
0xb6: {  	_ =	swait.ge [sflag:s29], $0x80  }
0xb7: {  	[sflag:s29] =	ssyncset.done $0x0  }
0xb8: {  	[sflag:s29] =	ssyncadd.s32 $0xFFFFFF80  }
0xb9: {  	_ =	swait.ge [sflag:s29], $0x80  }
0xba: {  	[sflag:s29] =	ssyncset.done $0x0  }
0xbb: {  	[sflag:s29] =	ssyncadd.s32 $0xFFFFFF80  }
0xbc: {  	_ =	swait.ge [sflag:s30], $0x80  }
0xbd: {  	s3 =	simm.s32 $0x80;
	s15 =	simm.s32 $0x400;
	[sflag:s30] =	ssyncset.done $0x0  }
.LBB2_4:
0xbe: {  	s17 =	sadd.s32 $0x7400, s3  }
0xbf: {  	s19 =	sadd.s32 $0x1000, s3;
	[sflag:s30] =	ssyncadd.s32 $0xFFFFFF80;
	s22 =	smov.u32 s15  }
0xc0: {  	[tilespmem:s17], [sflag:$0x1] =	stream.indirect.gather [hbm4b:s0+s21], $0x1, s19, s21, $0xb8;
	[tilespmem:$0xD800] =	vst v63  }
0xc1: {  	s24 =	sadd.s32 $0x2400, s3;
	s17 =	sadd.s32 $0x200, s15;
	s19 =	sadd.s32 $0x8800, s3  }
0xc2: {  	[tilespmem:s19], [sflag:$0x1] =	stream.indirect.gather [hbm4b:s0+s21], $0x1, s24, s21, $0xb8;
	[tilespmem:$0xD800] =	vst v63  }
0xc3: {  	p0 =	sne.s32 s15, $0x3E00;
	s15 =	sadd.s32 $0x9C00, s3;
	s19 =	sadd.s32 $0x3800, s3  }
0xc4: {  	[tilespmem:s15], [sflag:$0x1] =	stream.indirect.gather [hbm4b:s0+s21], $0x1, s19, s21, $0xb8;
	[tilespmem:$0xD800] =	vst v63  }
0xc5: {  	s15 =	sadd.s32 $0xB000, s3;
	s19 =	sadd.s32 $0x4C00, s3  }
0xc6: {  	[tilespmem:s15], [sflag:$0x1] =	stream.indirect.gather [hbm4b:s0+s21], $0x1, s19, s21, $0xb8;
	[tilespmem:$0xD800] =	vst v63  }
0xc7: {  	s15 =	sadd.s32 $0xC400, s3;
	s3 =	sadd.s32 $0x6000, s3  }
0xc8: {  	[tilespmem:s15], [sflag:$0x2] =	stream.indirect.gather [hbm4b:s1+s21], $0x1, s3, s21, $0xb8;
	[tilespmem:$0xD800] =	vst v63  }
0xc9: {  	_ =	swait.ge [sflag:s29], $0x80  }
0xca: {  	[sflag:s29] =	ssyncset.done $0x0  }
0xcb: {  	[sflag:s29] =	ssyncadd.s32 $0xFFFFFF80  }
0xcc: {  	_ =	swait.ge [sflag:s29], $0x80  }
0xcd: {  	[sflag:s29] =	ssyncset.done $0x0  }
0xce: {  	[sflag:s29] =	ssyncadd.s32 $0xFFFFFF80  }
0xcf: {  	_ =	swait.ge [sflag:s29], $0x80  }
0xd0: {  	[sflag:s29] =	ssyncset.done $0x0  }
0xd1: {  	[sflag:s29] =	ssyncadd.s32 $0xFFFFFF80  }
.Ltmp1:
0xd2: {  	_ =	swait.ge [sflag:s29], $0x80;
	(pc) =	sbr.rel @p0 .LBB2_4-.Ltmp1, $4  }
0xd3: {  	[sflag:s29] =	ssyncset.done $0x0  }
0xd4: {  	[sflag:s29] =	ssyncadd.s32 $0xFFFFFF80  }
0xd5: {  	_ =	swait.ge [sflag:s30], $0x80  }
0xd6: {  	s3 =	sshra.s32 s22, $0x2;
	s15 =	smov.u32 s17;
	[sflag:s30] =	ssyncset.done $0x0  }
0xd7: {  	s15 =	sadd.s32 $0x7400, s3;
	s17 =	sadd.s32 $0x1000, s3;
	[sflag:s30] =	ssyncadd.s32 $0xFFFFFF80  }
0xd8: {  	[tilespmem:s15], [sflag:$0x1] =	stream.indirect.gather [hbm4b:s0+s21], $0x1, s17, s21, $0xb8;
	[tilespmem:$0xD800] =	vst v63  }
0xd9: {  	s19 =	sadd.s32 $0x8800, s3;
	s22 =	sadd.s32 $0x2400, s3  }
0xda: {  	[tilespmem:s19], [sflag:$0x1] =	stream.indirect.gather [hbm4b:s0+s21], $0x1, s22, s21, $0xb8;
	[tilespmem:$0xD800] =	vst v63  }
0xdb: {  	s24 =	sadd.s32 $0x9C00, s3;
	s26 =	sadd.s32 $0x3800, s3  }
0xdc: {  	[tilespmem:s24], [sflag:$0x1] =	stream.indirect.gather [hbm4b:s0+s21], $0x1, s26, s21, $0xb8;
	[tilespmem:$0xD800] =	vst v63  }
0xdd: {  	s17 =	sadd.s32 $0xB000, s3;
	s19 =	sadd.s32 $0x4C00, s3  }
0xde: {  	[tilespmem:s17], [sflag:$0x1] =	stream.indirect.gather [hbm4b:s0+s21], $0x1, s19, s21, $0xb8;
	[tilespmem:$0xD800] =	vst v63  }
0xdf: {  	s22 =	sadd.s32 $0xC400, s3;
	s24 =	sadd.s32 $0x6000, s3  }
0xe0: {  	[tilespmem:s22], [sflag:$0x2] =	stream.indirect.gather [hbm4b:s1+s21], $0x1, s24, s21, $0xb8;
	[tilespmem:$0xD800] =	vst v63  }
0xe1: {  	_ =	swait.ge [sflag:s29], $0x80  }
0xe2: {  	[sflag:s29] =	ssyncset.done $0x0  }
0xe3: {  	[sflag:s29] =	ssyncadd.s32 $0xFFFFFF80  }
0xe4: {  	_ =	swait.ge [sflag:s29], $0x80  }
0xe5: {  	[sflag:s29] =	ssyncset.done $0x0  }
0xe6: {  	[sflag:s29] =	ssyncadd.s32 $0xFFFFFF80  }
0xe7: {  	_ =	swait.ge [sflag:s29], $0x80  }
0xe8: {  	[sflag:s29] =	ssyncset.done $0x0  }
0xe9: {  	[sflag:s29] =	ssyncadd.s32 $0xFFFFFF80  }
0xea: {  	_ =	swait.ge [sflag:s29], $0x80  }
0xeb: {  	[sflag:s29] =	ssyncset.done $0x0  }
0xec: {  	[sflag:s29] =	ssyncadd.s32 $0xFFFFFF80  }
0xed: {  	_ =	swait.ge [sflag:s30], $0x80  }
0xee: {  	[sflag:s30] =	ssyncset.done $0x0  }
0xef: {  	[sflag:s30] =	ssyncadd.s32 $0xFFFFFF80  }
0xf0: {  	_ =	swait.ge [sflag:s29], $0x80  }
0xf1: {  	[sflag:s29] =	ssyncset.done $0x0  }
0xf2: {  	[sflag:s29] =	ssyncadd.s32 $0xFFFFFF80  }
0xf3: {  	_ =	swait.ge [sflag:s29], $0x80  }
0xf4: {  	[sflag:s29] =	ssyncset.done $0x0  }
0xf5: {  	[sflag:s29] =	ssyncadd.s32 $0xFFFFFF80  }
0xf6: {  	_ =	swait.ge [sflag:s29], $0x80  }
0xf7: {  	[sflag:s29] =	ssyncset.done $0x0  }
0xf8: {  	[sflag:s29] =	ssyncadd.s32 $0xFFFFFF80  }
0xf9: {  	_ =	swait.ge [sflag:s29], $0x80  }
0xfa: {  	[sflag:s29] =	ssyncset.done $0x0  }
0xfb: {  	[sflag:s29] =	ssyncadd.s32 $0xFFFFFF80  }
0xfc: {  	_ =	swait.ge [sflag:s30], $0x80  }
0xfd: {  	[sflag:s30] =	ssyncset.done $0x0  }
0xfe: {  	[sflag:s30] =	ssyncadd.s32 $0xFFFFFF80  }
0xff: {  	_ =	swait.ge [sflag:s29], $0x80  }
0x100: {  	[sflag:s29] =	ssyncset.done $0x0  }
0x101: {  	[sflag:s29] =	ssyncadd.s32 $0xFFFFFF80  }
0x102: {  	_ =	swait.ge [sflag:s29], $0x80  }
0x103: {  	[sflag:s29] =	ssyncset.done $0x0  }
0x104: {  	[sflag:s29] =	ssyncadd.s32 $0xFFFFFF80  }
0x105: {  	_ =	swait.ge [sflag:s29], $0x80  }
0x106: {  	[sflag:s29] =	ssyncset.done $0x0  }
0x107: {  	[sflag:s29] =	ssyncadd.s32 $0xFFFFFF80  }
0x108: {  	_ =	swait.ge [sflag:s29], $0x80  }
0x109: {  	[sflag:s29] =	ssyncset.done $0x0  }
0x10a: {  	[sflag:s29] =	ssyncadd.s32 $0xFFFFFF80  }
0x10b: {  	_ =	swait.ge [sflag:s30], $0x80  }
0x10c: {  	[sflag:s30] =	ssyncset.done $0x0  }
0x10d: {  	[sflag:s30] =	ssyncadd.s32 $0xFFFFFF80  }
0x10e: {  	_ =	swait.ge [sflag:s29], $0x80  }
0x10f: {  	[sflag:s29] =	ssyncset.done $0x0  }
0x110: {  	[sflag:s29] =	ssyncadd.s32 $0xFFFFFF80  }
0x111: {  	_ =	swait.ge [sflag:s29], $0x80  }
0x112: {  	[sflag:s29] =	ssyncset.done $0x0  }
0x113: {  	[sflag:s29] =	ssyncadd.s32 $0xFFFFFF80  }
0x114: {  	_ =	swait.ge [sflag:s29], $0x80  }
0x115: {  	[sflag:s29] =	ssyncset.done $0x0  }
0x116: {  	[sflag:s29] =	ssyncadd.s32 $0xFFFFFF80  }
0x117: {  	_ =	swait.ge [sflag:s29], $0x80  }
0x118: {  	[sflag:s29] =	ssyncset.done $0x0  }
0x119: {  	[sflag:s29] =	ssyncadd.s32 $0xFFFFFF80  }
0x11a: {  	_ =	swait.ge [sflag:s30], $0x80  }
0x11b: {  	[sflag:s30] =	ssyncset.done $0x0  }
0x11c: {  	[sflag:s30] =	ssyncadd.s32 $0xFFFFFF80  }
0x11d: {  	_ =	swait.ge [sflag:s29], $0x80  }
0x11e: {  	[sflag:s29] =	ssyncset.done $0x0  }
0x11f: {  	[sflag:s29] =	ssyncadd.s32 $0xFFFFFF80  }
0x120: {  	_ =	swait.ge [sflag:s29], $0x80  }
0x121: {  	[sflag:s29] =	ssyncset.done $0x0  }
0x122: {  	[sflag:s29] =	ssyncadd.s32 $0xFFFFFF80  }
0x123: {  	_ =	swait.ge [sflag:s29], $0x80  }
0x124: {  	[sflag:s29] =	ssyncset.done $0x0  }
0x125: {  	[sflag:s29] =	ssyncadd.s32 $0xFFFFFF80  }
0x126: {  	_ =	swait.ge [sflag:s29], $0x80  }
0x127: {  	[sflag:s29] =	ssyncset.done $0x0  }
0x128: {  	[sflag:s29] =	ssyncadd.s32 $0xFFFFFF80  }
0x129: {  	_ =	swait.ge [sflag:s30], $0x80  }
0x12a: {  	[sflag:s30] =	ssyncset.done $0x0  }
0x12b: {  	s3 =	simm.s32 $0x0;
	[sflag:s30] =	ssyncadd.s32 $0xFFFFFF80  }
0x12c: {  	v1 =	vld [tilespmem:s3+$0xCE00]  }
0x12d: {  	v2 =	vld [tilespmem:s3+$0xCC00]  }
0x12e: {  	v3 =	vld [tilespmem:s3+$0xCA00]  }
0x12f: {  	v4 =	vld [tilespmem:s3+$0x8200]  }
0x130: {  	v13 =	vld [tilespmem:s3+$0xC800]  }
0x131: {  	v6 =	vld [tilespmem:s3+$0x8000]  }
0x132: {  	v16 =	vld [tilespmem:s3+$0xC600]  }
0x133: {  	v8 =	vld [tilespmem:s3+$0x7E00]  }
0x134: {  	v19 =	vld [tilespmem:s3+$0xC400]  }
0x135: {  	v11 =	vld [tilespmem:s3+$0x7C00]  }
0x136: {  	v21 =	vld [tilespmem:s3+$0xC200]  }
0x137: {  	v14 =	vld [tilespmem:s3+$0x7A00]  }
0x138: {  	v17 =	vld [tilespmem:s3+$0x7800]  }
0x139: {  	s17 =	simm.s32 $0x0;
	v20 =	vld [tilespmem:s3+$0x7600]  }
0x13a: {  	s26 =	sand.u32 $0x70, s17;
	s19 =	sand.u32 $0x600, s17;
	v22 =	vld [tilespmem:s3+$0x7400]  }
0x13b: {  	s15 =	sor.u32 s26, s19;
	v23 =	vld [tilespmem:s3+$0x7200]  }
0x13c: {  	v5 =	vld [tilespmem:s15+$0x680]  }
0x13d: {  	s22 =	sand.u32 $0x1F0, s17;
	v9 =	vld [tilespmem:s15+$0x600]  }
0x13e: {  	v7 =	vld [tilespmem:s22+$0x9600]  }
0x13f: {  	v10 =	vld [tilespmem:s22+$0x9400]  }
0x140: {  	v12 =	vld [tilespmem:s22+$0x9200]  }
0x141: {  	v15 =	vld [tilespmem:s22+$0x9000]  }
0x142: {  	s19 =	simm.s32 $0x40;
	v18 =	vld [tilespmem:s22+$0x8E00]  }
.LBB2_6:
0x143: {  	p0 =	sne.s32 s19, $0x7C0;
	v24 =	vld [tilespmem:s22+$0x8C00]  }
0x144: {  	v25 =	vld [tilespmem:s22+$0x8A00]  }
0x145: {  	v21 =	vadd.f32 $0.0e+00, v21;
	v26 =	vld [tilespmem:s22+$0x8600]  }
0x146: {  	v27 =	vld [tilespmem:s22+$0x8800]  }
0x147: {  	v23 =	vadd.f32 $0.0e+00, v23;
	v19 =	vadd.f32 v19, v21;
	v28 =	vld [tilespmem:s22+$0x9A00]  }
0x148: {  	v21 =	vld [tilespmem:s22+$0xAE00]  }
0x149: {  	v22 =	vadd.f32 v22, v23;
	v16 =	vadd.f32 v16, v19;
	v23 =	vld [tilespmem:s22+$0x9C00]  }
0x14a: {  	v19 =	vadd.f32 $0.0e+00, v26;
	v26 =	vld [tilespmem:s22+$0xB000]  }
0x14b: {  	v20 =	vadd.f32 v20, v22;
	v13 =	vadd.f32 v13, v16;
	v22 =	vld [tilespmem:s22+$0x9E00]  }
0x14c: {  	v16 =	vadd.f32 v27, v19;
	v19 =	vadd.f32 $0.0e+00, v28;
	v27 =	vld [tilespmem:s22+$0xB200]  }
0x14d: {  	v17 =	vadd.f32 v17, v20;
	v20 =	vld [tilespmem:s22+$0xA000];
	v21 =	vadd.f32 $0.0e+00, v21  }
0x14e: {  	v16 =	vadd.f32 v25, v16;
	v19 =	vadd.f32 v23, v19;
	v23 =	vld [tilespmem:s22+$0xB400]  }
0x14f: {  	v14 =	vadd.f32 v14, v17;
	v17 =	vld [tilespmem:s22+$0xA200];
	v21 =	vadd.f32 v26, v21  }
0x150: {  	v16 =	vadd.f32 v24, v16;
	v19 =	vadd.f32 v22, v19;
	v22 =	vld [tilespmem:s22+$0xB600]  }
0x151: {  	v11 =	vadd.f32 v11, v14;
	v14 =	vld [tilespmem:s22+$0xA400];
	v21 =	vadd.f32 v27, v21  }
0x152: {  	v16 =	vadd.f32 v18, v16;
	v18 =	vadd.f32 v20, v19;
	v19 =	vld [tilespmem:s22+$0xB800]  }
0x153: {  	v8 =	vadd.f32 v8, v11;
	v11 =	vld [tilespmem:s22+$0xA600];
	v20 =	vadd.f32 v23, v21  }
0x154: {  	v15 =	vadd.f32 v15, v16;
	v16 =	vadd.f32 v17, v18;
	v17 =	vld [tilespmem:s22+$0xBA00]  }
0x155: {  	v6 =	vadd.f32 v6, v8;
	v8 =	vld [tilespmem:s22+$0xA800];
	v18 =	vadd.f32 v22, v20  }
0x156: {  	v12 =	vadd.f32 v12, v15;
	v14 =	vadd.f32 v14, v16;
	v15 =	vld [tilespmem:s22+$0xAA00]  }
0x157: {  	v4 =	vadd.f32 v4, v6;
	v6 =	vadd.f32 v19, v18;
	v16 =	vld [tilespmem:s22+$0xBC00]  }
0x158: {  	v10 =	vadd.f32 v10, v12;
	v11 =	vadd.f32 v11, v14;
	v12 =	vld [tilespmem:s15+$0x700]  }
0x159: {  	v3 =	vadd.f32 v3, v13;
	v4 =	vmul.f32 v9, v4;
	v6 =	vadd.f32 v17, v6;
	v9 =	vld [tilespmem:s22+$0xBE00]  }
0x15a: {  	v7 =	vadd.f32 v7, v10;
	v8 =	vadd.f32 v8, v11;
	v10 =	vld [tilespmem:s3+$0xD000]  }
0x15b: {  	v2 =	vadd.f32 v2, v3;
	v4 =	vadd.f32 $0.0e+00, v4;
	v11 =	vld [tilespmem:s15+$0x780]  }
0x15c: {  	s15 =	sshra.s32 s19, $0x2;
	v3 =	vmul.f32 v5, v7;
	v5 =	vadd.f32 v15, v8;
	v6 =	vadd.f32 v16, v6;
	v7 =	vld [tilespmem:s3+$0xD200]  }
0x15d: {  	v8 =	vadd.f32 v1, v2;
	v1 =	vld [tilespmem:s15+$0xCE00]  }
0x15e: {  	v2 =	vld [tilespmem:s15+$0xCC00];
	v13 =	vadd.f32 v3, v4;
	v5 =	vmul.f32 v12, v5;
	v6 =	vadd.f32 v9, v6  }
0x15f: {  	v3 =	vld [tilespmem:s15+$0xCA00]  }
0x160: {  	v8 =	vadd.f32 v10, v8;
	v4 =	vld [tilespmem:s15+$0x8200];
	v5 =	vadd.f32 v5, v13;
	v9 =	vmul.f32 v11, v6  }
0x161: {  	v13 =	vld [tilespmem:s15+$0xC800]  }
0x162: {  	v7 =	vadd.f32 v7, v8;
	v6 =	vld [tilespmem:s15+$0x8000];
	v5 =	vadd.f32 v9, v5  }
0x163: {  	v16 =	vld [tilespmem:s15+$0xC600]  }
0x164: {  	v8 =	vld [tilespmem:s15+$0x7E00];
	v5 =	vadd.f32 v7, v5  }
0x165: {  	v19 =	vld [tilespmem:s15+$0xC400]  }
0x166: {  	v11 =	vld [tilespmem:s15+$0x7C00];
	v5 =	vmul.f32 $1.111111120e-01, v5  }
0x167: {  	v21 =	vld [tilespmem:s15+$0xC200]  }
0x168: {  	v14 =	vld [tilespmem:s15+$0x7A00];
	[tilespmem:s3+$0xD600] =	vst v5;
	s3 =	smov.u32 s15  }
0x169: {  	v17 =	vld [tilespmem:s3+$0x7800]  }
0x16a: {  	s17 =	sadd.s32 $0x10, s17;
	v20 =	vld [tilespmem:s3+$0x7600]  }
0x16b: {  	s22 =	sand.u32 $0x600, s19;
	s15 =	sand.u32 $0x70, s17;
	v22 =	vld [tilespmem:s3+$0x7400]  }
0x16c: {  	s15 =	sor.u32 s15, s22;
	v23 =	vld [tilespmem:s3+$0x7200]  }
0x16d: {  	v5 =	vld [tilespmem:s15+$0x680]  }
0x16e: {  	s22 =	sand.u32 $0x1F0, s17;
	v9 =	vld [tilespmem:s15+$0x600]  }
.Ltmp2:
0x16f: {  	v7 =	vld [tilespmem:s22+$0x9600];
	(pc) =	sbr.rel @p0 .LBB2_6-.Ltmp2, $4  }
0x170: {  	v10 =	vld [tilespmem:s22+$0x9400]  }
0x171: {  	v12 =	vld [tilespmem:s22+$0x9200]  }
0x172: {  	v15 =	vld [tilespmem:s22+$0x9000]  }
0x173: {  	s19 =	sadd.s32 $0x40, s19;
	v18 =	vld [tilespmem:s22+$0x8E00]  }
0x174: {  	v24 =	vld [tilespmem:s22+$0x8C00]  }
0x175: {  	v26 =	vld [tilespmem:s22+$0x8600]  }
0x176: {  	v27 =	vld [tilespmem:s22+$0x8800]  }
0x177: {  	v21 =	vadd.f32 $0.0e+00, v21;
	v28 =	vld [tilespmem:s22+$0x9A00]  }
0x178: {  	v23 =	vadd.f32 $0.0e+00, v23;
	v33 =	vld [tilespmem:s22+$0xAE00]  }
0x179: {  	v25 =	vld [tilespmem:s22+$0x8A00];
	v19 =	vadd.f32 v19, v21  }
0x17a: {  	v34 =	vld [tilespmem:s22+$0x9C00];
	v22 =	vadd.f32 v22, v23  }
0x17b: {  	v36 =	vld [tilespmem:s22+$0xB000];
	v16 =	vadd.f32 v16, v19;
	v35 =	vadd.f32 $0.0e+00, v26  }
0x17c: {  	v37 =	vld [tilespmem:s22+$0x9E00];
	v20 =	vadd.f32 v20, v22;
	v39 =	vadd.f32 $0.0e+00, v28  }
0x17d: {  	v40 =	vld [tilespmem:s22+$0xB200];
	v21 =	vadd.f32 $0.0e+00, v33;
	v38 =	vadd.f32 v27, v35  }
0x17e: {  	v41 =	vld [tilespmem:s22+$0xA000];
	v13 =	vadd.f32 v13, v16;
	v17 =	vadd.f32 v17, v20  }
0x17f: {  	v42 =	vld [tilespmem:s22+$0xB400];
	v19 =	vadd.f32 v34, v39;
	v16 =	vadd.f32 v25, v38  }
0x180: {  	v43 =	vld [tilespmem:s22+$0xA200];
	v21 =	vadd.f32 v36, v21;
	v14 =	vadd.f32 v14, v17  }
0x181: {  	v44 =	vld [tilespmem:s22+$0xB600];
	v19 =	vadd.f32 v37, v19;
	v16 =	vadd.f32 v24, v16  }
0x182: {  	v45 =	vld [tilespmem:s22+$0xA400];
	v21 =	vadd.f32 v40, v21;
	v11 =	vadd.f32 v11, v14  }
0x183: {  	v47 =	vld [tilespmem:s22+$0xB800];
	v46 =	vadd.f32 v41, v19;
	v16 =	vadd.f32 v18, v16  }
0x184: {  	v48 =	vld [tilespmem:s22+$0xA600];
	v49 =	vadd.f32 v42, v21;
	v8 =	vadd.f32 v8, v11  }
0x185: {  	v51 =	vld [tilespmem:s22+$0xBA00];
	v50 =	vadd.f32 v43, v46;
	v15 =	vadd.f32 v15, v16  }
0x186: {  	v52 =	vld [tilespmem:s22+$0xA800];
	v53 =	vadd.f32 v44, v49;
	v6 =	vadd.f32 v6, v8  }
0x187: {  	v56 =	vld [tilespmem:s22+$0xBC00];
	v14 =	vadd.f32 v45, v50;
	v12 =	vadd.f32 v12, v15  }
0x188: {  	v54 =	vld [tilespmem:s22+$0xAA00];
	v55 =	vadd.f32 v47, v53;
	v4 =	vadd.f32 v4, v6  }
0x189: {  	v57 =	vld [tilespmem:s15+$0x700];
	v11 =	vadd.f32 v48, v14;
	v10 =	vadd.f32 v10, v12  }
0x18a: {  	v58 =	vld [tilespmem:s22+$0xBE00];
	v3 =	vadd.f32 v3, v13;
	v6 =	vadd.f32 v51, v55  }
0x18b: {  	v59 =	vld [tilespmem:s3+$0xD000];
	v4 =	vmul.f32 v9, v4;
	v8 =	vadd.f32 v52, v11;
	v7 =	vadd.f32 v7, v10  }
0x18c: {  	v60 =	vld [tilespmem:s15+$0x780];
	v2 =	vadd.f32 v2, v3;
	v6 =	vadd.f32 v56, v6  }
0x18d: {  	v4 =	vadd.f32 $0.0e+00, v4;
	v61 =	vadd.f32 v54, v8;
	v3 =	vmul.f32 v5, v7  }
0x18e: {  	v62 =	vld [tilespmem:s3+$0xD200];
	v1 =	vadd.f32 v1, v2  }
0x18f: {  	v63 =	vadd.f32 v58, v6;
	v2 =	vadd.f32 v3, v4;
	v3 =	vmul.f32 v57, v61;
	_ =	sdelay $0x1  }
0x190: {  	v1 =	vadd.f32 v59, v1;
	v2 =	vadd.f32 v3, v2;
	v3 =	vmul.f32 v60, v63;
	_ =	sdelay $0x1  }
0x191: {  	v1 =	vadd.f32 v62, v1;
	v2 =	vadd.f32 v3, v2;
	_ =	sdelay $0x1  }
0x192: {  	v1 =	vadd.f32 v1, v2;
	_ =	sdelay $0x1  }
0x193: {  	s2 =	sadd.s32 $0x1, s2;
	v1 =	vmul.f32 $1.111111120e-01, v1  }
0x194: {  	p0 =	sne.s32 s2, s13  }
.Ltmp3:
0x195: {  	[tilespmem:s3+$0xD600] =	vst v1;
	(pc) =	sbr.rel @p0 .LBB2_1-.Ltmp3, $4  }
0x196: {  	[hbm4b:s12+s4] =	stream.linear.scatter [tilespmem:s31], [sflag:$0x3], $0x200, $0x38;
	[tilespmem:$0xD800] =	vst v63  }
0x197: {  	_ =	swait.ge [sflag:s14], $0x200  }
0x198: {  	[sflag:s14] =	ssyncset.done $0x0  }
0x199: {  	[sflag:s14] =	ssyncadd.s32 $0xFFFFFE00  }
0x19a: {  	_ =	sfence.sel $0x180000  }
0x19b: {  	[bflag:$0x0] =	sbarrier.arrive $0xFFFF  }
0x19c: {  	_ =	strace $0x90000047  }
0x19d: {  	s0 =	stileid.u32;
	[bflag:$0x2] =	sbarrier.arrive $0xFFFF  }
0x19e: {  	p0 =	sne.s32 s0, $0x0;
	s0 =	rddreg [dreg:$0x7]  }
0x19f: {  	s0 =	sadd.s32 @!p0 $0x100000, s0  }
0x1a0: {  	[sflag:s0] =	ssyncadd.tile.s32 @!p0 $0x1;
	_ =	shalt  }
.Lfunc_end2:
_tile_overlayer_lowered:
.L_overlay_start_2:
0x1a1: {  	(tag) =	ssettag $0x2  }
0x1a2: {  	s0 =	rddreg [dreg:$0x0];
	s2 =	stileid.u32  }
0x1a3: {  	s1 =	rddreg [dreg:$0x1];
	p0 =	sne.s32 s2, $0x0  }
0x1a4: {  	s3 =	rddreg [dreg:$0x2];
	[bflag:$0x3] =	sbarrier.arrive $0xFFFF;
	s2 =	simm.s32 @!p0 $0x1C03  }
0x1a5: {  	[timem:s3], [sflag:s2] =	dma.local @!p0 [hbm:s0], s1  }
0x1a6: {  	s0 =	simm.s32 @!p0 $0x3  }
0x1a7: {  	_ =	swait.ge @!p0 [sflag:s0], s1  }
0x1a8: {  	s1 =	ssub.s32 @!p0 $0x0, s1;
	[sflag:s0] =	ssyncset.done @!p0 $0x0  }
0x1a9: {  	[sflag:s0] =	ssyncadd.s32 @!p0 s1  }
0x1aa: {  	[bflag:$0x3] =	sbarrier.arrive $0xFFFF  }
0x1ab: {  	_ =	shalt  }

</sc_bundles>
